<compile_context>
chip_gen: v7x
topology: tpu7x:2x2x1
jax: 0.10.2.dev20260603
libtpu: 0.0.44.dev20260713+nightly
codegen_flags: <defaults>
</compile_context>

<pallas_src>
import functools

import jax
import jax.numpy as jnp
from jax import lax
from jax.experimental import pallas as pl
from jax.experimental.pallas import tpu as pltpu
from jax.experimental.pallas import tpu_sc as plsc

N = 10000
D = 128
E = 320000
NC = 2
NS = 16
NW = NC * NS
EPT = E // NW
CHUNK = 80
NCHUNK = EPT // CHUNK
NG = 5
GC = NCHUNK // NG
NP = 10240
RPT = NP // NS


def _sc_agg_body(with_deg, chunk, nbuf, islots, feat, srcs, dsts, *rest):
    nchunk = EPT // chunk
    if with_deg:
        agg_out, deg_out, src_v, dst_v, rows_v, agg_sh, *sems = rest
        deg_v = sems.pop()
    else:
        agg_out, src_v, dst_v, rows_v, agg_sh, *sems = rest
    c = lax.axis_index("c")
    s = lax.axis_index("s")
    wid = c * NS + s
    zero16 = jnp.zeros((16,), jnp.float32)
    ones16 = jnp.full((16,), 1.0, jnp.float32)

    def zrow_body(r, carry):
        for q in range(D // 16):
            rows_v[0, r, pl.ds(q * 16, 16)] = zero16
        return carry

    lax.fori_loop(0, chunk, zrow_body, 0)
    for b in range(RPT // chunk):
        pltpu.sync_copy(rows_v.at[0],
                        agg_sh.at[pl.ds(s * RPT + b * chunk, chunk)])

    if with_deg:
        def zdeg_body(r, carry):
            deg_v[pl.ds(r * 16, 16)] = zero16
            return carry

        lax.fori_loop(0, NP // 16, zdeg_body, 0)

    plsc.subcore_barrier()

    def slot(j):
        return 0 if islots == 1 else (j // GC) % islots

    def start_gather(j, buf):
        pltpu.async_copy(feat.at[src_v.at[slot(j), j % GC]],
                         rows_v.at[buf], sems[buf])

    def wait_gather(buf):
        pltpu.make_async_copy(feat.at[src_v.at[0, 0]], rows_v.at[buf],
                              sems[buf]).wait()

    def scatter(j, buf):
        pltpu.sync_copy(rows_v.at[buf],
                        agg_sh.at[dst_v.at[slot(j), j % GC]], add=True)
        if with_deg:
            for q in range(chunk // 16):
                idx = dst_v[0, j % GC, pl.ds(q * 16, 16)]
                plsc.addupdate_scatter(deg_v, [idx], ones16)

    def load_group(g):
        p = 0 if islots == 1 else g % islots
        pltpu.sync_copy(srcs.at[wid, g], src_v.at[p])
        pltpu.sync_copy(dsts.at[wid, g], dst_v.at[p])

    load_group(0)
    for k in range(nbuf - 1):
        start_gather(k, k)

    def step(j, buf):
        jn = j + nbuf - 1
        nb = (buf + nbuf - 1) % nbuf
        boundary = jn % GC == 0
        at_end = jn >= nchunk

        @pl.when(jnp.logical_and(~at_end, ~boundary))
        def _():
            start_gather(jn, nb)

        wait_gather(buf)
        scatter(j, buf)

        @pl.when(jnp.logical_and(~at_end, boundary))
        def _():
            load_group(jn // GC)
            start_gather(jn, nb)

    def block_body(t, carry):
        for k in range(nbuf):
            step(nbuf * t + k, k)
        return carry

    lax.fori_loop(0, nchunk // nbuf, block_body, 0)
    for j in range(nbuf * (nchunk // nbuf), nchunk):
        wait_gather(j % nbuf)
        scatter(j, j % nbuf)
    plsc.subcore_barrier()

    base = s * RPT
    pltpu.sync_copy(agg_sh.at[pl.ds(base, RPT)],
                    agg_out.at[c, pl.ds(base, RPT)])
    if with_deg:
        pltpu.sync_copy(deg_v, deg_out.at[c, s])


def _make_sc_agg(with_deg, chunk, nbuf, islots):
    ng = EPT // (GC * chunk)
    out_types = [jax.ShapeDtypeStruct((NC, NP, D), jnp.float32)]
    scratch = [
        pltpu.VMEM((islots, GC, chunk), jnp.int32),
        pltpu.VMEM((islots, GC, chunk), jnp.int32),
        pltpu.VMEM((nbuf, chunk, D), jnp.float32),
        pltpu.VMEM_SHARED((NP, D), jnp.float32),
    ] + [pltpu.SemaphoreType.DMA] * nbuf
    if with_deg:
        out_types.append(jax.ShapeDtypeStruct((NC, NS, NP), jnp.float32))
        scratch.append(pltpu.VMEM((NP,), jnp.float32))
    mesh = plsc.VectorSubcoreMesh(core_axis_name="c", subcore_axis_name="s")
    return pl.kernel(
        functools.partial(_sc_agg_body, with_deg, chunk, nbuf, islots),
        out_type=tuple(out_types) if with_deg else out_types[0],
        mesh=mesh,
        scratch_types=scratch,
        compiler_params=pltpu.CompilerParams(needs_layout_passes=False),
    ), ng


CHUNK1, NBUF1, ISL1 = 80, 2, 1
CHUNK2, NBUF2, ISL2 = 80, 2, 1
_sc_agg_deg, NG1 = _make_sc_agg(True, CHUNK1, NBUF1, ISL1)
_sc_agg, NG2 = _make_sc_agg(False, CHUNK2, NBUF2, ISL2)


def _tc_layer_body(do_relu, ap, dt, xr, wl, bb, wr, out):
    a = ap[...]
    deg = jnp.maximum(jnp.sum(dt[...], axis=1, keepdims=True), 1.0)
    mean = (a[0] + a[1]) / deg
    acc = jnp.dot(mean, wl[...], preferred_element_type=jnp.float32)
    acc = acc + jnp.dot(xr[...], wr[...], preferred_element_type=jnp.float32)
    acc = acc + bb[...]
    if do_relu:
        acc = jnp.maximum(acc, 0.0)
    out[...] = acc


def _tc_layer(aggp, degT, xin, WlT, b2d, WrT, do_relu):
    R = 1000
    fm = lambda i: (i, 0)
    f0 = lambda i: (0, 0)
    return pl.pallas_call(
        functools.partial(_tc_layer_body, do_relu),
        grid=(N // R,),
        in_specs=[
            pl.BlockSpec((NC, R, D), lambda i: (0, i, 0)),
            pl.BlockSpec((R, NW), fm),
            pl.BlockSpec((R, D), fm),
            pl.BlockSpec((D, D), f0),
            pl.BlockSpec((1, D), f0),
            pl.BlockSpec((D, D), f0),
        ],
        out_specs=pl.BlockSpec((R, D), fm),
        out_shape=jax.ShapeDtypeStruct((N, D), jnp.float32),
    )(aggp, degT, xin, WlT, b2d, WrT)


def kernel(x, edge_index, W_l1, b_l1, W_r1, W_l2, b_l2, W_r2):
    ei = edge_index.astype(jnp.int32)
    src1 = ei[0].reshape(NW, NG1, GC, CHUNK1)
    dst1 = ei[1].reshape(NW, NG1, GC, CHUNK1)
    src2 = ei[0].reshape(NW, NG2, GC, CHUNK2)
    dst2 = ei[1].reshape(NW, NG2, GC, CHUNK2)

    agg_x, degp = _sc_agg_deg(x, src1, dst1)
    degT = degp.reshape(NW, NP).T[:N]

    h = _tc_layer(agg_x, degT, x, W_l1.T, b_l1.reshape(1, D), W_r1.T, True)
    agg_h = _sc_agg(h, src2, dst2)
    out = _tc_layer(agg_h, degT, h, W_l2.T, b_l2.reshape(1, D), W_r2.T, False)
    return out

# --- scband reference (transcript-rebuilt; emitter-appended) ---
"""Pipeline reference for scband-graph-sageencoder-33432025432488 (READ-ONLY COPY).

The authoritative reference and input builder live on the scoring server;
editing this copy changes nothing except your own understanding.
"""

import jax, jax.numpy as jnp
import numpy as np

N_NODES = 10000
N_EDGES = 320000
D = 128


def setup_inputs(seed: int = 0) -> dict:
    key = jax.random.key(seed)
    ks = jax.random.split(key, 8)
    x = jax.random.normal(ks[0], (N_NODES, D), dtype=jnp.float32)
    edge_index = jax.random.randint(ks[1], (2, N_EDGES), 0, N_NODES, dtype=jnp.int64)
    s = 1.0 / np.sqrt(D)
    W_l1 = jax.random.uniform(ks[2], (D, D), minval=-s, maxval=s, dtype=jnp.float32)
    b_l1 = jnp.zeros((D,), dtype=jnp.float32)
    W_r1 = jax.random.uniform(ks[3], (D, D), minval=-s, maxval=s, dtype=jnp.float32)
    W_l2 = jax.random.uniform(ks[4], (D, D), minval=-s, maxval=s, dtype=jnp.float32)
    b_l2 = jnp.zeros((D,), dtype=jnp.float32)
    W_r2 = jax.random.uniform(ks[5], (D, D), minval=-s, maxval=s, dtype=jnp.float32)
    return {"x": x, "edge_index": edge_index, "W_l1": W_l1, "b_l1": b_l1, "W_r1": W_r1, "W_l2": W_l2, "b_l2": b_l2, "W_r2": W_r2}


def _sage_conv(x, src, dst, W_l, b_l, W_r):
    # message: gather source node features along each edge
    msgs = jnp.take(x, src, axis=0)
    # mean aggregation to destination nodes (scatter-add + degree normalize)
    agg = jax.ops.segment_sum(msgs, dst, num_segments=N_NODES)
    deg = jax.ops.segment_sum(jnp.ones((src.shape[0],), dtype=x.dtype), dst, num_segments=N_NODES)
    mean = agg / jnp.clip(deg, 1.0)[:, None]
    # out = lin_l(mean_aggr) + lin_r(x)  (PyG SAGEConv, aggr='mean')
    return mean @ W_l.T + b_l + x @ W_r.T


def reference(x, edge_index, W_l1, b_l1, W_r1, W_l2, b_l2, W_r2):
    src = edge_index[0]
    dst = edge_index[1]
    h = _sage_conv(x, src, dst, W_l1, b_l1, W_r1)
    h = jax.nn.relu(h)
    # dropout p=0.0 -> identity
    out = _sage_conv(h, src, dst, W_l2, b_l2, W_r2)
    return out

if __name__ == "__main__":
    import jax
    _d = setup_inputs()
    print(jax.jit(kernel)(*tuple(_d.values())))

</pallas_src>

<mosaic_0001>
#map = affine_map<(d0, d1) -> (0, 0)>
#map1 = affine_map<(d0, d1) -> (0, 0, 0, 0)>
#map2 = affine_map<(d0, d1) -> (0, 0, 0)>
module attributes {stable_mosaic.version = 14 : i64} {
  func.func @_sc_agg_body(%arg0: i32, %arg1: i32, %arg2: memref<10000x128xf32, #tpu.memory_space<hbm>>, %arg3: memref<32x5x25x80xi32, #tpu.memory_space<hbm>>, %arg4: memref<32x5x25x80xi32, #tpu.memory_space<hbm>>, %arg5: memref<2x10240x128xf32, #tpu.memory_space<hbm>>, %arg6: memref<1x25x80xi32, #tpu.memory_space<vmem>>, %arg7: memref<1x25x80xi32, #tpu.memory_space<vmem>>, %arg8: memref<2x80x128xf32, #tpu.memory_space<vmem>>, %arg9: memref<10240x128xf32, #tpu.memory_space<vmem_shared>>, %arg10: memref<!tpu.dma_semaphore, #tpu.memory_space<semaphore_mem>>, %arg11: memref<!tpu.dma_semaphore, #tpu.memory_space<semaphore_mem>>) attributes {dimension_semantics = [#tpu.dimension_semantics<core_parallel>, #tpu.dimension_semantics<subcore_parallel>], iteration_bounds = array<i64: 2, 16>, scalar_prefetch = 0 : i64, scratch_operands = 6 : i64, tpu.core_type = #tpu.core_type<sc_vector_subcore>, window_params = [{transform_indices = #map}, {transform_indices = #map1}, {transform_indices = #map1}, {transform_indices = #map2}]} {
    %mul3A = arith.constant 16 : i32
    %mul3A_0 = arith.muli %arg0, %mul3A : i32
    %add3A = arith.addi %mul3A_0, %arg1 : i32
    %broadcast_in_dim3A = arith.constant 0.000000e+00 : f32
    %broadcast_in_dim3A_1 = vector.broadcast %broadcast_in_dim3A : f32 to vector<16xf32>
    %broadcast_in_dim3A_2 = arith.constant 1.000000e+00 : f32
    %broadcast_in_dim3A_3 = vector.broadcast %broadcast_in_dim3A_2 : f32 to vector<16xf32>
    %scan3A = arith.constant 0 : i32
    %scan3A_4 = arith.constant 0 : i32
    %scan3A_5 = arith.constant 80 : i32
    %scan3A_6 = arith.addi %scan3A_4, %scan3A_5 : i32
    %scan3A_7 = arith.constant 1 : i32
    scf.for %scan3A_88 = %scan3A_4 to %scan3A_6 step %scan3A_7  : i32 {
      %swap3A = arith.constant 0 : i32
      %swap3A_89 = arith.index_cast %swap3A : i32 to index
      %swap3A_90 = arith.index_cast %scan3A_88 : i32 to index
      %swap3A_91 = arith.constant 0 : index
      %swap3A_92 = tpu.vector_load %arg8[%swap3A_89, %swap3A_90, %swap3A_91] {strides = array<i32>} : memref<2x80x128xf32, #tpu.memory_space<vmem>>, vector<16xf32>,
      tpu.vector_store %arg8[%swap3A_89, %swap3A_90, %swap3A_91], %broadcast_in_dim3A_1 {strides = array<i32>} : memref<2x80x128xf32, #tpu.memory_space<vmem>>, vector<16xf32>,
      %swap3A_93 = arith.constant 0 : i32
      %swap3A_94 = arith.index_cast %swap3A_93 : i32 to index
      %swap3A_95 = arith.index_cast %scan3A_88 : i32 to index
      %swap3A_96 = arith.constant 16 : index
      %swap3A_97 = tpu.vector_load %arg8[%swap3A_94, %swap3A_95, %swap3A_96] {strides = array<i32>} : memref<2x80x128xf32, #tpu.memory_space<vmem>>, vector<16xf32>,
      tpu.vector_store %arg8[%swap3A_94, %swap3A_95, %swap3A_96], %broadcast_in_dim3A_1 {strides = array<i32>} : memref<2x80x128xf32, #tpu.memory_space<vmem>>, vector<16xf32>,
      %swap3A_98 = arith.constant 0 : i32
      %swap3A_99 = arith.index_cast %swap3A_98 : i32 to index
      %swap3A_100 = arith.index_cast %scan3A_88 : i32 to index
      %swap3A_101 = arith.constant 32 : index
      %swap3A_102 = tpu.vector_load %arg8[%swap3A_99, %swap3A_100, %swap3A_101] {strides = array<i32>} : memref<2x80x128xf32, #tpu.memory_space<vmem>>, vector<16xf32>,
      tpu.vector_store %arg8[%swap3A_99, %swap3A_100, %swap3A_101], %broadcast_in_dim3A_1 {strides = array<i32>} : memref<2x80x128xf32, #tpu.memory_space<vmem>>, vector<16xf32>,
      %swap3A_103 = arith.constant 0 : i32
      %swap3A_104 = arith.index_cast %swap3A_103 : i32 to index
      %swap3A_105 = arith.index_cast %scan3A_88 : i32 to index
      %swap3A_106 = arith.constant 48 : index
      %swap3A_107 = tpu.vector_load %arg8[%swap3A_104, %swap3A_105, %swap3A_106] {strides = array<i32>} : memref<2x80x128xf32, #tpu.memory_space<vmem>>, vector<16xf32>,
      tpu.vector_store %arg8[%swap3A_104, %swap3A_105, %swap3A_106], %broadcast_in_dim3A_1 {strides = array<i32>} : memref<2x80x128xf32, #tpu.memory_space<vmem>>, vector<16xf32>,
      %swap3A_108 = arith.constant 0 : i32
      %swap3A_109 = arith.index_cast %swap3A_108 : i32 to index
      %swap3A_110 = arith.index_cast %scan3A_88 : i32 to index
      %swap3A_111 = arith.constant 64 : index
      %swap3A_112 = tpu.vector_load %arg8[%swap3A_109, %swap3A_110, %swap3A_111] {strides = array<i32>} : memref<2x80x128xf32, #tpu.memory_space<vmem>>, vector<16xf32>,
      tpu.vector_store %arg8[%swap3A_109, %swap3A_110, %swap3A_111], %broadcast_in_dim3A_1 {strides = array<i32>} : memref<2x80x128xf32, #tpu.memory_space<vmem>>, vector<16xf32>,
      %swap3A_113 = arith.constant 0 : i32
      %swap3A_114 = arith.index_cast %swap3A_113 : i32 to index
      %swap3A_115 = arith.index_cast %scan3A_88 : i32 to index
      %swap3A_116 = arith.constant 80 : index
      %swap3A_117 = tpu.vector_load %arg8[%swap3A_114, %swap3A_115, %swap3A_116] {strides = array<i32>} : memref<2x80x128xf32, #tpu.memory_space<vmem>>, vector<16xf32>,
      tpu.vector_store %arg8[%swap3A_114, %swap3A_115, %swap3A_116], %broadcast_in_dim3A_1 {strides = array<i32>} : memref<2x80x128xf32, #tpu.memory_space<vmem>>, vector<16xf32>,
      %swap3A_118 = arith.constant 0 : i32
      %swap3A_119 = arith.index_cast %swap3A_118 : i32 to index
      %swap3A_120 = arith.index_cast %scan3A_88 : i32 to index
      %swap3A_121 = arith.constant 96 : index
      %swap3A_122 = tpu.vector_load %arg8[%swap3A_119, %swap3A_120, %swap3A_121] {strides = array<i32>} : memref<2x80x128xf32, #tpu.memory_space<vmem>>, vector<16xf32>,
      tpu.vector_store %arg8[%swap3A_119, %swap3A_120, %swap3A_121], %broadcast_in_dim3A_1 {strides = array<i32>} : memref<2x80x128xf32, #tpu.memory_space<vmem>>, vector<16xf32>,
      %swap3A_123 = arith.constant 0 : i32
      %swap3A_124 = arith.index_cast %swap3A_123 : i32 to index
      %swap3A_125 = arith.index_cast %scan3A_88 : i32 to index
      %swap3A_126 = arith.constant 112 : index
      %swap3A_127 = tpu.vector_load %arg8[%swap3A_124, %swap3A_125, %swap3A_126] {strides = array<i32>} : memref<2x80x128xf32, #tpu.memory_space<vmem>>, vector<16xf32>,
      tpu.vector_store %arg8[%swap3A_124, %swap3A_125, %swap3A_126], %broadcast_in_dim3A_1 {strides = array<i32>} : memref<2x80x128xf32, #tpu.memory_space<vmem>>, vector<16xf32>,
    }
    %scan3A_8 = arith.constant 80 : i32
    %mul3A_9 = arith.constant 640 : i32
    %mul3A_10 = arith.muli %arg1, %mul3A_9 : i32
    %add3A_11 = arith.constant 0 : i32
    %add3A_12 = arith.addi %mul3A_10, %add3A_11 : i32
    %run_scoped3A = arith.constant 0 : i32
    "tpu.region"() ({
      %run_scoped3A_88 = tpu.sem_alloc : memref<!tpu.dma_semaphore, #tpu.memory_space<semaphore_mem>>
      %dma_start3A_89 = arith.constant 0 : i32
      %dma_start3A_90 = arith.constant 0 : i32
      %dma_start3A_91 = tpu.memref_slice %arg8[%run_scoped3A, %dma_start3A_89, %dma_start3A_90] : memref<2x80x128xf32, #tpu.memory_space<vmem>> -> memref<1x80x128xf32, #tpu.memory_space<vmem>>
      %dma_start3A_92 = tpu.memref_squeeze %dma_start3A_91 : memref<1x80x128xf32, #tpu.memory_space<vmem>> -> memref<80x128xf32, #tpu.memory_space<vmem>>
      %dma_start3A_93 = arith.constant 0 : i32
      %dma_start3A_94 = tpu.memref_slice %arg9[%add3A_12, %dma_start3A_93] : memref<10240x128xf32, #tpu.memory_space<vmem_shared>> -> memref<80x128xf32, #tpu.memory_space<vmem_shared>>
      %dma_start3A_95 = arith.constant 0 : i32
      %dma_start3A_96 = tpu.memref_slice %arg9[%add3A_12, %dma_start3A_95] : memref<10240x128xf32, #tpu.memory_space<vmem_shared>> -> memref<80x128xf32, #tpu.memory_space<vmem_shared>>
      %dma_start3A_97 = arith.constant 0 : i32
      %dma_start3A_98 = arith.constant 0 : i32
      %dma_start3A_99 = tpu.memref_slice %arg8[%run_scoped3A, %dma_start3A_97, %dma_start3A_98] : memref<2x80x128xf32, #tpu.memory_space<vmem>> -> memref<1x80x128xf32, #tpu.memory_space<vmem>>
      %dma_start3A_100 = tpu.memref_squeeze %dma_start3A_99 : memref<1x80x128xf32, #tpu.memory_space<vmem>> -> memref<80x128xf32, #tpu.memory_space<vmem>>
      tpu.enqueue_dma source(%dma_start3A_100 : memref<80x128xf32, #tpu.memory_space<vmem>>) target(%dma_start3A_96 : memref<80x128xf32, #tpu.memory_space<vmem_shared>>) target_semaphore(%run_scoped3A_88 : memref<!tpu.dma_semaphore, #tpu.memory_space<semaphore_mem>>)
      %dma_wait3A_101 = arith.constant 0 : i32
      %dma_wait3A_102 = arith.constant 0 : i32
      %dma_wait3A_103 = tpu.memref_slice %arg8[%run_scoped3A, %dma_wait3A_101, %dma_wait3A_102] : memref<2x80x128xf32, #tpu.memory_space<vmem>> -> memref<1x80x128xf32, #tpu.memory_space<vmem>>
      %dma_wait3A_104 = tpu.memref_squeeze %dma_wait3A_103 : memref<1x80x128xf32, #tpu.memory_space<vmem>> -> memref<80x128xf32, #tpu.memory_space<vmem>>
      %dma_wait3A_105 = arith.constant 0 : i32
      %dma_wait3A_106 = tpu.memref_slice %arg9[%add3A_12, %dma_wait3A_105] : memref<10240x128xf32, #tpu.memory_space<vmem_shared>> -> memref<80x128xf32, #tpu.memory_space<vmem_shared>>
      %dma_wait3A_107 = arith.constant 0 : i32
      %dma_wait3A_108 = tpu.memref_slice %arg9[%add3A_12, %dma_wait3A_107] : memref<10240x128xf32, #tpu.memory_space<vmem_shared>> -> memref<80x128xf32, #tpu.memory_space<vmem_shared>>
      %dma_wait3A_109 = arith.constant 0 : i32
      %dma_wait3A_110 = arith.constant 0 : i32
      %dma_wait3A_111 = tpu.memref_slice %arg8[%run_scoped3A, %dma_wait3A_109, %dma_wait3A_110] : memref<2x80x128xf32, #tpu.memory_space<vmem>> -> memref<1x80x128xf32, #tpu.memory_space<vmem>>
      %dma_wait3A_112 = tpu.memref_squeeze %dma_wait3A_111 : memref<1x80x128xf32, #tpu.memory_space<vmem>> -> memref<80x128xf32, #tpu.memory_space<vmem>>
      tpu.wait_dma2 semaphore(%run_scoped3A_88 : memref<!tpu.dma_semaphore, #tpu.memory_space<semaphore_mem>>) src(%dma_wait3A_112 : memref<80x128xf32, #tpu.memory_space<vmem>>) dst(%dma_wait3A_108 : memref<80x128xf32, #tpu.memory_space<vmem_shared>>)
      tpu.yield
    }) : () -> ()
    %mul3A_13 = arith.constant 640 : i32
    %mul3A_14 = arith.muli %arg1, %mul3A_13 : i32
    %add3A_15 = arith.constant 80 : i32
    %add3A_16 = arith.addi %mul3A_14, %add3A_15 : i32
    %run_scoped3A_17 = arith.constant 0 : i32
    "tpu.region"() ({
      %run_scoped3A_88 = tpu.sem_alloc : memref<!tpu.dma_semaphore, #tpu.memory_space<semaphore_mem>>
      %dma_start3A_89 = arith.constant 0 : i32
      %dma_start3A_90 = arith.constant 0 : i32
      %dma_start3A_91 = tpu.memref_slice %arg8[%run_scoped3A_17, %dma_start3A_89, %dma_start3A_90] : memref<2x80x128xf32, #tpu.memory_space<vmem>> -> memref<1x80x128xf32, #tpu.memory_space<vmem>>
      %dma_start3A_92 = tpu.memref_squeeze %dma_start3A_91 : memref<1x80x128xf32, #tpu.memory_space<vmem>> -> memref<80x128xf32, #tpu.memory_space<vmem>>
      %dma_start3A_93 = arith.constant 0 : i32
      %dma_start3A_94 = tpu.memref_slice %arg9[%add3A_16, %dma_start3A_93] : memref<10240x128xf32, #tpu.memory_space<vmem_shared>> -> memref<80x128xf32, #tpu.memory_space<vmem_shared>>
      %dma_start3A_95 = arith.constant 0 : i32
      %dma_start3A_96 = tpu.memref_slice %arg9[%add3A_16, %dma_start3A_95] : memref<10240x128xf32, #tpu.memory_space<vmem_shared>> -> memref<80x128xf32, #tpu.memory_space<vmem_shared>>
      %dma_start3A_97 = arith.constant 0 : i32
      %dma_start3A_98 = arith.constant 0 : i32
      %dma_start3A_99 = tpu.memref_slice %arg8[%run_scoped3A_17, %dma_start3A_97, %dma_start3A_98] : memref<2x80x128xf32, #tpu.memory_space<vmem>> -> memref<1x80x128xf32, #tpu.memory_space<vmem>>
      %dma_start3A_100 = tpu.memref_squeeze %dma_start3A_99 : memref<1x80x128xf32, #tpu.memory_space<vmem>> -> memref<80x128xf32, #tpu.memory_space<vmem>>
      tpu.enqueue_dma source(%dma_start3A_100 : memref<80x128xf32, #tpu.memory_space<vmem>>) target(%dma_start3A_96 : memref<80x128xf32, #tpu.memory_space<vmem_shared>>) target_semaphore(%run_scoped3A_88 : memref<!tpu.dma_semaphore, #tpu.memory_space<semaphore_mem>>)
      %dma_wait3A_101 = arith.constant 0 : i32
      %dma_wait3A_102 = arith.constant 0 : i32
      %dma_wait3A_103 = tpu.memref_slice %arg8[%run_scoped3A_17, %dma_wait3A_101, %dma_wait3A_102] : memref<2x80x128xf32, #tpu.memory_space<vmem>> -> memref<1x80x128xf32, #tpu.memory_space<vmem>>
      %dma_wait3A_104 = tpu.memref_squeeze %dma_wait3A_103 : memref<1x80x128xf32, #tpu.memory_space<vmem>> -> memref<80x128xf32, #tpu.memory_space<vmem>>
      %dma_wait3A_105 = arith.constant 0 : i32
      %dma_wait3A_106 = tpu.memref_slice %arg9[%add3A_16, %dma_wait3A_105] : memref<10240x128xf32, #tpu.memory_space<vmem_shared>> -> memref<80x128xf32, #tpu.memory_space<vmem_shared>>
      %dma_wait3A_107 = arith.constant 0 : i32
      %dma_wait3A_108 = tpu.memref_slice %arg9[%add3A_16, %dma_wait3A_107] : memref<10240x128xf32, #tpu.memory_space<vmem_shared>> -> memref<80x128xf32, #tpu.memory_space<vmem_shared>>
      %dma_wait3A_109 = arith.constant 0 : i32
      %dma_wait3A_110 = arith.constant 0 : i32
      %dma_wait3A_111 = tpu.memref_slice %arg8[%run_scoped3A_17, %dma_wait3A_109, %dma_wait3A_110] : memref<2x80x128xf32, #tpu.memory_space<vmem>> -> memref<1x80x128xf32, #tpu.memory_space<vmem>>
      %dma_wait3A_112 = tpu.memref_squeeze %dma_wait3A_111 : memref<1x80x128xf32, #tpu.memory_space<vmem>> -> memref<80x128xf32, #tpu.memory_space<vmem>>
      tpu.wait_dma2 semaphore(%run_scoped3A_88 : memref<!tpu.dma_semaphore, #tpu.memory_space<semaphore_mem>>) src(%dma_wait3A_112 : memref<80x128xf32, #tpu.memory_space<vmem>>) dst(%dma_wait3A_108 : memref<80x128xf32, #tpu.memory_space<vmem_shared>>)
      tpu.yield
    }) : () -> ()
    %mul3A_18 = arith.constant 640 : i32
    %mul3A_19 = arith.muli %arg1, %mul3A_18 : i32
    %add3A_20 = arith.constant 160 : i32
    %add3A_21 = arith.addi %mul3A_19, %add3A_20 : i32
    %run_scoped3A_22 = arith.constant 0 : i32
    "tpu.region"() ({
      %run_scoped3A_88 = tpu.sem_alloc : memref<!tpu.dma_semaphore, #tpu.memory_space<semaphore_mem>>
      %dma_start3A_89 = arith.constant 0 : i32
      %dma_start3A_90 = arith.constant 0 : i32
      %dma_start3A_91 = tpu.memref_slice %arg8[%run_scoped3A_22, %dma_start3A_89, %dma_start3A_90] : memref<2x80x128xf32, #tpu.memory_space<vmem>> -> memref<1x80x128xf32, #tpu.memory_space<vmem>>
      %dma_start3A_92 = tpu.memref_squeeze %dma_start3A_91 : memref<1x80x128xf32, #tpu.memory_space<vmem>> -> memref<80x128xf32, #tpu.memory_space<vmem>>
      %dma_start3A_93 = arith.constant 0 : i32
      %dma_start3A_94 = tpu.memref_slice %arg9[%add3A_21, %dma_start3A_93] : memref<10240x128xf32, #tpu.memory_space<vmem_shared>> -> memref<80x128xf32, #tpu.memory_space<vmem_shared>>
      %dma_start3A_95 = arith.constant 0 : i32
      %dma_start3A_96 = tpu.memref_slice %arg9[%add3A_21, %dma_start3A_95] : memref<10240x128xf32, #tpu.memory_space<vmem_shared>> -> memref<80x128xf32, #tpu.memory_space<vmem_shared>>
      %dma_start3A_97 = arith.constant 0 : i32
      %dma_start3A_98 = arith.constant 0 : i32
      %dma_start3A_99 = tpu.memref_slice %arg8[%run_scoped3A_22, %dma_start3A_97, %dma_start3A_98] : memref<2x80x128xf32, #tpu.memory_space<vmem>> -> memref<1x80x128xf32, #tpu.memory_space<vmem>>
      %dma_start3A_100 = tpu.memref_squeeze %dma_start3A_99 : memref<1x80x128xf32, #tpu.memory_space<vmem>> -> memref<80x128xf32, #tpu.memory_space<vmem>>
      tpu.enqueue_dma source(%dma_start3A_100 : memref<80x128xf32, #tpu.memory_space<vmem>>) target(%dma_start3A_96 : memref<80x128xf32, #tpu.memory_space<vmem_shared>>) target_semaphore(%run_scoped3A_88 : memref<!tpu.dma_semaphore, #tpu.memory_space<semaphore_mem>>)
      %dma_wait3A_101 = arith.constant 0 : i32
      %dma_wait3A_102 = arith.constant 0 : i32
      %dma_wait3A_103 = tpu.memref_slice %arg8[%run_scoped3A_22, %dma_wait3A_101, %dma_wait3A_102] : memref<2x80x128xf32, #tpu.memory_space<vmem>> -> memref<1x80x128xf32, #tpu.memory_space<vmem>>
      %dma_wait3A_104 = tpu.memref_squeeze %dma_wait3A_103 : memref<1x80x128xf32, #tpu.memory_space<vmem>> -> memref<80x128xf32, #tpu.memory_space<vmem>>
      %dma_wait3A_105 = arith.constant 0 : i32
      %dma_wait3A_106 = tpu.memref_slice %arg9[%add3A_21, %dma_wait3A_105] : memref<10240x128xf32, #tpu.memory_space<vmem_shared>> -> memref<80x128xf32, #tpu.memory_space<vmem_shared>>
      %dma_wait3A_107 = arith.constant 0 : i32
      %dma_wait3A_108 = tpu.memref_slice %arg9[%add3A_21, %dma_wait3A_107] : memref<10240x128xf32, #tpu.memory_space<vmem_shared>> -> memref<80x128xf32, #tpu.memory_space<vmem_shared>>
      %dma_wait3A_109 = arith.constant 0 : i32
      %dma_wait3A_110 = arith.constant 0 : i32
      %dma_wait3A_111 = tpu.memref_slice %arg8[%run_scoped3A_22, %dma_wait3A_109, %dma_wait3A_110] : memref<2x80x128xf32, #tpu.memory_space<vmem>> -> memref<1x80x128xf32, #tpu.memory_space<vmem>>
      %dma_wait3A_112 = tpu.memref_squeeze %dma_wait3A_111 : memref<1x80x128xf32, #tpu.memory_space<vmem>> -> memref<80x128xf32, #tpu.memory_space<vmem>>
      tpu.wait_dma2 semaphore(%run_scoped3A_88 : memref<!tpu.dma_semaphore, #tpu.memory_space<semaphore_mem>>) src(%dma_wait3A_112 : memref<80x128xf32, #tpu.memory_space<vmem>>) dst(%dma_wait3A_108 : memref<80x128xf32, #tpu.memory_space<vmem_shared>>)
      tpu.yield
    }) : () -> ()
    %mul3A_23 = arith.constant 640 : i32
    %mul3A_24 = arith.muli %arg1, %mul3A_23 : i32
    %add3A_25 = arith.constant 240 : i32
    %add3A_26 = arith.addi %mul3A_24, %add3A_25 : i32
    %run_scoped3A_27 = arith.constant 0 : i32
    "tpu.region"() ({
      %run_scoped3A_88 = tpu.sem_alloc : memref<!tpu.dma_semaphore, #tpu.memory_space<semaphore_mem>>
      %dma_start3A_89 = arith.constant 0 : i32
      %dma_start3A_90 = arith.constant 0 : i32
      %dma_start3A_91 = tpu.memref_slice %arg8[%run_scoped3A_27, %dma_start3A_89, %dma_start3A_90] : memref<2x80x128xf32, #tpu.memory_space<vmem>> -> memref<1x80x128xf32, #tpu.memory_space<vmem>>
      %dma_start3A_92 = tpu.memref_squeeze %dma_start3A_91 : memref<1x80x128xf32, #tpu.memory_space<vmem>> -> memref<80x128xf32, #tpu.memory_space<vmem>>
      %dma_start3A_93 = arith.constant 0 : i32
      %dma_start3A_94 = tpu.memref_slice %arg9[%add3A_26, %dma_start3A_93] : memref<10240x128xf32, #tpu.memory_space<vmem_shared>> -> memref<80x128xf32, #tpu.memory_space<vmem_shared>>
      %dma_start3A_95 = arith.constant 0 : i32
      %dma_start3A_96 = tpu.memref_slice %arg9[%add3A_26, %dma_start3A_95] : memref<10240x128xf32, #tpu.memory_space<vmem_shared>> -> memref<80x128xf32, #tpu.memory_space<vmem_shared>>
      %dma_start3A_97 = arith.constant 0 : i32
      %dma_start3A_98 = arith.constant 0 : i32
      %dma_start3A_99 = tpu.memref_slice %arg8[%run_scoped3A_27, %dma_start3A_97, %dma_start3A_98] : memref<2x80x128xf32, #tpu.memory_space<vmem>> -> memref<1x80x128xf32, #tpu.memory_space<vmem>>
      %dma_start3A_100 = tpu.memref_squeeze %dma_start3A_99 : memref<1x80x128xf32, #tpu.memory_space<vmem>> -> memref<80x128xf32, #tpu.memory_space<vmem>>
      tpu.enqueue_dma source(%dma_start3A_100 : memref<80x128xf32, #tpu.memory_space<vmem>>) target(%dma_start3A_96 : memref<80x128xf32, #tpu.memory_space<vmem_shared>>) target_semaphore(%run_scoped3A_88 : memref<!tpu.dma_semaphore, #tpu.memory_space<semaphore_mem>>)
      %dma_wait3A_101 = arith.constant 0 : i32
      %dma_wait3A_102 = arith.constant 0 : i32
      %dma_wait3A_103 = tpu.memref_slice %arg8[%run_scoped3A_27, %dma_wait3A_101, %dma_wait3A_102] : memref<2x80x128xf32, #tpu.memory_space<vmem>> -> memref<1x80x128xf32, #tpu.memory_space<vmem>>
      %dma_wait3A_104 = tpu.memref_squeeze %dma_wait3A_103 : memref<1x80x128xf32, #tpu.memory_space<vmem>> -> memref<80x128xf32, #tpu.memory_space<vmem>>
      %dma_wait3A_105 = arith.constant 0 : i32
      %dma_wait3A_106 = tpu.memref_slice %arg9[%add3A_26, %dma_wait3A_105] : memref<10240x128xf32, #tpu.memory_space<vmem_shared>> -> memref<80x128xf32, #tpu.memory_space<vmem_shared>>
      %dma_wait3A_107 = arith.constant 0 : i32
      %dma_wait3A_108 = tpu.memref_slice %arg9[%add3A_26, %dma_wait3A_107] : memref<10240x128xf32, #tpu.memory_space<vmem_shared>> -> memref<80x128xf32, #tpu.memory_space<vmem_shared>>
      %dma_wait3A_109 = arith.constant 0 : i32
      %dma_wait3A_110 = arith.constant 0 : i32
      %dma_wait3A_111 = tpu.memref_slice %arg8[%run_scoped3A_27, %dma_wait3A_109, %dma_wait3A_110] : memref<2x80x128xf32, #tpu.memory_space<vmem>> -> memref<1x80x128xf32, #tpu.memory_space<vmem>>
      %dma_wait3A_112 = tpu.memref_squeeze %dma_wait3A_111 : memref<1x80x128xf32, #tpu.memory_space<vmem>> -> memref<80x128xf32, #tpu.memory_space<vmem>>
      tpu.wait_dma2 semaphore(%run_scoped3A_88 : memref<!tpu.dma_semaphore, #tpu.memory_space<semaphore_mem>>) src(%dma_wait3A_112 : memref<80x128xf32, #tpu.memory_space<vmem>>) dst(%dma_wait3A_108 : memref<80x128xf32, #tpu.memory_space<vmem_shared>>)
      tpu.yield
    }) : () -> ()
    %mul3A_28 = arith.constant 640 : i32
    %mul3A_29 = arith.muli %arg1, %mul3A_28 : i32
    %add3A_30 = arith.constant 320 : i32
    %add3A_31 = arith.addi %mul3A_29, %add3A_30 : i32
    %run_scoped3A_32 = arith.constant 0 : i32
    "tpu.region"() ({
      %run_scoped3A_88 = tpu.sem_alloc : memref<!tpu.dma_semaphore, #tpu.memory_space<semaphore_mem>>
      %dma_start3A_89 = arith.constant 0 : i32
      %dma_start3A_90 = arith.constant 0 : i32
      %dma_start3A_91 = tpu.memref_slice %arg8[%run_scoped3A_32, %dma_start3A_89, %dma_start3A_90] : memref<2x80x128xf32, #tpu.memory_space<vmem>> -> memref<1x80x128xf32, #tpu.memory_space<vmem>>
      %dma_start3A_92 = tpu.memref_squeeze %dma_start3A_91 : memref<1x80x128xf32, #tpu.memory_space<vmem>> -> memref<80x128xf32, #tpu.memory_space<vmem>>
      %dma_start3A_93 = arith.constant 0 : i32
      %dma_start3A_94 = tpu.memref_slice %arg9[%add3A_31, %dma_start3A_93] : memref<10240x128xf32, #tpu.memory_space<vmem_shared>> -> memref<80x128xf32, #tpu.memory_space<vmem_shared>>
      %dma_start3A_95 = arith.constant 0 : i32
      %dma_start3A_96 = tpu.memref_slice %arg9[%add3A_31, %dma_start3A_95] : memref<10240x128xf32, #tpu.memory_space<vmem_shared>> -> memref<80x128xf32, #tpu.memory_space<vmem_shared>>
      %dma_start3A_97 = arith.constant 0 : i32
      %dma_start3A_98 = arith.constant 0 : i32
      %dma_start3A_99 = tpu.memref_slice %arg8[%run_scoped3A_32, %dma_start3A_97, %dma_start3A_98] : memref<2x80x128xf32, #tpu.memory_space<vmem>> -> memref<1x80x128xf32, #tpu.memory_space<vmem>>
      %dma_start3A_100 = tpu.memref_squeeze %dma_start3A_99 : memref<1x80x128xf32, #tpu.memory_space<vmem>> -> memref<80x128xf32, #tpu.memory_space<vmem>>
      tpu.enqueue_dma source(%dma_start3A_100 : memref<80x128xf32, #tpu.memory_space<vmem>>) target(%dma_start3A_96 : memref<80x128xf32, #tpu.memory_space<vmem_shared>>) target_semaphore(%run_scoped3A_88 : memref<!tpu.dma_semaphore, #tpu.memory_space<semaphore_mem>>)
      %dma_wait3A_101 = arith.constant 0 : i32
      %dma_wait3A_102 = arith.constant 0 : i32
      %dma_wait3A_103 = tpu.memref_slice %arg8[%run_scoped3A_32, %dma_wait3A_101, %dma_wait3A_102] : memref<2x80x128xf32, #tpu.memory_space<vmem>> -> memref<1x80x128xf32, #tpu.memory_space<vmem>>
      %dma_wait3A_104 = tpu.memref_squeeze %dma_wait3A_103 : memref<1x80x128xf32, #tpu.memory_space<vmem>> -> memref<80x128xf32, #tpu.memory_space<vmem>>
      %dma_wait3A_105 = arith.constant 0 : i32
      %dma_wait3A_106 = tpu.memref_slice %arg9[%add3A_31, %dma_wait3A_105] : memref<10240x128xf32, #tpu.memory_space<vmem_shared>> -> memref<80x128xf32, #tpu.memory_space<vmem_shared>>
      %dma_wait3A_107 = arith.constant 0 : i32
      %dma_wait3A_108 = tpu.memref_slice %arg9[%add3A_31, %dma_wait3A_107] : memref<10240x128xf32, #tpu.memory_space<vmem_shared>> -> memref<80x128xf32, #tpu.memory_space<vmem_shared>>
      %dma_wait3A_109 = arith.constant 0 : i32
      %dma_wait3A_110 = arith.constant 0 : i32
      %dma_wait3A_111 = tpu.memref_slice %arg8[%run_scoped3A_32, %dma_wait3A_109, %dma_wait3A_110] : memref<2x80x128xf32, #tpu.memory_space<vmem>> -> memref<1x80x128xf32, #tpu.memory_space<vmem>>
      %dma_wait3A_112 = tpu.memref_squeeze %dma_wait3A_111 : memref<1x80x128xf32, #tpu.memory_space<vmem>> -> memref<80x128xf32, #tpu.memory_space<vmem>>
      tpu.wait_dma2 semaphore(%run_scoped3A_88 : memref<!tpu.dma_semaphore, #tpu.memory_space<semaphore_mem>>) src(%dma_wait3A_112 : memref<80x128xf32, #tpu.memory_space<vmem>>) dst(%dma_wait3A_108 : memref<80x128xf32, #tpu.memory_space<vmem_shared>>)
      tpu.yield
    }) : () -> ()
    %mul3A_33 = arith.constant 640 : i32
    %mul3A_34 = arith.muli %arg1, %mul3A_33 : i32
    %add3A_35 = arith.constant 400 : i32
    %add3A_36 = arith.addi %mul3A_34, %add3A_35 : i32
    %run_scoped3A_37 = arith.constant 0 : i32
    "tpu.region"() ({
      %run_scoped3A_88 = tpu.sem_alloc : memref<!tpu.dma_semaphore, #tpu.memory_space<semaphore_mem>>
      %dma_start3A_89 = arith.constant 0 : i32
      %dma_start3A_90 = arith.constant 0 : i32
      %dma_start3A_91 = tpu.memref_slice %arg8[%run_scoped3A_37, %dma_start3A_89, %dma_start3A_90] : memref<2x80x128xf32, #tpu.memory_space<vmem>> -> memref<1x80x128xf32, #tpu.memory_space<vmem>>
      %dma_start3A_92 = tpu.memref_squeeze %dma_start3A_91 : memref<1x80x128xf32, #tpu.memory_space<vmem>> -> memref<80x128xf32, #tpu.memory_space<vmem>>
      %dma_start3A_93 = arith.constant 0 : i32
      %dma_start3A_94 = tpu.memref_slice %arg9[%add3A_36, %dma_start3A_93] : memref<10240x128xf32, #tpu.memory_space<vmem_shared>> -> memref<80x128xf32, #tpu.memory_space<vmem_shared>>
      %dma_start3A_95 = arith.constant 0 : i32
      %dma_start3A_96 = tpu.memref_slice %arg9[%add3A_36, %dma_start3A_95] : memref<10240x128xf32, #tpu.memory_space<vmem_shared>> -> memref<80x128xf32, #tpu.memory_space<vmem_shared>>
      %dma_start3A_97 = arith.constant 0 : i32
      %dma_start3A_98 = arith.constant 0 : i32
      %dma_start3A_99 = tpu.memref_slice %arg8[%run_scoped3A_37, %dma_start3A_97, %dma_start3A_98] : memref<2x80x128xf32, #tpu.memory_space<vmem>> -> memref<1x80x128xf32, #tpu.memory_space<vmem>>
      %dma_start3A_100 = tpu.memref_squeeze %dma_start3A_99 : memref<1x80x128xf32, #tpu.memory_space<vmem>> -> memref<80x128xf32, #tpu.memory_space<vmem>>
      tpu.enqueue_dma source(%dma_start3A_100 : memref<80x128xf32, #tpu.memory_space<vmem>>) target(%dma_start3A_96 : memref<80x128xf32, #tpu.memory_space<vmem_shared>>) target_semaphore(%run_scoped3A_88 : memref<!tpu.dma_semaphore, #tpu.memory_space<semaphore_mem>>)
      %dma_wait3A_101 = arith.constant 0 : i32
      %dma_wait3A_102 = arith.constant 0 : i32
      %dma_wait3A_103 = tpu.memref_slice %arg8[%run_scoped3A_37, %dma_wait3A_101, %dma_wait3A_102] : memref<2x80x128xf32, #tpu.memory_space<vmem>> -> memref<1x80x128xf32, #tpu.memory_space<vmem>>
      %dma_wait3A_104 = tpu.memref_squeeze %dma_wait3A_103 : memref<1x80x128xf32, #tpu.memory_space<vmem>> -> memref<80x128xf32, #tpu.memory_space<vmem>>
      %dma_wait3A_105 = arith.constant 0 : i32
      %dma_wait3A_106 = tpu.memref_slice %arg9[%add3A_36, %dma_wait3A_105] : memref<10240x128xf32, #tpu.memory_space<vmem_shared>> -> memref<80x128xf32, #tpu.memory_space<vmem_shared>>
      %dma_wait3A_107 = arith.constant 0 : i32
      %dma_wait3A_108 = tpu.memref_slice %arg9[%add3A_36, %dma_wait3A_107] : memref<10240x128xf32, #tpu.memory_space<vmem_shared>> -> memref<80x128xf32, #tpu.memory_space<vmem_shared>>
      %dma_wait3A_109 = arith.constant 0 : i32
      %dma_wait3A_110 = arith.constant 0 : i32
      %dma_wait3A_111 = tpu.memref_slice %arg8[%run_scoped3A_37, %dma_wait3A_109, %dma_wait3A_110] : memref<2x80x128xf32, #tpu.memory_space<vmem>> -> memref<1x80x128xf32, #tpu.memory_space<vmem>>
      %dma_wait3A_112 = tpu.memref_squeeze %dma_wait3A_111 : memref<1x80x128xf32, #tpu.memory_space<vmem>> -> memref<80x128xf32, #tpu.memory_space<vmem>>
      tpu.wait_dma2 semaphore(%run_scoped3A_88 : memref<!tpu.dma_semaphore, #tpu.memory_space<semaphore_mem>>) src(%dma_wait3A_112 : memref<80x128xf32, #tpu.memory_space<vmem>>) dst(%dma_wait3A_108 : memref<80x128xf32, #tpu.memory_space<vmem_shared>>)
      tpu.yield
    }) : () -> ()
    %mul3A_38 = arith.constant 640 : i32
    %mul3A_39 = arith.muli %arg1, %mul3A_38 : i32
    %add3A_40 = arith.constant 480 : i32
    %add3A_41 = arith.addi %mul3A_39, %add3A_40 : i32
    %run_scoped3A_42 = arith.constant 0 : i32
    "tpu.region"() ({
      %run_scoped3A_88 = tpu.sem_alloc : memref<!tpu.dma_semaphore, #tpu.memory_space<semaphore_mem>>
      %dma_start3A_89 = arith.constant 0 : i32
      %dma_start3A_90 = arith.constant 0 : i32
      %dma_start3A_91 = tpu.memref_slice %arg8[%run_scoped3A_42, %dma_start3A_89, %dma_start3A_90] : memref<2x80x128xf32, #tpu.memory_space<vmem>> -> memref<1x80x128xf32, #tpu.memory_space<vmem>>
      %dma_start3A_92 = tpu.memref_squeeze %dma_start3A_91 : memref<1x80x128xf32, #tpu.memory_space<vmem>> -> memref<80x128xf32, #tpu.memory_space<vmem>>
      %dma_start3A_93 = arith.constant 0 : i32
      %dma_start3A_94 = tpu.memref_slice %arg9[%add3A_41, %dma_start3A_93] : memref<10240x128xf32, #tpu.memory_space<vmem_shared>> -> memref<80x128xf32, #tpu.memory_space<vmem_shared>>
      %dma_start3A_95 = arith.constant 0 : i32
      %dma_start3A_96 = tpu.memref_slice %arg9[%add3A_41, %dma_start3A_95] : memref<10240x128xf32, #tpu.memory_space<vmem_shared>> -> memref<80x128xf32, #tpu.memory_space<vmem_shared>>
      %dma_start3A_97 = arith.constant 0 : i32
      %dma_start3A_98 = arith.constant 0 : i32
      %dma_start3A_99 = tpu.memref_slice %arg8[%run_scoped3A_42, %dma_start3A_97, %dma_start3A_98] : memref<2x80x128xf32, #tpu.memory_space<vmem>> -> memref<1x80x128xf32, #tpu.memory_space<vmem>>
      %dma_start3A_100 = tpu.memref_squeeze %dma_start3A_99 : memref<1x80x128xf32, #tpu.memory_space<vmem>> -> memref<80x128xf32, #tpu.memory_space<vmem>>
      tpu.enqueue_dma source(%dma_start3A_100 : memref<80x128xf32, #tpu.memory_space<vmem>>) target(%dma_start3A_96 : memref<80x128xf32, #tpu.memory_space<vmem_shared>>) target_semaphore(%run_scoped3A_88 : memref<!tpu.dma_semaphore, #tpu.memory_space<semaphore_mem>>)
      %dma_wait3A_101 = arith.constant 0 : i32
      %dma_wait3A_102 = arith.constant 0 : i32
      %dma_wait3A_103 = tpu.memref_slice %arg8[%run_scoped3A_42, %dma_wait3A_101, %dma_wait3A_102] : memref<2x80x128xf32, #tpu.memory_space<vmem>> -> memref<1x80x128xf32, #tpu.memory_space<vmem>>
      %dma_wait3A_104 = tpu.memref_squeeze %dma_wait3A_103 : memref<1x80x128xf32, #tpu.memory_space<vmem>> -> memref<80x128xf32, #tpu.memory_space<vmem>>
      %dma_wait3A_105 = arith.constant 0 : i32
      %dma_wait3A_106 = tpu.memref_slice %arg9[%add3A_41, %dma_wait3A_105] : memref<10240x128xf32, #tpu.memory_space<vmem_shared>> -> memref<80x128xf32, #tpu.memory_space<vmem_shared>>
      %dma_wait3A_107 = arith.constant 0 : i32
      %dma_wait3A_108 = tpu.memref_slice %arg9[%add3A_41, %dma_wait3A_107] : memref<10240x128xf32, #tpu.memory_space<vmem_shared>> -> memref<80x128xf32, #tpu.memory_space<vmem_shared>>
      %dma_wait3A_109 = arith.constant 0 : i32
      %dma_wait3A_110 = arith.constant 0 : i32
      %dma_wait3A_111 = tpu.memref_slice %arg8[%run_scoped3A_42, %dma_wait3A_109, %dma_wait3A_110] : memref<2x80x128xf32, #tpu.memory_space<vmem>> -> memref<1x80x128xf32, #tpu.memory_space<vmem>>
      %dma_wait3A_112 = tpu.memref_squeeze %dma_wait3A_111 : memref<1x80x128xf32, #tpu.memory_space<vmem>> -> memref<80x128xf32, #tpu.memory_space<vmem>>
      tpu.wait_dma2 semaphore(%run_scoped3A_88 : memref<!tpu.dma_semaphore, #tpu.memory_space<semaphore_mem>>) src(%dma_wait3A_112 : memref<80x128xf32, #tpu.memory_space<vmem>>) dst(%dma_wait3A_108 : memref<80x128xf32, #tpu.memory_space<vmem_shared>>)
      tpu.yield
    }) : () -> ()
    %mul3A_43 = arith.constant 640 : i32
    %mul3A_44 = arith.muli %arg1, %mul3A_43 : i32
    %add3A_45 = arith.constant 560 : i32
    %add3A_46 = arith.addi %mul3A_44, %add3A_45 : i32
    %run_scoped3A_47 = arith.constant 0 : i32
    "tpu.region"() ({
      %run_scoped3A_88 = tpu.sem_alloc : memref<!tpu.dma_semaphore, #tpu.memory_space<semaphore_mem>>
      %dma_start3A_89 = arith.constant 0 : i32
      %dma_start3A_90 = arith.constant 0 : i32
      %dma_start3A_91 = tpu.memref_slice %arg8[%run_scoped3A_47, %dma_start3A_89, %dma_start3A_90] : memref<2x80x128xf32, #tpu.memory_space<vmem>> -> memref<1x80x128xf32, #tpu.memory_space<vmem>>
      %dma_start3A_92 = tpu.memref_squeeze %dma_start3A_91 : memref<1x80x128xf32, #tpu.memory_space<vmem>> -> memref<80x128xf32, #tpu.memory_space<vmem>>
      %dma_start3A_93 = arith.constant 0 : i32
      %dma_start3A_94 = tpu.memref_slice %arg9[%add3A_46, %dma_start3A_93] : memref<10240x128xf32, #tpu.memory_space<vmem_shared>> -> memref<80x128xf32, #tpu.memory_space<vmem_shared>>
      %dma_start3A_95 = arith.constant 0 : i32
      %dma_start3A_96 = tpu.memref_slice %arg9[%add3A_46, %dma_start3A_95] : memref<10240x128xf32, #tpu.memory_space<vmem_shared>> -> memref<80x128xf32, #tpu.memory_space<vmem_shared>>
      %dma_start3A_97 = arith.constant 0 : i32
      %dma_start3A_98 = arith.constant 0 : i32
      %dma_start3A_99 = tpu.memref_slice %arg8[%run_scoped3A_47, %dma_start3A_97, %dma_start3A_98] : memref<2x80x128xf32, #tpu.memory_space<vmem>> -> memref<1x80x128xf32, #tpu.memory_space<vmem>>
      %dma_start3A_100 = tpu.memref_squeeze %dma_start3A_99 : memref<1x80x128xf32, #tpu.memory_space<vmem>> -> memref<80x128xf32, #tpu.memory_space<vmem>>
      tpu.enqueue_dma source(%dma_start3A_100 : memref<80x128xf32, #tpu.memory_space<vmem>>) target(%dma_start3A_96 : memref<80x128xf32, #tpu.memory_space<vmem_shared>>) target_semaphore(%run_scoped3A_88 : memref<!tpu.dma_semaphore, #tpu.memory_space<semaphore_mem>>)
      %dma_wait3A_101 = arith.constant 0 : i32
      %dma_wait3A_102 = arith.constant 0 : i32
      %dma_wait3A_103 = tpu.memref_slice %arg8[%run_scoped3A_47, %dma_wait3A_101, %dma_wait3A_102] : memref<2x80x128xf32, #tpu.memory_space<vmem>> -> memref<1x80x128xf32, #tpu.memory_space<vmem>>
      %dma_wait3A_104 = tpu.memref_squeeze %dma_wait3A_103 : memref<1x80x128xf32, #tpu.memory_space<vmem>> -> memref<80x128xf32, #tpu.memory_space<vmem>>
      %dma_wait3A_105 = arith.constant 0 : i32
      %dma_wait3A_106 = tpu.memref_slice %arg9[%add3A_46, %dma_wait3A_105] : memref<10240x128xf32, #tpu.memory_space<vmem_shared>> -> memref<80x128xf32, #tpu.memory_space<vmem_shared>>
      %dma_wait3A_107 = arith.constant 0 : i32
      %dma_wait3A_108 = tpu.memref_slice %arg9[%add3A_46, %dma_wait3A_107] : memref<10240x128xf32, #tpu.memory_space<vmem_shared>> -> memref<80x128xf32, #tpu.memory_space<vmem_shared>>
      %dma_wait3A_109 = arith.constant 0 : i32
      %dma_wait3A_110 = arith.constant 0 : i32
      %dma_wait3A_111 = tpu.memref_slice %arg8[%run_scoped3A_47, %dma_wait3A_109, %dma_wait3A_110] : memref<2x80x128xf32, #tpu.memory_space<vmem>> -> memref<1x80x128xf32, #tpu.memory_space<vmem>>
      %dma_wait3A_112 = tpu.memref_squeeze %dma_wait3A_111 : memref<1x80x128xf32, #tpu.memory_space<vmem>> -> memref<80x128xf32, #tpu.memory_space<vmem>>
      tpu.wait_dma2 semaphore(%run_scoped3A_88 : memref<!tpu.dma_semaphore, #tpu.memory_space<semaphore_mem>>) src(%dma_wait3A_112 : memref<80x128xf32, #tpu.memory_space<vmem>>) dst(%dma_wait3A_108 : memref<80x128xf32, #tpu.memory_space<vmem_shared>>)
      tpu.yield
    }) : () -> ()
    %barrier3A = arith.constant 0 : index
    tpu.barrier barrier_id(%barrier3A)
    %run_scoped3A_48 = arith.constant 0 : i32
    %run_scoped3A_49 = arith.constant 0 : i32
    "tpu.region"() ({
      %run_scoped3A_88 = tpu.sem_alloc : memref<!tpu.dma_semaphore, #tpu.memory_space<semaphore_mem>>
      %dma_start3A_89 = arith.constant 0 : i32
      %dma_start3A_90 = arith.constant 0 : i32
      %dma_start3A_91 = tpu.memref_slice %arg6[%run_scoped3A_49, %dma_start3A_89, %dma_start3A_90] : memref<1x25x80xi32, #tpu.memory_space<vmem>> -> memref<1x25x80xi32, #tpu.memory_space<vmem>>
      %dma_start3A_92 = tpu.memref_squeeze %dma_start3A_91 : memref<1x25x80xi32, #tpu.memory_space<vmem>> -> memref<25x80xi32, #tpu.memory_space<vmem>>
      %dma_start3A_93 = arith.constant 0 : i32
      %dma_start3A_94 = arith.constant 0 : i32
      %dma_start3A_95 = tpu.memref_slice %arg3[%add3A, %run_scoped3A_48, %dma_start3A_93, %dma_start3A_94] : memref<32x5x25x80xi32, #tpu.memory_space<hbm>> -> memref<1x1x25x80xi32, #tpu.memory_space<hbm>>
      %dma_start3A_96 = tpu.memref_squeeze %dma_start3A_95 : memref<1x1x25x80xi32, #tpu.memory_space<hbm>> -> memref<25x80xi32, #tpu.memory_space<hbm>>
      %dma_start3A_97 = arith.constant 0 : i32
      %dma_start3A_98 = arith.constant 0 : i32
      %dma_start3A_99 = tpu.memref_slice %arg6[%run_scoped3A_49, %dma_start3A_97, %dma_start3A_98] : memref<1x25x80xi32, #tpu.memory_space<vmem>> -> memref<1x25x80xi32, #tpu.memory_space<vmem>>
      %dma_start3A_100 = tpu.memref_squeeze %dma_start3A_99 : memref<1x25x80xi32, #tpu.memory_space<vmem>> -> memref<25x80xi32, #tpu.memory_space<vmem>>
      %dma_start3A_101 = arith.constant 0 : i32
      %dma_start3A_102 = arith.constant 0 : i32
      %dma_start3A_103 = tpu.memref_slice %arg3[%add3A, %run_scoped3A_48, %dma_start3A_101, %dma_start3A_102] : memref<32x5x25x80xi32, #tpu.memory_space<hbm>> -> memref<1x1x25x80xi32, #tpu.memory_space<hbm>>
      %dma_start3A_104 = tpu.memref_squeeze %dma_start3A_103 : memref<1x1x25x80xi32, #tpu.memory_space<hbm>> -> memref<25x80xi32, #tpu.memory_space<hbm>>
      tpu.enqueue_dma source(%dma_start3A_104 : memref<25x80xi32, #tpu.memory_space<hbm>>) target(%dma_start3A_100 : memref<25x80xi32, #tpu.memory_space<vmem>>) target_semaphore(%run_scoped3A_88 : memref<!tpu.dma_semaphore, #tpu.memory_space<semaphore_mem>>)
      %dma_wait3A_105 = arith.constant 0 : i32
      %dma_wait3A_106 = arith.constant 0 : i32
      %dma_wait3A_107 = tpu.memref_slice %arg6[%run_scoped3A_49, %dma_wait3A_105, %dma_wait3A_106] : memref<1x25x80xi32, #tpu.memory_space<vmem>> -> memref<1x25x80xi32, #tpu.memory_space<vmem>>
      %dma_wait3A_108 = tpu.memref_squeeze %dma_wait3A_107 : memref<1x25x80xi32, #tpu.memory_space<vmem>> -> memref<25x80xi32, #tpu.memory_space<vmem>>
      %dma_wait3A_109 = arith.constant 0 : i32
      %dma_wait3A_110 = arith.constant 0 : i32
      %dma_wait3A_111 = tpu.memref_slice %arg3[%add3A, %run_scoped3A_48, %dma_wait3A_109, %dma_wait3A_110] : memref<32x5x25x80xi32, #tpu.memory_space<hbm>> -> memref<1x1x25x80xi32, #tpu.memory_space<hbm>>
      %dma_wait3A_112 = tpu.memref_squeeze %dma_wait3A_111 : memref<1x1x25x80xi32, #tpu.memory_space<hbm>> -> memref<25x80xi32, #tpu.memory_space<hbm>>
      %dma_wait3A_113 = arith.constant 0 : i32
      %dma_wait3A_114 = arith.constant 0 : i32
      %dma_wait3A_115 = tpu.memref_slice %arg6[%run_scoped3A_49, %dma_wait3A_113, %dma_wait3A_114] : memref<1x25x80xi32, #tpu.memory_space<vmem>> -> memref<1x25x80xi32, #tpu.memory_space<vmem>>
      %dma_wait3A_116 = tpu.memref_squeeze %dma_wait3A_115 : memref<1x25x80xi32, #tpu.memory_space<vmem>> -> memref<25x80xi32, #tpu.memory_space<vmem>>
      %dma_wait3A_117 = arith.constant 0 : i32
      %dma_wait3A_118 = arith.constant 0 : i32
      %dma_wait3A_119 = tpu.memref_slice %arg3[%add3A, %run_scoped3A_48, %dma_wait3A_117, %dma_wait3A_118] : memref<32x5x25x80xi32, #tpu.memory_space<hbm>> -> memref<1x1x25x80xi32, #tpu.memory_space<hbm>>
      %dma_wait3A_120 = tpu.memref_squeeze %dma_wait3A_119 : memref<1x1x25x80xi32, #tpu.memory_space<hbm>> -> memref<25x80xi32, #tpu.memory_space<hbm>>
      tpu.wait_dma2 semaphore(%run_scoped3A_88 : memref<!tpu.dma_semaphore, #tpu.memory_space<semaphore_mem>>) src(%dma_wait3A_120 : memref<25x80xi32, #tpu.memory_space<hbm>>) dst(%dma_wait3A_116 : memref<25x80xi32, #tpu.memory_space<vmem>>)
      tpu.yield
    }) : () -> ()
    %run_scoped3A_50 = arith.constant 0 : i32
    %run_scoped3A_51 = arith.constant 0 : i32
    "tpu.region"() ({
      %run_scoped3A_88 = tpu.sem_alloc : memref<!tpu.dma_semaphore, #tpu.memory_space<semaphore_mem>>
      %dma_start3A_89 = arith.constant 0 : i32
      %dma_start3A_90 = arith.constant 0 : i32
      %dma_start3A_91 = tpu.memref_slice %arg7[%run_scoped3A_51, %dma_start3A_89, %dma_start3A_90] : memref<1x25x80xi32, #tpu.memory_space<vmem>> -> memref<1x25x80xi32, #tpu.memory_space<vmem>>
      %dma_start3A_92 = tpu.memref_squeeze %dma_start3A_91 : memref<1x25x80xi32, #tpu.memory_space<vmem>> -> memref<25x80xi32, #tpu.memory_space<vmem>>
      %dma_start3A_93 = arith.constant 0 : i32
      %dma_start3A_94 = arith.constant 0 : i32
      %dma_start3A_95 = tpu.memref_slice %arg4[%add3A, %run_scoped3A_50, %dma_start3A_93, %dma_start3A_94] : memref<32x5x25x80xi32, #tpu.memory_space<hbm>> -> memref<1x1x25x80xi32, #tpu.memory_space<hbm>>
      %dma_start3A_96 = tpu.memref_squeeze %dma_start3A_95 : memref<1x1x25x80xi32, #tpu.memory_space<hbm>> -> memref<25x80xi32, #tpu.memory_space<hbm>>
      %dma_start3A_97 = arith.constant 0 : i32
      %dma_start3A_98 = arith.constant 0 : i32
      %dma_start3A_99 = tpu.memref_slice %arg7[%run_scoped3A_51, %dma_start3A_97, %dma_start3A_98] : memref<1x25x80xi32, #tpu.memory_space<vmem>> -> memref<1x25x80xi32, #tpu.memory_space<vmem>>
      %dma_start3A_100 = tpu.memref_squeeze %dma_start3A_99 : memref<1x25x80xi32, #tpu.memory_space<vmem>> -> memref<25x80xi32, #tpu.memory_space<vmem>>
      %dma_start3A_101 = arith.constant 0 : i32
      %dma_start3A_102 = arith.constant 0 : i32
      %dma_start3A_103 = tpu.memref_slice %arg4[%add3A, %run_scoped3A_50, %dma_start3A_101, %dma_start3A_102] : memref<32x5x25x80xi32, #tpu.memory_space<hbm>> -> memref<1x1x25x80xi32, #tpu.memory_space<hbm>>
      %dma_start3A_104 = tpu.memref_squeeze %dma_start3A_103 : memref<1x1x25x80xi32, #tpu.memory_space<hbm>> -> memref<25x80xi32, #tpu.memory_space<hbm>>
      tpu.enqueue_dma source(%dma_start3A_104 : memref<25x80xi32, #tpu.memory_space<hbm>>) target(%dma_start3A_100 : memref<25x80xi32, #tpu.memory_space<vmem>>) target_semaphore(%run_scoped3A_88 : memref<!tpu.dma_semaphore, #tpu.memory_space<semaphore_mem>>)
      %dma_wait3A_105 = arith.constant 0 : i32
      %dma_wait3A_106 = arith.constant 0 : i32
      %dma_wait3A_107 = tpu.memref_slice %arg7[%run_scoped3A_51, %dma_wait3A_105, %dma_wait3A_106] : memref<1x25x80xi32, #tpu.memory_space<vmem>> -> memref<1x25x80xi32, #tpu.memory_space<vmem>>
      %dma_wait3A_108 = tpu.memref_squeeze %dma_wait3A_107 : memref<1x25x80xi32, #tpu.memory_space<vmem>> -> memref<25x80xi32, #tpu.memory_space<vmem>>
      %dma_wait3A_109 = arith.constant 0 : i32
      %dma_wait3A_110 = arith.constant 0 : i32
      %dma_wait3A_111 = tpu.memref_slice %arg4[%add3A, %run_scoped3A_50, %dma_wait3A_109, %dma_wait3A_110] : memref<32x5x25x80xi32, #tpu.memory_space<hbm>> -> memref<1x1x25x80xi32, #tpu.memory_space<hbm>>
      %dma_wait3A_112 = tpu.memref_squeeze %dma_wait3A_111 : memref<1x1x25x80xi32, #tpu.memory_space<hbm>> -> memref<25x80xi32, #tpu.memory_space<hbm>>
      %dma_wait3A_113 = arith.constant 0 : i32
      %dma_wait3A_114 = arith.constant 0 : i32
      %dma_wait3A_115 = tpu.memref_slice %arg7[%run_scoped3A_51, %dma_wait3A_113, %dma_wait3A_114] : memref<1x25x80xi32, #tpu.memory_space<vmem>> -> memref<1x25x80xi32, #tpu.memory_space<vmem>>
      %dma_wait3A_116 = tpu.memref_squeeze %dma_wait3A_115 : memref<1x25x80xi32, #tpu.memory_space<vmem>> -> memref<25x80xi32, #tpu.memory_space<vmem>>
      %dma_wait3A_117 = arith.constant 0 : i32
      %dma_wait3A_118 = arith.constant 0 : i32
      %dma_wait3A_119 = tpu.memref_slice %arg4[%add3A, %run_scoped3A_50, %dma_wait3A_117, %dma_wait3A_118] : memref<32x5x25x80xi32, #tpu.memory_space<hbm>> -> memref<1x1x25x80xi32, #tpu.memory_space<hbm>>
      %dma_wait3A_120 = tpu.memref_squeeze %dma_wait3A_119 : memref<1x1x25x80xi32, #tpu.memory_space<hbm>> -> memref<25x80xi32, #tpu.memory_space<hbm>>
      tpu.wait_dma2 semaphore(%run_scoped3A_88 : memref<!tpu.dma_semaphore, #tpu.memory_space<semaphore_mem>>) src(%dma_wait3A_120 : memref<25x80xi32, #tpu.memory_space<hbm>>) dst(%dma_wait3A_116 : memref<25x80xi32, #tpu.memory_space<vmem>>)
      tpu.yield
    }) : () -> ()
    %dma_start3A = arith.constant 0 : i32
    %dma_start3A_52 = arith.constant 0 : i32
    %dma_start3A_53 = arith.constant 0 : i32
    %dma_start3A_54 = arith.constant 0 : i32
    %dma_start3A_55 = arith.constant 0 : i32
    %dma_start3A_56 = tpu.memref_slice %arg8[%dma_start3A_53, %dma_start3A_54, %dma_start3A_55] : memref<2x80x128xf32, #tpu.memory_space<vmem>> -> memref<1x80x128xf32, #tpu.memory_space<vmem>>
    %dma_start3A_57 = tpu.memref_squeeze %dma_start3A_56 : memref<1x80x128xf32, #tpu.memory_space<vmem>> -> memref<80x128xf32, #tpu.memory_space<vmem>>
    %dma_start3A_58 = arith.constant 0 : i32
    %dma_start3A_59 = tpu.memref_slice %arg6[%dma_start3A, %dma_start3A_52, %dma_start3A_58] : memref<1x25x80xi32, #tpu.memory_space<vmem>> -> memref<1x1x80xi32, #tpu.memory_space<vmem>>
    %dma_start3A_60 = tpu.memref_squeeze %dma_start3A_59 : memref<1x1x80xi32, #tpu.memory_space<vmem>> -> memref<80xi32, #tpu.memory_space<vmem>>
    %dma_start3A_61 = arith.constant 0 : i32
    %dma_start3A_62 = arith.constant 0 : i32
    %dma_start3A_63 = tpu.memref_slice %arg2[%dma_start3A_61, %dma_start3A_62] : memref<10000x128xf32, #tpu.memory_space<hbm>> -> memref<10000x128xf32, #tpu.memory_space<hbm>>
    tpu.enqueue_indirect_dma source(%dma_start3A_63 : memref<10000x128xf32, #tpu.memory_space<hbm>>) target(%dma_start3A_57 : memref<80x128xf32, #tpu.memory_space<vmem>>) offsets(%dma_start3A_60 : memref<80xi32, #tpu.memory_space<vmem>>) semaphore(%arg10 : memref<!tpu.dma_semaphore, #tpu.memory_space<semaphore_mem>>)
    %scan3A_64 = arith.constant 0 : i32
    %scan3A_65 = arith.constant 0 : i32
    %scan3A_66 = arith.constant 62 : i32
    %scan3A_67 = arith.addi %scan3A_65, %scan3A_66 : i32
    %scan3A_68 = arith.constant 1 : i32
    scf.for %scan3A_88 = %scan3A_65 to %scan3A_67 step %scan3A_68  : i32 {
      %mul3A_89 = arith.constant 2 : i32
      %mul3A_90 = arith.muli %mul3A_89, %scan3A_88 : i32
      %add3A_91 = arith.constant 0 : i32
      %add3A_92 = arith.addi %mul3A_90, %add3A_91 : i32
      %add3A_93 = arith.constant 2 : i32
      %add3A_94 = arith.addi %add3A_92, %add3A_93 : i32
      %sub3A = arith.constant 1 : i32
      %sub3A_95 = arith.subi %add3A_94, %sub3A : i32
      %jit3A = arith.constant 25 : i32
      %eq3A = arith.constant 0 : i32
      %eq3A_96 = arith.cmpi eq, %jit3A, %eq3A : i32
      %jit3A_97 = arith.constant 1 : i32
      %select_n3A = arith.select %eq3A_96, %jit3A_97, %jit3A : i32
      %rem3A = arith.remsi %sub3A_95, %select_n3A : i32
      %ne3A = arith.constant 0 : i32
      %ne3A_98 = arith.cmpi ne, %rem3A, %ne3A : i32
      %lt3A = arith.constant 0 : i32
      %lt3A_99 = arith.cmpi slt, %rem3A, %lt3A : i32
      %lt3A_100 = arith.constant 0 : i32
      %lt3A_101 = arith.cmpi slt, %select_n3A, %lt3A_100 : i32
      %ne3A_102 = arith.xori %lt3A_99, %lt3A_101 : i1
      %and3A = arith.andi %ne3A_102, %ne3A_98 : i1
      %add3A_103 = arith.addi %rem3A, %select_n3A : i32
      %select_n3A_104 = arith.select %and3A, %add3A_103, %rem3A : i32
      %eq3A_105 = arith.constant 0 : i32
      %eq3A_106 = arith.cmpi eq, %select_n3A_104, %eq3A_105 : i32
      %ge3A = arith.constant 125 : i32
      %ge3A_107 = arith.cmpi sge, %sub3A_95, %ge3A : i32
      %not3A = arith.constant true
      %not3A_108 = arith.xori %ge3A_107, %not3A : i1
      %not3A_109 = arith.constant true
      %not3A_110 = arith.xori %eq3A_106, %not3A_109 : i1
      %and3A_111 = arith.andi %not3A_108, %not3A_110 : i1
      %convert_element_type3A = arith.extui %and3A_111 : i1 to i32
      %cond3A = arith.constant 0 : i32
      %cond3A_112 = arith.cmpi ne, %convert_element_type3A, %cond3A : i32
      scf.if %cond3A_112 {
        %jit3A_223 = arith.constant 25 : i32
        %eq3A_224 = arith.constant 0 : i32
        %eq3A_225 = arith.cmpi eq, %jit3A_223, %eq3A_224 : i32
        %jit3A_226 = arith.constant 1 : i32
        %select_n3A_227 = arith.select %eq3A_225, %jit3A_226, %jit3A_223 : i32
        %rem3A_228 = arith.remsi %sub3A_95, %select_n3A_227 : i32
        %ne3A_229 = arith.constant 0 : i32
        %ne3A_230 = arith.cmpi ne, %rem3A_228, %ne3A_229 : i32
        %lt3A_231 = arith.constant 0 : i32
        %lt3A_232 = arith.cmpi slt, %rem3A_228, %lt3A_231 : i32
        %lt3A_233 = arith.constant 0 : i32
        %lt3A_234 = arith.cmpi slt, %select_n3A_227, %lt3A_233 : i32
        %ne3A_235 = arith.xori %lt3A_232, %lt3A_234 : i1
        %and3A_236 = arith.andi %ne3A_235, %ne3A_230 : i1
        %add3A_237 = arith.addi %rem3A_228, %select_n3A_227 : i32
        %select_n3A_238 = arith.select %and3A_236, %add3A_237, %rem3A_228 : i32
        %dma_start3A_239 = arith.constant 0 : i32
        %dma_start3A_240 = arith.constant 1 : i32
        %dma_start3A_241 = arith.constant 0 : i32
        %dma_start3A_242 = arith.constant 0 : i32
        %dma_start3A_243 = tpu.memref_slice %arg8[%dma_start3A_240, %dma_start3A_241, %dma_start3A_242] : memref<2x80x128xf32, #tpu.memory_space<vmem>> -> memref<1x80x128xf32, #tpu.memory_space<vmem>>
        %dma_start3A_244 = tpu.memref_squeeze %dma_start3A_243 : memref<1x80x128xf32, #tpu.memory_space<vmem>> -> memref<80x128xf32, #tpu.memory_space<vmem>>
        %dma_start3A_245 = arith.constant 0 : i32
        %dma_start3A_246 = tpu.memref_slice %arg6[%dma_start3A_239, %select_n3A_238, %dma_start3A_245] : memref<1x25x80xi32, #tpu.memory_space<vmem>> -> memref<1x1x80xi32, #tpu.memory_space<vmem>>
        %dma_start3A_247 = tpu.memref_squeeze %dma_start3A_246 : memref<1x1x80xi32, #tpu.memory_space<vmem>> -> memref<80xi32, #tpu.memory_space<vmem>>
        %dma_start3A_248 = arith.constant 0 : i32
        %dma_start3A_249 = arith.constant 0 : i32
        %dma_start3A_250 = tpu.memref_slice %arg2[%dma_start3A_248, %dma_start3A_249] : memref<10000x128xf32, #tpu.memory_space<hbm>> -> memref<10000x128xf32, #tpu.memory_space<hbm>>
        tpu.enqueue_indirect_dma source(%dma_start3A_250 : memref<10000x128xf32, #tpu.memory_space<hbm>>) target(%dma_start3A_244 : memref<80x128xf32, #tpu.memory_space<vmem>>) offsets(%dma_start3A_247 : memref<80xi32, #tpu.memory_space<vmem>>) semaphore(%arg11 : memref<!tpu.dma_semaphore, #tpu.memory_space<semaphore_mem>>)
      } else {
      }
      %dma_wait3A_113 = arith.constant 0 : i32
      %dma_wait3A_114 = arith.constant 0 : i32
      %dma_wait3A_115 = arith.constant 0 : i32
      %dma_wait3A_116 = arith.constant 0 : i32
      %dma_wait3A_117 = arith.constant 0 : i32
      %dma_wait3A_118 = tpu.memref_slice %arg8[%dma_wait3A_115, %dma_wait3A_116, %dma_wait3A_117] : memref<2x80x128xf32, #tpu.memory_space<vmem>> -> memref<1x80x128xf32, #tpu.memory_space<vmem>>
      %dma_wait3A_119 = tpu.memref_squeeze %dma_wait3A_118 : memref<1x80x128xf32, #tpu.memory_space<vmem>> -> memref<80x128xf32, #tpu.memory_space<vmem>>
      %dma_wait3A_120 = arith.constant 0 : i32
      %dma_wait3A_121 = tpu.memref_slice %arg6[%dma_wait3A_113, %dma_wait3A_114, %dma_wait3A_120] : memref<1x25x80xi32, #tpu.memory_space<vmem>> -> memref<1x1x80xi32, #tpu.memory_space<vmem>>
      %dma_wait3A_122 = tpu.memref_squeeze %dma_wait3A_121 : memref<1x1x80xi32, #tpu.memory_space<vmem>> -> memref<80xi32, #tpu.memory_space<vmem>>
      %dma_wait3A_123 = arith.constant 0 : i32
      %dma_wait3A_124 = arith.constant 0 : i32
      %dma_wait3A_125 = tpu.memref_slice %arg2[%dma_wait3A_123, %dma_wait3A_124] : memref<10000x128xf32, #tpu.memory_space<hbm>> -> memref<10000x128xf32, #tpu.memory_space<hbm>>
      tpu.wait_indirect_dma semaphore(%arg10 : memref<!tpu.dma_semaphore, #tpu.memory_space<semaphore_mem>>) src(%dma_wait3A_125 : memref<10000x128xf32, #tpu.memory_space<hbm>>) dst(%dma_wait3A_119 : memref<80x128xf32, #tpu.memory_space<vmem>>)
      %jit3A_126 = arith.constant 25 : i32
      %eq3A_127 = arith.constant 0 : i32
      %eq3A_128 = arith.cmpi eq, %jit3A_126, %eq3A_127 : i32
      %jit3A_129 = arith.constant 1 : i32
      %select_n3A_130 = arith.select %eq3A_128, %jit3A_129, %jit3A_126 : i32
      %rem3A_131 = arith.remsi %add3A_92, %select_n3A_130 : i32
      %ne3A_132 = arith.constant 0 : i32
      %ne3A_133 = arith.cmpi ne, %rem3A_131, %ne3A_132 : i32
      %lt3A_134 = arith.constant 0 : i32
      %lt3A_135 = arith.cmpi slt, %rem3A_131, %lt3A_134 : i32
      %lt3A_136 = arith.constant 0 : i32
      %lt3A_137 = arith.cmpi slt, %select_n3A_130, %lt3A_136 : i32
      %ne3A_138 = arith.xori %lt3A_135, %lt3A_137 : i1
      %and3A_139 = arith.andi %ne3A_138, %ne3A_133 : i1
      %add3A_140 = arith.addi %rem3A_131, %select_n3A_130 : i32
      %select_n3A_141 = arith.select %and3A_139, %add3A_140, %rem3A_131 : i32
      %run_scoped3A_142 = arith.constant 0 : i32
      %run_scoped3A_143 = arith.constant 0 : i32
      "tpu.region"() ({
        %run_scoped3A_223 = tpu.sem_alloc : memref<!tpu.dma_semaphore, #tpu.memory_space<semaphore_mem>>
        %dma_start3A_224 = arith.constant 0 : i32
        %dma_start3A_225 = arith.constant 0 : i32
        %dma_start3A_226 = tpu.memref_slice %arg8[%run_scoped3A_142, %dma_start3A_224, %dma_start3A_225] : memref<2x80x128xf32, #tpu.memory_space<vmem>> -> memref<1x80x128xf32, #tpu.memory_space<vmem>>
        %dma_start3A_227 = tpu.memref_squeeze %dma_start3A_226 : memref<1x80x128xf32, #tpu.memory_space<vmem>> -> memref<80x128xf32, #tpu.memory_space<vmem>>
        %dma_start3A_228 = arith.constant 0 : i32
        %dma_start3A_229 = tpu.memref_slice %arg7[%run_scoped3A_143, %select_n3A_141, %dma_start3A_228] : memref<1x25x80xi32, #tpu.memory_space<vmem>> -> memref<1x1x80xi32, #tpu.memory_space<vmem>>
        %dma_start3A_230 = tpu.memref_squeeze %dma_start3A_229 : memref<1x1x80xi32, #tpu.memory_space<vmem>> -> memref<80xi32, #tpu.memory_space<vmem>>
        %dma_start3A_231 = arith.constant 0 : i32
        %dma_start3A_232 = arith.constant 0 : i32
        %dma_start3A_233 = tpu.memref_slice %arg9[%dma_start3A_231, %dma_start3A_232] : memref<10240x128xf32, #tpu.memory_space<vmem_shared>> -> memref<10240x128xf32, #tpu.memory_space<vmem_shared>>
        tpu.enqueue_indirect_dma source(%dma_start3A_227 : memref<80x128xf32, #tpu.memory_space<vmem>>) target(%dma_start3A_233 : memref<10240x128xf32, #tpu.memory_space<vmem_shared>>) offsets(%dma_start3A_230 : memref<80xi32, #tpu.memory_space<vmem>>) semaphore(%run_scoped3A_223 : memref<!tpu.dma_semaphore, #tpu.memory_space<semaphore_mem>>) {add = true}
        %dma_wait3A_234 = arith.constant 0 : i32
        %dma_wait3A_235 = arith.constant 0 : i32
        %dma_wait3A_236 = tpu.memref_slice %arg8[%run_scoped3A_142, %dma_wait3A_234, %dma_wait3A_235] : memref<2x80x128xf32, #tpu.memory_space<vmem>> -> memref<1x80x128xf32, #tpu.memory_space<vmem>>
        %dma_wait3A_237 = tpu.memref_squeeze %dma_wait3A_236 : memref<1x80x128xf32, #tpu.memory_space<vmem>> -> memref<80x128xf32, #tpu.memory_space<vmem>>
        %dma_wait3A_238 = arith.constant 0 : i32
        %dma_wait3A_239 = tpu.memref_slice %arg7[%run_scoped3A_143, %select_n3A_141, %dma_wait3A_238] : memref<1x25x80xi32, #tpu.memory_space<vmem>> -> memref<1x1x80xi32, #tpu.memory_space<vmem>>
        %dma_wait3A_240 = tpu.memref_squeeze %dma_wait3A_239 : memref<1x1x80xi32, #tpu.memory_space<vmem>> -> memref<80xi32, #tpu.memory_space<vmem>>
        %dma_wait3A_241 = arith.constant 0 : i32
        %dma_wait3A_242 = arith.constant 0 : i32
        %dma_wait3A_243 = tpu.memref_slice %arg9[%dma_wait3A_241, %dma_wait3A_242] : memref<10240x128xf32, #tpu.memory_space<vmem_shared>> -> memref<10240x128xf32, #tpu.memory_space<vmem_shared>>
        tpu.wait_indirect_dma semaphore(%run_scoped3A_223 : memref<!tpu.dma_semaphore, #tpu.memory_space<semaphore_mem>>) src(%dma_wait3A_237 : memref<80x128xf32, #tpu.memory_space<vmem>>) dst(%dma_wait3A_243 : memref<10240x128xf32, #tpu.memory_space<vmem_shared>>)
        tpu.yield
      }) : () -> ()
      %not3A_144 = arith.constant true
      %not3A_145 = arith.xori %ge3A_107, %not3A_144 : i1
      %and3A_146 = arith.andi %not3A_145, %eq3A_106 : i1
      %convert_element_type3A_147 = arith.extui %and3A_146 : i1 to i32
      %cond3A_148 = arith.constant 0 : i32
      %cond3A_149 = arith.cmpi ne, %convert_element_type3A_147, %cond3A_148 : i32
      scf.if %cond3A_149 {
        %jit3A_223 = arith.constant 25 : i32
        %div3A = arith.divsi %sub3A_95, %jit3A_223 : i32
        %sign3A = arith.constant 0 : i32
        %sign3A_224 = arith.cmpi sgt, %sub3A_95, %sign3A : i32
        %sign3A_225 = arith.extui %sign3A_224 : i1 to i32
        %sign3A_226 = arith.constant 0 : i32
        %sign3A_227 = arith.cmpi slt, %sub3A_95, %sign3A_226 : i32
        %sign3A_228 = arith.extui %sign3A_227 : i1 to i32
        %sign3A_229 = arith.subi %sign3A_225, %sign3A_228 : i32
        %sign3A_230 = arith.constant 0 : i32
        %sign3A_231 = arith.cmpi sgt, %jit3A_223, %sign3A_230 : i32
        %sign3A_232 = arith.extui %sign3A_231 : i1 to i32
        %sign3A_233 = arith.constant 0 : i32
        %sign3A_234 = arith.cmpi slt, %jit3A_223, %sign3A_233 : i32
        %sign3A_235 = arith.extui %sign3A_234 : i1 to i32
        %sign3A_236 = arith.subi %sign3A_232, %sign3A_235 : i32
        %ne3A_237 = arith.cmpi ne, %sign3A_229, %sign3A_236 : i32
        %rem3A_238 = arith.remsi %sub3A_95, %jit3A_223 : i32
        %ne3A_239 = arith.constant 0 : i32
        %ne3A_240 = arith.cmpi ne, %rem3A_238, %ne3A_239 : i32
        %and3A_241 = arith.andi %ne3A_237, %ne3A_240 : i1
        %sub3A_242 = arith.constant 1 : i32
        %sub3A_243 = arith.subi %div3A, %sub3A_242 : i32
        %select_n3A_244 = arith.select %and3A_241, %sub3A_243, %div3A : i32
        %run_scoped3A_245 = arith.constant 0 : i32
        "tpu.region"() ({
          %run_scoped3A_275 = tpu.sem_alloc : memref<!tpu.dma_semaphore, #tpu.memory_space<semaphore_mem>>
          %dma_start3A_276 = arith.constant 0 : i32
          %dma_start3A_277 = arith.constant 0 : i32
          %dma_start3A_278 = tpu.memref_slice %arg6[%run_scoped3A_245, %dma_start3A_276, %dma_start3A_277] : memref<1x25x80xi32, #tpu.memory_space<vmem>> -> memref<1x25x80xi32, #tpu.memory_space<vmem>>
          %dma_start3A_279 = tpu.memref_squeeze %dma_start3A_278 : memref<1x25x80xi32, #tpu.memory_space<vmem>> -> memref<25x80xi32, #tpu.memory_space<vmem>>
          %dma_start3A_280 = arith.constant 0 : i32
          %dma_start3A_281 = arith.constant 0 : i32
          %dma_start3A_282 = tpu.memref_slice %arg3[%add3A, %select_n3A_244, %dma_start3A_280, %dma_start3A_281] : memref<32x5x25x80xi32, #tpu.memory_space<hbm>> -> memref<1x1x25x80xi32, #tpu.memory_space<hbm>>
          %dma_start3A_283 = tpu.memref_squeeze %dma_start3A_282 : memref<1x1x25x80xi32, #tpu.memory_space<hbm>> -> memref<25x80xi32, #tpu.memory_space<hbm>>
          %dma_start3A_284 = arith.constant 0 : i32
          %dma_start3A_285 = arith.constant 0 : i32
          %dma_start3A_286 = tpu.memref_slice %arg6[%run_scoped3A_245, %dma_start3A_284, %dma_start3A_285] : memref<1x25x80xi32, #tpu.memory_space<vmem>> -> memref<1x25x80xi32, #tpu.memory_space<vmem>>
          %dma_start3A_287 = tpu.memref_squeeze %dma_start3A_286 : memref<1x25x80xi32, #tpu.memory_space<vmem>> -> memref<25x80xi32, #tpu.memory_space<vmem>>
          %dma_start3A_288 = arith.constant 0 : i32
          %dma_start3A_289 = arith.constant 0 : i32
          %dma_start3A_290 = tpu.memref_slice %arg3[%add3A, %select_n3A_244, %dma_start3A_288, %dma_start3A_289] : memref<32x5x25x80xi32, #tpu.memory_space<hbm>> -> memref<1x1x25x80xi32, #tpu.memory_space<hbm>>
          %dma_start3A_291 = tpu.memref_squeeze %dma_start3A_290 : memref<1x1x25x80xi32, #tpu.memory_space<hbm>> -> memref<25x80xi32, #tpu.memory_space<hbm>>
          tpu.enqueue_dma source(%dma_start3A_291 : memref<25x80xi32, #tpu.memory_space<hbm>>) target(%dma_start3A_287 : memref<25x80xi32, #tpu.memory_space<vmem>>) target_semaphore(%run_scoped3A_275 : memref<!tpu.dma_semaphore, #tpu.memory_space<semaphore_mem>>)
          %dma_wait3A_292 = arith.constant 0 : i32
          %dma_wait3A_293 = arith.constant 0 : i32
          %dma_wait3A_294 = tpu.memref_slice %arg6[%run_scoped3A_245, %dma_wait3A_292, %dma_wait3A_293] : memref<1x25x80xi32, #tpu.memory_space<vmem>> -> memref<1x25x80xi32, #tpu.memory_space<vmem>>
          %dma_wait3A_295 = tpu.memref_squeeze %dma_wait3A_294 : memref<1x25x80xi32, #tpu.memory_space<vmem>> -> memref<25x80xi32, #tpu.memory_space<vmem>>
          %dma_wait3A_296 = arith.constant 0 : i32
          %dma_wait3A_297 = arith.constant 0 : i32
          %dma_wait3A_298 = tpu.memref_slice %arg3[%add3A, %select_n3A_244, %dma_wait3A_296, %dma_wait3A_297] : memref<32x5x25x80xi32, #tpu.memory_space<hbm>> -> memref<1x1x25x80xi32, #tpu.memory_space<hbm>>
          %dma_wait3A_299 = tpu.memref_squeeze %dma_wait3A_298 : memref<1x1x25x80xi32, #tpu.memory_space<hbm>> -> memref<25x80xi32, #tpu.memory_space<hbm>>
          %dma_wait3A_300 = arith.constant 0 : i32
          %dma_wait3A_301 = arith.constant 0 : i32
          %dma_wait3A_302 = tpu.memref_slice %arg6[%run_scoped3A_245, %dma_wait3A_300, %dma_wait3A_301] : memref<1x25x80xi32, #tpu.memory_space<vmem>> -> memref<1x25x80xi32, #tpu.memory_space<vmem>>
          %dma_wait3A_303 = tpu.memref_squeeze %dma_wait3A_302 : memref<1x25x80xi32, #tpu.memory_space<vmem>> -> memref<25x80xi32, #tpu.memory_space<vmem>>
          %dma_wait3A_304 = arith.constant 0 : i32
          %dma_wait3A_305 = arith.constant 0 : i32
          %dma_wait3A_306 = tpu.memref_slice %arg3[%add3A, %select_n3A_244, %dma_wait3A_304, %dma_wait3A_305] : memref<32x5x25x80xi32, #tpu.memory_space<hbm>> -> memref<1x1x25x80xi32, #tpu.memory_space<hbm>>
          %dma_wait3A_307 = tpu.memref_squeeze %dma_wait3A_306 : memref<1x1x25x80xi32, #tpu.memory_space<hbm>> -> memref<25x80xi32, #tpu.memory_space<hbm>>
          tpu.wait_dma2 semaphore(%run_scoped3A_275 : memref<!tpu.dma_semaphore, #tpu.memory_space<semaphore_mem>>) src(%dma_wait3A_307 : memref<25x80xi32, #tpu.memory_space<hbm>>) dst(%dma_wait3A_303 : memref<25x80xi32, #tpu.memory_space<vmem>>)
          tpu.yield
        }) : () -> ()
        %run_scoped3A_246 = arith.constant 0 : i32
        "tpu.region"() ({
          %run_scoped3A_275 = tpu.sem_alloc : memref<!tpu.dma_semaphore, #tpu.memory_space<semaphore_mem>>
          %dma_start3A_276 = arith.constant 0 : i32
          %dma_start3A_277 = arith.constant 0 : i32
          %dma_start3A_278 = tpu.memref_slice %arg7[%run_scoped3A_246, %dma_start3A_276, %dma_start3A_277] : memref<1x25x80xi32, #tpu.memory_space<vmem>> -> memref<1x25x80xi32, #tpu.memory_space<vmem>>
          %dma_start3A_279 = tpu.memref_squeeze %dma_start3A_278 : memref<1x25x80xi32, #tpu.memory_space<vmem>> -> memref<25x80xi32, #tpu.memory_space<vmem>>
          %dma_start3A_280 = arith.constant 0 : i32
          %dma_start3A_281 = arith.constant 0 : i32
          %dma_start3A_282 = tpu.memref_slice %arg4[%add3A, %select_n3A_244, %dma_start3A_280, %dma_start3A_281] : memref<32x5x25x80xi32, #tpu.memory_space<hbm>> -> memref<1x1x25x80xi32, #tpu.memory_space<hbm>>
          %dma_start3A_283 = tpu.memref_squeeze %dma_start3A_282 : memref<1x1x25x80xi32, #tpu.memory_space<hbm>> -> memref<25x80xi32, #tpu.memory_space<hbm>>
          %dma_start3A_284 = arith.constant 0 : i32
          %dma_start3A_285 = arith.constant 0 : i32
          %dma_start3A_286 = tpu.memref_slice %arg7[%run_scoped3A_246, %dma_start3A_284, %dma_start3A_285] : memref<1x25x80xi32, #tpu.memory_space<vmem>> -> memref<1x25x80xi32, #tpu.memory_space<vmem>>
          %dma_start3A_287 = tpu.memref_squeeze %dma_start3A_286 : memref<1x25x80xi32, #tpu.memory_space<vmem>> -> memref<25x80xi32, #tpu.memory_space<vmem>>
          %dma_start3A_288 = arith.constant 0 : i32
          %dma_start3A_289 = arith.constant 0 : i32
          %dma_start3A_290 = tpu.memref_slice %arg4[%add3A, %select_n3A_244, %dma_start3A_288, %dma_start3A_289] : memref<32x5x25x80xi32, #tpu.memory_space<hbm>> -> memref<1x1x25x80xi32, #tpu.memory_space<hbm>>
          %dma_start3A_291 = tpu.memref_squeeze %dma_start3A_290 : memref<1x1x25x80xi32, #tpu.memory_space<hbm>> -> memref<25x80xi32, #tpu.memory_space<hbm>>
          tpu.enqueue_dma source(%dma_start3A_291 : memref<25x80xi32, #tpu.memory_space<hbm>>) target(%dma_start3A_287 : memref<25x80xi32, #tpu.memory_space<vmem>>) target_semaphore(%run_scoped3A_275 : memref<!tpu.dma_semaphore, #tpu.memory_space<semaphore_mem>>)
          %dma_wait3A_292 = arith.constant 0 : i32
          %dma_wait3A_293 = arith.constant 0 : i32
          %dma_wait3A_294 = tpu.memref_slice %arg7[%run_scoped3A_246, %dma_wait3A_292, %dma_wait3A_293] : memref<1x25x80xi32, #tpu.memory_space<vmem>> -> memref<1x25x80xi32, #tpu.memory_space<vmem>>
          %dma_wait3A_295 = tpu.memref_squeeze %dma_wait3A_294 : memref<1x25x80xi32, #tpu.memory_space<vmem>> -> memref<25x80xi32, #tpu.memory_space<vmem>>
          %dma_wait3A_296 = arith.constant 0 : i32
          %dma_wait3A_297 = arith.constant 0 : i32
          %dma_wait3A_298 = tpu.memref_slice %arg4[%add3A, %select_n3A_244, %dma_wait3A_296, %dma_wait3A_297] : memref<32x5x25x80xi32, #tpu.memory_space<hbm>> -> memref<1x1x25x80xi32, #tpu.memory_space<hbm>>
          %dma_wait3A_299 = tpu.memref_squeeze %dma_wait3A_298 : memref<1x1x25x80xi32, #tpu.memory_space<hbm>> -> memref<25x80xi32, #tpu.memory_space<hbm>>
          %dma_wait3A_300 = arith.constant 0 : i32
          %dma_wait3A_301 = arith.constant 0 : i32
          %dma_wait3A_302 = tpu.memref_slice %arg7[%run_scoped3A_246, %dma_wait3A_300, %dma_wait3A_301] : memref<1x25x80xi32, #tpu.memory_space<vmem>> -> memref<1x25x80xi32, #tpu.memory_space<vmem>>
          %dma_wait3A_303 = tpu.memref_squeeze %dma_wait3A_302 : memref<1x25x80xi32, #tpu.memory_space<vmem>> -> memref<25x80xi32, #tpu.memory_space<vmem>>
          %dma_wait3A_304 = arith.constant 0 : i32
          %dma_wait3A_305 = arith.constant 0 : i32
          %dma_wait3A_306 = tpu.memref_slice %arg4[%add3A, %select_n3A_244, %dma_wait3A_304, %dma_wait3A_305] : memref<32x5x25x80xi32, #tpu.memory_space<hbm>> -> memref<1x1x25x80xi32, #tpu.memory_space<hbm>>
          %dma_wait3A_307 = tpu.memref_squeeze %dma_wait3A_306 : memref<1x1x25x80xi32, #tpu.memory_space<hbm>> -> memref<25x80xi32, #tpu.memory_space<hbm>>
          tpu.wait_dma2 semaphore(%run_scoped3A_275 : memref<!tpu.dma_semaphore, #tpu.memory_space<semaphore_mem>>) src(%dma_wait3A_307 : memref<25x80xi32, #tpu.memory_space<hbm>>) dst(%dma_wait3A_303 : memref<25x80xi32, #tpu.memory_space<vmem>>)
          tpu.yield
        }) : () -> ()
        %jit3A_247 = arith.constant 25 : i32
        %eq3A_248 = arith.constant 0 : i32
        %eq3A_249 = arith.cmpi eq, %jit3A_247, %eq3A_248 : i32
        %jit3A_250 = arith.constant 1 : i32
        %select_n3A_251 = arith.select %eq3A_249, %jit3A_250, %jit3A_247 : i32
        %rem3A_252 = arith.remsi %sub3A_95, %select_n3A_251 : i32
        %ne3A_253 = arith.constant 0 : i32
        %ne3A_254 = arith.cmpi ne, %rem3A_252, %ne3A_253 : i32
        %lt3A_255 = arith.constant 0 : i32
        %lt3A_256 = arith.cmpi slt, %rem3A_252, %lt3A_255 : i32
        %lt3A_257 = arith.constant 0 : i32
        %lt3A_258 = arith.cmpi slt, %select_n3A_251, %lt3A_257 : i32
        %ne3A_259 = arith.xori %lt3A_256, %lt3A_258 : i1
        %and3A_260 = arith.andi %ne3A_259, %ne3A_254 : i1
        %add3A_261 = arith.addi %rem3A_252, %select_n3A_251 : i32
        %select_n3A_262 = arith.select %and3A_260, %add3A_261, %rem3A_252 : i32
        %dma_start3A_263 = arith.constant 0 : i32
        %dma_start3A_264 = arith.constant 1 : i32
        %dma_start3A_265 = arith.constant 0 : i32
        %dma_start3A_266 = arith.constant 0 : i32
        %dma_start3A_267 = tpu.memref_slice %arg8[%dma_start3A_264, %dma_start3A_265, %dma_start3A_266] : memref<2x80x128xf32, #tpu.memory_space<vmem>> -> memref<1x80x128xf32, #tpu.memory_space<vmem>>
        %dma_start3A_268 = tpu.memref_squeeze %dma_start3A_267 : memref<1x80x128xf32, #tpu.memory_space<vmem>> -> memref<80x128xf32, #tpu.memory_space<vmem>>
        %dma_start3A_269 = arith.constant 0 : i32
        %dma_start3A_270 = tpu.memref_slice %arg6[%dma_start3A_263, %select_n3A_262, %dma_start3A_269] : memref<1x25x80xi32, #tpu.memory_space<vmem>> -> memref<1x1x80xi32, #tpu.memory_space<vmem>>
        %dma_start3A_271 = tpu.memref_squeeze %dma_start3A_270 : memref<1x1x80xi32, #tpu.memory_space<vmem>> -> memref<80xi32, #tpu.memory_space<vmem>>
        %dma_start3A_272 = arith.constant 0 : i32
        %dma_start3A_273 = arith.constant 0 : i32
        %dma_start3A_274 = tpu.memref_slice %arg2[%dma_start3A_272, %dma_start3A_273] : memref<10000x128xf32, #tpu.memory_space<hbm>> -> memref<10000x128xf32, #tpu.memory_space<hbm>>
        tpu.enqueue_indirect_dma source(%dma_start3A_274 : memref<10000x128xf32, #tpu.memory_space<hbm>>) target(%dma_start3A_268 : memref<80x128xf32, #tpu.memory_space<vmem>>) offsets(%dma_start3A_271 : memref<80xi32, #tpu.memory_space<vmem>>) semaphore(%arg11 : memref<!tpu.dma_semaphore, #tpu.memory_space<semaphore_mem>>)
      } else {
      }
      %mul3A_150 = arith.constant 2 : i32
      %mul3A_151 = arith.muli %mul3A_150, %scan3A_88 : i32
      %add3A_152 = arith.constant 1 : i32
      %add3A_153 = arith.addi %mul3A_151, %add3A_152 : i32
      %add3A_154 = arith.constant 2 : i32
      %add3A_155 = arith.addi %add3A_153, %add3A_154 : i32
      %sub3A_156 = arith.constant 1 : i32
      %sub3A_157 = arith.subi %add3A_155, %sub3A_156 : i32
      %jit3A_158 = arith.constant 25 : i32
      %eq3A_159 = arith.constant 0 : i32
      %eq3A_160 = arith.cmpi eq, %jit3A_158, %eq3A_159 : i32
      %jit3A_161 = arith.constant 1 : i32
      %select_n3A_162 = arith.select %eq3A_160, %jit3A_161, %jit3A_158 : i32
      %rem3A_163 = arith.remsi %sub3A_157, %select_n3A_162 : i32
      %ne3A_164 = arith.constant 0 : i32
      %ne3A_165 = arith.cmpi ne, %rem3A_163, %ne3A_164 : i32
      %lt3A_166 = arith.constant 0 : i32
      %lt3A_167 = arith.cmpi slt, %rem3A_163, %lt3A_166 : i32
      %lt3A_168 = arith.constant 0 : i32
      %lt3A_169 = arith.cmpi slt, %select_n3A_162, %lt3A_168 : i32
      %ne3A_170 = arith.xori %lt3A_167, %lt3A_169 : i1
      %and3A_171 = arith.andi %ne3A_170, %ne3A_165 : i1
      %add3A_172 = arith.addi %rem3A_163, %select_n3A_162 : i32
      %select_n3A_173 = arith.select %and3A_171, %add3A_172, %rem3A_163 : i32
      %eq3A_174 = arith.constant 0 : i32
      %eq3A_175 = arith.cmpi eq, %select_n3A_173, %eq3A_174 : i32
      %ge3A_176 = arith.constant 125 : i32
      %ge3A_177 = arith.cmpi sge, %sub3A_157, %ge3A_176 : i32
      %not3A_178 = arith.constant true
      %not3A_179 = arith.xori %ge3A_177, %not3A_178 : i1
      %not3A_180 = arith.constant true
      %not3A_181 = arith.xori %eq3A_175, %not3A_180 : i1
      %and3A_182 = arith.andi %not3A_179, %not3A_181 : i1
      %convert_element_type3A_183 = arith.extui %and3A_182 : i1 to i32
      %cond3A_184 = arith.constant 0 : i32
      %cond3A_185 = arith.cmpi ne, %convert_element_type3A_183, %cond3A_184 : i32
      scf.if %cond3A_185 {
        %jit3A_223 = arith.constant 25 : i32
        %eq3A_224 = arith.constant 0 : i32
        %eq3A_225 = arith.cmpi eq, %jit3A_223, %eq3A_224 : i32
        %jit3A_226 = arith.constant 1 : i32
        %select_n3A_227 = arith.select %eq3A_225, %jit3A_226, %jit3A_223 : i32
        %rem3A_228 = arith.remsi %sub3A_157, %select_n3A_227 : i32
        %ne3A_229 = arith.constant 0 : i32
        %ne3A_230 = arith.cmpi ne, %rem3A_228, %ne3A_229 : i32
        %lt3A_231 = arith.constant 0 : i32
        %lt3A_232 = arith.cmpi slt, %rem3A_228, %lt3A_231 : i32
        %lt3A_233 = arith.constant 0 : i32
        %lt3A_234 = arith.cmpi slt, %select_n3A_227, %lt3A_233 : i32
        %ne3A_235 = arith.xori %lt3A_232, %lt3A_234 : i1
        %and3A_236 = arith.andi %ne3A_235, %ne3A_230 : i1
        %add3A_237 = arith.addi %rem3A_228, %select_n3A_227 : i32
        %select_n3A_238 = arith.select %and3A_236, %add3A_237, %rem3A_228 : i32
        %dma_start3A_239 = arith.constant 0 : i32
        %dma_start3A_240 = arith.constant 0 : i32
        %dma_start3A_241 = arith.constant 0 : i32
        %dma_start3A_242 = arith.constant 0 : i32
        %dma_start3A_243 = tpu.memref_slice %arg8[%dma_start3A_240, %dma_start3A_241, %dma_start3A_242] : memref<2x80x128xf32, #tpu.memory_space<vmem>> -> memref<1x80x128xf32, #tpu.memory_space<vmem>>
        %dma_start3A_244 = tpu.memref_squeeze %dma_start3A_243 : memref<1x80x128xf32, #tpu.memory_space<vmem>> -> memref<80x128xf32, #tpu.memory_space<vmem>>
        %dma_start3A_245 = arith.constant 0 : i32
        %dma_start3A_246 = tpu.memref_slice %arg6[%dma_start3A_239, %select_n3A_238, %dma_start3A_245] : memref<1x25x80xi32, #tpu.memory_space<vmem>> -> memref<1x1x80xi32, #tpu.memory_space<vmem>>
        %dma_start3A_247 = tpu.memref_squeeze %dma_start3A_246 : memref<1x1x80xi32, #tpu.memory_space<vmem>> -> memref<80xi32, #tpu.memory_space<vmem>>
        %dma_start3A_248 = arith.constant 0 : i32
        %dma_start3A_249 = arith.constant 0 : i32
        %dma_start3A_250 = tpu.memref_slice %arg2[%dma_start3A_248, %dma_start3A_249] : memref<10000x128xf32, #tpu.memory_space<hbm>> -> memref<10000x128xf32, #tpu.memory_space<hbm>>
        tpu.enqueue_indirect_dma source(%dma_start3A_250 : memref<10000x128xf32, #tpu.memory_space<hbm>>) target(%dma_start3A_244 : memref<80x128xf32, #tpu.memory_space<vmem>>) offsets(%dma_start3A_247 : memref<80xi32, #tpu.memory_space<vmem>>) semaphore(%arg10 : memref<!tpu.dma_semaphore, #tpu.memory_space<semaphore_mem>>)
      } else {
      }
      %dma_wait3A_186 = arith.constant 0 : i32
      %dma_wait3A_187 = arith.constant 0 : i32
      %dma_wait3A_188 = arith.constant 1 : i32
      %dma_wait3A_189 = arith.constant 0 : i32
      %dma_wait3A_190 = arith.constant 0 : i32
      %dma_wait3A_191 = tpu.memref_slice %arg8[%dma_wait3A_188, %dma_wait3A_189, %dma_wait3A_190] : memref<2x80x128xf32, #tpu.memory_space<vmem>> -> memref<1x80x128xf32, #tpu.memory_space<vmem>>
      %dma_wait3A_192 = tpu.memref_squeeze %dma_wait3A_191 : memref<1x80x128xf32, #tpu.memory_space<vmem>> -> memref<80x128xf32, #tpu.memory_space<vmem>>
      %dma_wait3A_193 = arith.constant 0 : i32
      %dma_wait3A_194 = tpu.memref_slice %arg6[%dma_wait3A_186, %dma_wait3A_187, %dma_wait3A_193] : memref<1x25x80xi32, #tpu.memory_space<vmem>> -> memref<1x1x80xi32, #tpu.memory_space<vmem>>
      %dma_wait3A_195 = tpu.memref_squeeze %dma_wait3A_194 : memref<1x1x80xi32, #tpu.memory_space<vmem>> -> memref<80xi32, #tpu.memory_space<vmem>>
      %dma_wait3A_196 = arith.constant 0 : i32
      %dma_wait3A_197 = arith.constant 0 : i32
      %dma_wait3A_198 = tpu.memref_slice %arg2[%dma_wait3A_196, %dma_wait3A_197] : memref<10000x128xf32, #tpu.memory_space<hbm>> -> memref<10000x128xf32, #tpu.memory_space<hbm>>
      tpu.wait_indirect_dma semaphore(%arg11 : memref<!tpu.dma_semaphore, #tpu.memory_space<semaphore_mem>>) src(%dma_wait3A_198 : memref<10000x128xf32, #tpu.memory_space<hbm>>) dst(%dma_wait3A_192 : memref<80x128xf32, #tpu.memory_space<vmem>>)
      %jit3A_199 = arith.constant 25 : i32
      %eq3A_200 = arith.constant 0 : i32
      %eq3A_201 = arith.cmpi eq, %jit3A_199, %eq3A_200 : i32
      %jit3A_202 = arith.constant 1 : i32
      %select_n3A_203 = arith.select %eq3A_201, %jit3A_202, %jit3A_199 : i32
      %rem3A_204 = arith.remsi %add3A_153, %select_n3A_203 : i32
      %ne3A_205 = arith.constant 0 : i32
      %ne3A_206 = arith.cmpi ne, %rem3A_204, %ne3A_205 : i32
      %lt3A_207 = arith.constant 0 : i32
      %lt3A_208 = arith.cmpi slt, %rem3A_204, %lt3A_207 : i32
      %lt3A_209 = arith.constant 0 : i32
      %lt3A_210 = arith.cmpi slt, %select_n3A_203, %lt3A_209 : i32
      %ne3A_211 = arith.xori %lt3A_208, %lt3A_210 : i1
      %and3A_212 = arith.andi %ne3A_211, %ne3A_206 : i1
      %add3A_213 = arith.addi %rem3A_204, %select_n3A_203 : i32
      %select_n3A_214 = arith.select %and3A_212, %add3A_213, %rem3A_204 : i32
      %run_scoped3A_215 = arith.constant 1 : i32
      %run_scoped3A_216 = arith.constant 0 : i32
      "tpu.region"() ({
        %run_scoped3A_223 = tpu.sem_alloc : memref<!tpu.dma_semaphore, #tpu.memory_space<semaphore_mem>>
        %dma_start3A_224 = arith.constant 0 : i32
        %dma_start3A_225 = arith.constant 0 : i32
        %dma_start3A_226 = tpu.memref_slice %arg8[%run_scoped3A_215, %dma_start3A_224, %dma_start3A_225] : memref<2x80x128xf32, #tpu.memory_space<vmem>> -> memref<1x80x128xf32, #tpu.memory_space<vmem>>
        %dma_start3A_227 = tpu.memref_squeeze %dma_start3A_226 : memref<1x80x128xf32, #tpu.memory_space<vmem>> -> memref<80x128xf32, #tpu.memory_space<vmem>>
        %dma_start3A_228 = arith.constant 0 : i32
        %dma_start3A_229 = tpu.memref_slice %arg7[%run_scoped3A_216, %select_n3A_214, %dma_start3A_228] : memref<1x25x80xi32, #tpu.memory_space<vmem>> -> memref<1x1x80xi32, #tpu.memory_space<vmem>>
        %dma_start3A_230 = tpu.memref_squeeze %dma_start3A_229 : memref<1x1x80xi32, #tpu.memory_space<vmem>> -> memref<80xi32, #tpu.memory_space<vmem>>
        %dma_start3A_231 = arith.constant 0 : i32
        %dma_start3A_232 = arith.constant 0 : i32
        %dma_start3A_233 = tpu.memref_slice %arg9[%dma_start3A_231, %dma_start3A_232] : memref<10240x128xf32, #tpu.memory_space<vmem_shared>> -> memref<10240x128xf32, #tpu.memory_space<vmem_shared>>
        tpu.enqueue_indirect_dma source(%dma_start3A_227 : memref<80x128xf32, #tpu.memory_space<vmem>>) target(%dma_start3A_233 : memref<10240x128xf32, #tpu.memory_space<vmem_shared>>) offsets(%dma_start3A_230 : memref<80xi32, #tpu.memory_space<vmem>>) semaphore(%run_scoped3A_223 : memref<!tpu.dma_semaphore, #tpu.memory_space<semaphore_mem>>) {add = true}
        %dma_wait3A_234 = arith.constant 0 : i32
        %dma_wait3A_235 = arith.constant 0 : i32
        %dma_wait3A_236 = tpu.memref_slice %arg8[%run_scoped3A_215, %dma_wait3A_234, %dma_wait3A_235] : memref<2x80x128xf32, #tpu.memory_space<vmem>> -> memref<1x80x128xf32, #tpu.memory_space<vmem>>
        %dma_wait3A_237 = tpu.memref_squeeze %dma_wait3A_236 : memref<1x80x128xf32, #tpu.memory_space<vmem>> -> memref<80x128xf32, #tpu.memory_space<vmem>>
        %dma_wait3A_238 = arith.constant 0 : i32
        %dma_wait3A_239 = tpu.memref_slice %arg7[%run_scoped3A_216, %select_n3A_214, %dma_wait3A_238] : memref<1x25x80xi32, #tpu.memory_space<vmem>> -> memref<1x1x80xi32, #tpu.memory_space<vmem>>
        %dma_wait3A_240 = tpu.memref_squeeze %dma_wait3A_239 : memref<1x1x80xi32, #tpu.memory_space<vmem>> -> memref<80xi32, #tpu.memory_space<vmem>>
        %dma_wait3A_241 = arith.constant 0 : i32
        %dma_wait3A_242 = arith.constant 0 : i32
        %dma_wait3A_243 = tpu.memref_slice %arg9[%dma_wait3A_241, %dma_wait3A_242] : memref<10240x128xf32, #tpu.memory_space<vmem_shared>> -> memref<10240x128xf32, #tpu.memory_space<vmem_shared>>
        tpu.wait_indirect_dma semaphore(%run_scoped3A_223 : memref<!tpu.dma_semaphore, #tpu.memory_space<semaphore_mem>>) src(%dma_wait3A_237 : memref<80x128xf32, #tpu.memory_space<vmem>>) dst(%dma_wait3A_243 : memref<10240x128xf32, #tpu.memory_space<vmem_shared>>)
        tpu.yield
      }) : () -> ()
      %not3A_217 = arith.constant true
      %not3A_218 = arith.xori %ge3A_177, %not3A_217 : i1
      %and3A_219 = arith.andi %not3A_218, %eq3A_175 : i1
      %convert_element_type3A_220 = arith.extui %and3A_219 : i1 to i32
      %cond3A_221 = arith.constant 0 : i32
      %cond3A_222 = arith.cmpi ne, %convert_element_type3A_220, %cond3A_221 : i32
      scf.if %cond3A_222 {
        %jit3A_223 = arith.constant 25 : i32
        %div3A = arith.divsi %sub3A_157, %jit3A_223 : i32
        %sign3A = arith.constant 0 : i32
        %sign3A_224 = arith.cmpi sgt, %sub3A_157, %sign3A : i32
        %sign3A_225 = arith.extui %sign3A_224 : i1 to i32
        %sign3A_226 = arith.constant 0 : i32
        %sign3A_227 = arith.cmpi slt, %sub3A_157, %sign3A_226 : i32
        %sign3A_228 = arith.extui %sign3A_227 : i1 to i32
        %sign3A_229 = arith.subi %sign3A_225, %sign3A_228 : i32
        %sign3A_230 = arith.constant 0 : i32
        %sign3A_231 = arith.cmpi sgt, %jit3A_223, %sign3A_230 : i32
        %sign3A_232 = arith.extui %sign3A_231 : i1 to i32
        %sign3A_233 = arith.constant 0 : i32
        %sign3A_234 = arith.cmpi slt, %jit3A_223, %sign3A_233 : i32
        %sign3A_235 = arith.extui %sign3A_234 : i1 to i32
        %sign3A_236 = arith.subi %sign3A_232, %sign3A_235 : i32
        %ne3A_237 = arith.cmpi ne, %sign3A_229, %sign3A_236 : i32
        %rem3A_238 = arith.remsi %sub3A_157, %jit3A_223 : i32
        %ne3A_239 = arith.constant 0 : i32
        %ne3A_240 = arith.cmpi ne, %rem3A_238, %ne3A_239 : i32
        %and3A_241 = arith.andi %ne3A_237, %ne3A_240 : i1
        %sub3A_242 = arith.constant 1 : i32
        %sub3A_243 = arith.subi %div3A, %sub3A_242 : i32
        %select_n3A_244 = arith.select %and3A_241, %sub3A_243, %div3A : i32
        %run_scoped3A_245 = arith.constant 0 : i32
        "tpu.region"() ({
          %run_scoped3A_275 = tpu.sem_alloc : memref<!tpu.dma_semaphore, #tpu.memory_space<semaphore_mem>>
          %dma_start3A_276 = arith.constant 0 : i32
          %dma_start3A_277 = arith.constant 0 : i32
          %dma_start3A_278 = tpu.memref_slice %arg6[%run_scoped3A_245, %dma_start3A_276, %dma_start3A_277] : memref<1x25x80xi32, #tpu.memory_space<vmem>> -> memref<1x25x80xi32, #tpu.memory_space<vmem>>
          %dma_start3A_279 = tpu.memref_squeeze %dma_start3A_278 : memref<1x25x80xi32, #tpu.memory_space<vmem>> -> memref<25x80xi32, #tpu.memory_space<vmem>>
          %dma_start3A_280 = arith.constant 0 : i32
          %dma_start3A_281 = arith.constant 0 : i32
          %dma_start3A_282 = tpu.memref_slice %arg3[%add3A, %select_n3A_244, %dma_start3A_280, %dma_start3A_281] : memref<32x5x25x80xi32, #tpu.memory_space<hbm>> -> memref<1x1x25x80xi32, #tpu.memory_space<hbm>>
          %dma_start3A_283 = tpu.memref_squeeze %dma_start3A_282 : memref<1x1x25x80xi32, #tpu.memory_space<hbm>> -> memref<25x80xi32, #tpu.memory_space<hbm>>
          %dma_start3A_284 = arith.constant 0 : i32
          %dma_start3A_285 = arith.constant 0 : i32
          %dma_start3A_286 = tpu.memref_slice %arg6[%run_scoped3A_245, %dma_start3A_284, %dma_start3A_285] : memref<1x25x80xi32, #tpu.memory_space<vmem>> -> memref<1x25x80xi32, #tpu.memory_space<vmem>>
          %dma_start3A_287 = tpu.memref_squeeze %dma_start3A_286 : memref<1x25x80xi32, #tpu.memory_space<vmem>> -> memref<25x80xi32, #tpu.memory_space<vmem>>
          %dma_start3A_288 = arith.constant 0 : i32
          %dma_start3A_289 = arith.constant 0 : i32
          %dma_start3A_290 = tpu.memref_slice %arg3[%add3A, %select_n3A_244, %dma_start3A_288, %dma_start3A_289] : memref<32x5x25x80xi32, #tpu.memory_space<hbm>> -> memref<1x1x25x80xi32, #tpu.memory_space<hbm>>
          %dma_start3A_291 = tpu.memref_squeeze %dma_start3A_290 : memref<1x1x25x80xi32, #tpu.memory_space<hbm>> -> memref<25x80xi32, #tpu.memory_space<hbm>>
          tpu.enqueue_dma source(%dma_start3A_291 : memref<25x80xi32, #tpu.memory_space<hbm>>) target(%dma_start3A_287 : memref<25x80xi32, #tpu.memory_space<vmem>>) target_semaphore(%run_scoped3A_275 : memref<!tpu.dma_semaphore, #tpu.memory_space<semaphore_mem>>)
          %dma_wait3A_292 = arith.constant 0 : i32
          %dma_wait3A_293 = arith.constant 0 : i32
          %dma_wait3A_294 = tpu.memref_slice %arg6[%run_scoped3A_245, %dma_wait3A_292, %dma_wait3A_293] : memref<1x25x80xi32, #tpu.memory_space<vmem>> -> memref<1x25x80xi32, #tpu.memory_space<vmem>>
          %dma_wait3A_295 = tpu.memref_squeeze %dma_wait3A_294 : memref<1x25x80xi32, #tpu.memory_space<vmem>> -> memref<25x80xi32, #tpu.memory_space<vmem>>
          %dma_wait3A_296 = arith.constant 0 : i32
          %dma_wait3A_297 = arith.constant 0 : i32
          %dma_wait3A_298 = tpu.memref_slice %arg3[%add3A, %select_n3A_244, %dma_wait3A_296, %dma_wait3A_297] : memref<32x5x25x80xi32, #tpu.memory_space<hbm>> -> memref<1x1x25x80xi32, #tpu.memory_space<hbm>>
          %dma_wait3A_299 = tpu.memref_squeeze %dma_wait3A_298 : memref<1x1x25x80xi32, #tpu.memory_space<hbm>> -> memref<25x80xi32, #tpu.memory_space<hbm>>
          %dma_wait3A_300 = arith.constant 0 : i32
          %dma_wait3A_301 = arith.constant 0 : i32
          %dma_wait3A_302 = tpu.memref_slice %arg6[%run_scoped3A_245, %dma_wait3A_300, %dma_wait3A_301] : memref<1x25x80xi32, #tpu.memory_space<vmem>> -> memref<1x25x80xi32, #tpu.memory_space<vmem>>
          %dma_wait3A_303 = tpu.memref_squeeze %dma_wait3A_302 : memref<1x25x80xi32, #tpu.memory_space<vmem>> -> memref<25x80xi32, #tpu.memory_space<vmem>>
          %dma_wait3A_304 = arith.constant 0 : i32
          %dma_wait3A_305 = arith.constant 0 : i32
          %dma_wait3A_306 = tpu.memref_slice %arg3[%add3A, %select_n3A_244, %dma_wait3A_304, %dma_wait3A_305] : memref<32x5x25x80xi32, #tpu.memory_space<hbm>> -> memref<1x1x25x80xi32, #tpu.memory_space<hbm>>
          %dma_wait3A_307 = tpu.memref_squeeze %dma_wait3A_306 : memref<1x1x25x80xi32, #tpu.memory_space<hbm>> -> memref<25x80xi32, #tpu.memory_space<hbm>>
          tpu.wait_dma2 semaphore(%run_scoped3A_275 : memref<!tpu.dma_semaphore, #tpu.memory_space<semaphore_mem>>) src(%dma_wait3A_307 : memref<25x80xi32, #tpu.memory_space<hbm>>) dst(%dma_wait3A_303 : memref<25x80xi32, #tpu.memory_space<vmem>>)
          tpu.yield
        }) : () -> ()
        %run_scoped3A_246 = arith.constant 0 : i32
        "tpu.region"() ({
          %run_scoped3A_275 = tpu.sem_alloc : memref<!tpu.dma_semaphore, #tpu.memory_space<semaphore_mem>>
          %dma_start3A_276 = arith.constant 0 : i32
          %dma_start3A_277 = arith.constant 0 : i32
          %dma_start3A_278 = tpu.memref_slice %arg7[%run_scoped3A_246, %dma_start3A_276, %dma_start3A_277] : memref<1x25x80xi32, #tpu.memory_space<vmem>> -> memref<1x25x80xi32, #tpu.memory_space<vmem>>
          %dma_start3A_279 = tpu.memref_squeeze %dma_start3A_278 : memref<1x25x80xi32, #tpu.memory_space<vmem>> -> memref<25x80xi32, #tpu.memory_space<vmem>>
          %dma_start3A_280 = arith.constant 0 : i32
          %dma_start3A_281 = arith.constant 0 : i32
          %dma_start3A_282 = tpu.memref_slice %arg4[%add3A, %select_n3A_244, %dma_start3A_280, %dma_start3A_281] : memref<32x5x25x80xi32, #tpu.memory_space<hbm>> -> memref<1x1x25x80xi32, #tpu.memory_space<hbm>>
          %dma_start3A_283 = tpu.memref_squeeze %dma_start3A_282 : memref<1x1x25x80xi32, #tpu.memory_space<hbm>> -> memref<25x80xi32, #tpu.memory_space<hbm>>
          %dma_start3A_284 = arith.constant 0 : i32
          %dma_start3A_285 = arith.constant 0 : i32
          %dma_start3A_286 = tpu.memref_slice %arg7[%run_scoped3A_246, %dma_start3A_284, %dma_start3A_285] : memref<1x25x80xi32, #tpu.memory_space<vmem>> -> memref<1x25x80xi32, #tpu.memory_space<vmem>>
          %dma_start3A_287 = tpu.memref_squeeze %dma_start3A_286 : memref<1x25x80xi32, #tpu.memory_space<vmem>> -> memref<25x80xi32, #tpu.memory_space<vmem>>
          %dma_start3A_288 = arith.constant 0 : i32
          %dma_start3A_289 = arith.constant 0 : i32
          %dma_start3A_290 = tpu.memref_slice %arg4[%add3A, %select_n3A_244, %dma_start3A_288, %dma_start3A_289] : memref<32x5x25x80xi32, #tpu.memory_space<hbm>> -> memref<1x1x25x80xi32, #tpu.memory_space<hbm>>
          %dma_start3A_291 = tpu.memref_squeeze %dma_start3A_290 : memref<1x1x25x80xi32, #tpu.memory_space<hbm>> -> memref<25x80xi32, #tpu.memory_space<hbm>>
          tpu.enqueue_dma source(%dma_start3A_291 : memref<25x80xi32, #tpu.memory_space<hbm>>) target(%dma_start3A_287 : memref<25x80xi32, #tpu.memory_space<vmem>>) target_semaphore(%run_scoped3A_275 : memref<!tpu.dma_semaphore, #tpu.memory_space<semaphore_mem>>)
          %dma_wait3A_292 = arith.constant 0 : i32
          %dma_wait3A_293 = arith.constant 0 : i32
          %dma_wait3A_294 = tpu.memref_slice %arg7[%run_scoped3A_246, %dma_wait3A_292, %dma_wait3A_293] : memref<1x25x80xi32, #tpu.memory_space<vmem>> -> memref<1x25x80xi32, #tpu.memory_space<vmem>>
          %dma_wait3A_295 = tpu.memref_squeeze %dma_wait3A_294 : memref<1x25x80xi32, #tpu.memory_space<vmem>> -> memref<25x80xi32, #tpu.memory_space<vmem>>
          %dma_wait3A_296 = arith.constant 0 : i32
          %dma_wait3A_297 = arith.constant 0 : i32
          %dma_wait3A_298 = tpu.memref_slice %arg4[%add3A, %select_n3A_244, %dma_wait3A_296, %dma_wait3A_297] : memref<32x5x25x80xi32, #tpu.memory_space<hbm>> -> memref<1x1x25x80xi32, #tpu.memory_space<hbm>>
          %dma_wait3A_299 = tpu.memref_squeeze %dma_wait3A_298 : memref<1x1x25x80xi32, #tpu.memory_space<hbm>> -> memref<25x80xi32, #tpu.memory_space<hbm>>
          %dma_wait3A_300 = arith.constant 0 : i32
          %dma_wait3A_301 = arith.constant 0 : i32
          %dma_wait3A_302 = tpu.memref_slice %arg7[%run_scoped3A_246, %dma_wait3A_300, %dma_wait3A_301] : memref<1x25x80xi32, #tpu.memory_space<vmem>> -> memref<1x25x80xi32, #tpu.memory_space<vmem>>
          %dma_wait3A_303 = tpu.memref_squeeze %dma_wait3A_302 : memref<1x25x80xi32, #tpu.memory_space<vmem>> -> memref<25x80xi32, #tpu.memory_space<vmem>>
          %dma_wait3A_304 = arith.constant 0 : i32
          %dma_wait3A_305 = arith.constant 0 : i32
          %dma_wait3A_306 = tpu.memref_slice %arg4[%add3A, %select_n3A_244, %dma_wait3A_304, %dma_wait3A_305] : memref<32x5x25x80xi32, #tpu.memory_space<hbm>> -> memref<1x1x25x80xi32, #tpu.memory_space<hbm>>
          %dma_wait3A_307 = tpu.memref_squeeze %dma_wait3A_306 : memref<1x1x25x80xi32, #tpu.memory_space<hbm>> -> memref<25x80xi32, #tpu.memory_space<hbm>>
          tpu.wait_dma2 semaphore(%run_scoped3A_275 : memref<!tpu.dma_semaphore, #tpu.memory_space<semaphore_mem>>) src(%dma_wait3A_307 : memref<25x80xi32, #tpu.memory_space<hbm>>) dst(%dma_wait3A_303 : memref<25x80xi32, #tpu.memory_space<vmem>>)
          tpu.yield
        }) : () -> ()
        %jit3A_247 = arith.constant 25 : i32
        %eq3A_248 = arith.constant 0 : i32
        %eq3A_249 = arith.cmpi eq, %jit3A_247, %eq3A_248 : i32
        %jit3A_250 = arith.constant 1 : i32
        %select_n3A_251 = arith.select %eq3A_249, %jit3A_250, %jit3A_247 : i32
        %rem3A_252 = arith.remsi %sub3A_157, %select_n3A_251 : i32
        %ne3A_253 = arith.constant 0 : i32
        %ne3A_254 = arith.cmpi ne, %rem3A_252, %ne3A_253 : i32
        %lt3A_255 = arith.constant 0 : i32
        %lt3A_256 = arith.cmpi slt, %rem3A_252, %lt3A_255 : i32
        %lt3A_257 = arith.constant 0 : i32
        %lt3A_258 = arith.cmpi slt, %select_n3A_251, %lt3A_257 : i32
        %ne3A_259 = arith.xori %lt3A_256, %lt3A_258 : i1
        %and3A_260 = arith.andi %ne3A_259, %ne3A_254 : i1
        %add3A_261 = arith.addi %rem3A_252, %select_n3A_251 : i32
        %select_n3A_262 = arith.select %and3A_260, %add3A_261, %rem3A_252 : i32
        %dma_start3A_263 = arith.constant 0 : i32
        %dma_start3A_264 = arith.constant 0 : i32
        %dma_start3A_265 = arith.constant 0 : i32
        %dma_start3A_266 = arith.constant 0 : i32
        %dma_start3A_267 = tpu.memref_slice %arg8[%dma_start3A_264, %dma_start3A_265, %dma_start3A_266] : memref<2x80x128xf32, #tpu.memory_space<vmem>> -> memref<1x80x128xf32, #tpu.memory_space<vmem>>
        %dma_start3A_268 = tpu.memref_squeeze %dma_start3A_267 : memref<1x80x128xf32, #tpu.memory_space<vmem>> -> memref<80x128xf32, #tpu.memory_space<vmem>>
        %dma_start3A_269 = arith.constant 0 : i32
        %dma_start3A_270 = tpu.memref_slice %arg6[%dma_start3A_263, %select_n3A_262, %dma_start3A_269] : memref<1x25x80xi32, #tpu.memory_space<vmem>> -> memref<1x1x80xi32, #tpu.memory_space<vmem>>
        %dma_start3A_271 = tpu.memref_squeeze %dma_start3A_270 : memref<1x1x80xi32, #tpu.memory_space<vmem>> -> memref<80xi32, #tpu.memory_space<vmem>>
        %dma_start3A_272 = arith.constant 0 : i32
        %dma_start3A_273 = arith.constant 0 : i32
        %dma_start3A_274 = tpu.memref_slice %arg2[%dma_start3A_272, %dma_start3A_273] : memref<10000x128xf32, #tpu.memory_space<hbm>> -> memref<10000x128xf32, #tpu.memory_space<hbm>>
        tpu.enqueue_indirect_dma source(%dma_start3A_274 : memref<10000x128xf32, #tpu.memory_space<hbm>>) target(%dma_start3A_268 : memref<80x128xf32, #tpu.memory_space<vmem>>) offsets(%dma_start3A_271 : memref<80xi32, #tpu.memory_space<vmem>>) semaphore(%arg10 : memref<!tpu.dma_semaphore, #tpu.memory_space<semaphore_mem>>)
      } else {
      }
    }
    %scan3A_69 = arith.constant 62 : i32
    %dma_wait3A = arith.constant 0 : i32
    %dma_wait3A_70 = arith.constant 0 : i32
    %dma_wait3A_71 = arith.constant 0 : i32
    %dma_wait3A_72 = arith.constant 0 : i32
    %dma_wait3A_73 = arith.constant 0 : i32
    %dma_wait3A_74 = tpu.memref_slice %arg8[%dma_wait3A_71, %dma_wait3A_72, %dma_wait3A_73] : memref<2x80x128xf32, #tpu.memory_space<vmem>> -> memref<1x80x128xf32, #tpu.memory_space<vmem>>
    %dma_wait3A_75 = tpu.memref_squeeze %dma_wait3A_74 : memref<1x80x128xf32, #tpu.memory_space<vmem>> -> memref<80x128xf32, #tpu.memory_space<vmem>>
    %dma_wait3A_76 = arith.constant 0 : i32
    %dma_wait3A_77 = tpu.memref_slice %arg6[%dma_wait3A, %dma_wait3A_70, %dma_wait3A_76] : memref<1x25x80xi32, #tpu.memory_space<vmem>> -> memref<1x1x80xi32, #tpu.memory_space<vmem>>
    %dma_wait3A_78 = tpu.memref_squeeze %dma_wait3A_77 : memref<1x1x80xi32, #tpu.memory_space<vmem>> -> memref<80xi32, #tpu.memory_space<vmem>>
    %dma_wait3A_79 = arith.constant 0 : i32
    %dma_wait3A_80 = arith.constant 0 : i32
    %dma_wait3A_81 = tpu.memref_slice %arg2[%dma_wait3A_79, %dma_wait3A_80] : memref<10000x128xf32, #tpu.memory_space<hbm>> -> memref<10000x128xf32, #tpu.memory_space<hbm>>
    tpu.wait_indirect_dma semaphore(%arg10 : memref<!tpu.dma_semaphore, #tpu.memory_space<semaphore_mem>>) src(%dma_wait3A_81 : memref<10000x128xf32, #tpu.memory_space<hbm>>) dst(%dma_wait3A_75 : memref<80x128xf32, #tpu.memory_space<vmem>>)
    %run_scoped3A_82 = arith.constant 0 : i32
    %run_scoped3A_83 = arith.constant 0 : i32
    %run_scoped3A_84 = arith.constant 24 : i32
    "tpu.region"() ({
      %run_scoped3A_88 = tpu.sem_alloc : memref<!tpu.dma_semaphore, #tpu.memory_space<semaphore_mem>>
      %dma_start3A_89 = arith.constant 0 : i32
      %dma_start3A_90 = arith.constant 0 : i32
      %dma_start3A_91 = tpu.memref_slice %arg8[%run_scoped3A_82, %dma_start3A_89, %dma_start3A_90] : memref<2x80x128xf32, #tpu.memory_space<vmem>> -> memref<1x80x128xf32, #tpu.memory_space<vmem>>
      %dma_start3A_92 = tpu.memref_squeeze %dma_start3A_91 : memref<1x80x128xf32, #tpu.memory_space<vmem>> -> memref<80x128xf32, #tpu.memory_space<vmem>>
      %dma_start3A_93 = arith.constant 0 : i32
      %dma_start3A_94 = tpu.memref_slice %arg7[%run_scoped3A_83, %run_scoped3A_84, %dma_start3A_93] : memref<1x25x80xi32, #tpu.memory_space<vmem>> -> memref<1x1x80xi32, #tpu.memory_space<vmem>>
      %dma_start3A_95 = tpu.memref_squeeze %dma_start3A_94 : memref<1x1x80xi32, #tpu.memory_space<vmem>> -> memref<80xi32, #tpu.memory_space<vmem>>
      %dma_start3A_96 = arith.constant 0 : i32
      %dma_start3A_97 = arith.constant 0 : i32
      %dma_start3A_98 = tpu.memref_slice %arg9[%dma_start3A_96, %dma_start3A_97] : memref<10240x128xf32, #tpu.memory_space<vmem_shared>> -> memref<10240x128xf32, #tpu.memory_space<vmem_shared>>
      tpu.enqueue_indirect_dma source(%dma_start3A_92 : memref<80x128xf32, #tpu.memory_space<vmem>>) target(%dma_start3A_98 : memref<10240x128xf32, #tpu.memory_space<vmem_shared>>) offsets(%dma_start3A_95 : memref<80xi32, #tpu.memory_space<vmem>>) semaphore(%run_scoped3A_88 : memref<!tpu.dma_semaphore, #tpu.memory_space<semaphore_mem>>) {add = true}
      %dma_wait3A_99 = arith.constant 0 : i32
      %dma_wait3A_100 = arith.constant 0 : i32
      %dma_wait3A_101 = tpu.memref_slice %arg8[%run_scoped3A_82, %dma_wait3A_99, %dma_wait3A_100] : memref<2x80x128xf32, #tpu.memory_space<vmem>> -> memref<1x80x128xf32, #tpu.memory_space<vmem>>
      %dma_wait3A_102 = tpu.memref_squeeze %dma_wait3A_101 : memref<1x80x128xf32, #tpu.memory_space<vmem>> -> memref<80x128xf32, #tpu.memory_space<vmem>>
      %dma_wait3A_103 = arith.constant 0 : i32
      %dma_wait3A_104 = tpu.memref_slice %arg7[%run_scoped3A_83, %run_scoped3A_84, %dma_wait3A_103] : memref<1x25x80xi32, #tpu.memory_space<vmem>> -> memref<1x1x80xi32, #tpu.memory_space<vmem>>
      %dma_wait3A_105 = tpu.memref_squeeze %dma_wait3A_104 : memref<1x1x80xi32, #tpu.memory_space<vmem>> -> memref<80xi32, #tpu.memory_space<vmem>>
      %dma_wait3A_106 = arith.constant 0 : i32
      %dma_wait3A_107 = arith.constant 0 : i32
      %dma_wait3A_108 = tpu.memref_slice %arg9[%dma_wait3A_106, %dma_wait3A_107] : memref<10240x128xf32, #tpu.memory_space<vmem_shared>> -> memref<10240x128xf32, #tpu.memory_space<vmem_shared>>
      tpu.wait_indirect_dma semaphore(%run_scoped3A_88 : memref<!tpu.dma_semaphore, #tpu.memory_space<semaphore_mem>>) src(%dma_wait3A_102 : memref<80x128xf32, #tpu.memory_space<vmem>>) dst(%dma_wait3A_108 : memref<10240x128xf32, #tpu.memory_space<vmem_shared>>)
      tpu.yield
    }) : () -> ()
    %barrier3A_85 = arith.constant 0 : index
    tpu.barrier barrier_id(%barrier3A_85)
    %mul3A_86 = arith.constant 640 : i32
    %mul3A_87 = arith.muli %arg1, %mul3A_86 : i32
    "tpu.region"() ({
      %run_scoped3A_88 = tpu.sem_alloc : memref<!tpu.dma_semaphore, #tpu.memory_space<semaphore_mem>>
      %dma_start3A_89 = arith.constant 0 : i32
      %dma_start3A_90 = tpu.memref_slice %arg5[%arg0, %mul3A_87, %dma_start3A_89] : memref<2x10240x128xf32, #tpu.memory_space<hbm>> -> memref<1x640x128xf32, #tpu.memory_space<hbm>>
      %dma_start3A_91 = tpu.memref_squeeze %dma_start3A_90 : memref<1x640x128xf32, #tpu.memory_space<hbm>> -> memref<640x128xf32, #tpu.memory_space<hbm>>
      %dma_start3A_92 = arith.constant 0 : i32
      %dma_start3A_93 = tpu.memref_slice %arg9[%mul3A_87, %dma_start3A_92] : memref<10240x128xf32, #tpu.memory_space<vmem_shared>> -> memref<640x128xf32, #tpu.memory_space<vmem_shared>>
      tpu.enqueue_dma source(%dma_start3A_93 : memref<640x128xf32, #tpu.memory_space<vmem_shared>>) target(%dma_start3A_91 : memref<640x128xf32, #tpu.memory_space<hbm>>) target_semaphore(%run_scoped3A_88 : memref<!tpu.dma_semaphore, #tpu.memory_space<semaphore_mem>>)
      %dma_wait3A_94 = arith.constant 0 : i32
      %dma_wait3A_95 = tpu.memref_slice %arg5[%arg0, %mul3A_87, %dma_wait3A_94] : memref<2x10240x128xf32, #tpu.memory_space<hbm>> -> memref<1x640x128xf32, #tpu.memory_space<hbm>>
      %dma_wait3A_96 = tpu.memref_squeeze %dma_wait3A_95 : memref<1x640x128xf32, #tpu.memory_space<hbm>> -> memref<640x128xf32, #tpu.memory_space<hbm>>
      %dma_wait3A_97 = arith.constant 0 : i32
      %dma_wait3A_98 = tpu.memref_slice %arg9[%mul3A_87, %dma_wait3A_97] : memref<10240x128xf32, #tpu.memory_space<vmem_shared>> -> memref<640x128xf32, #tpu.memory_space<vmem_shared>>
      tpu.wait_dma2 semaphore(%run_scoped3A_88 : memref<!tpu.dma_semaphore, #tpu.memory_space<semaphore_mem>>) src(%dma_wait3A_98 : memref<640x128xf32, #tpu.memory_space<vmem_shared>>) dst(%dma_wait3A_96 : memref<640x128xf32, #tpu.memory_space<hbm>>)
      tpu.yield
    }) : () -> ()
    return
  }
}

#map = affine_map<(d0, d1) -> (0, 0)>
#map1 = affine_map<(d0, d1) -> (0, 0, 0, 0)>
#map2 = affine_map<(d0, d1) -> (0, 0, 0)>
module attributes {stable_mosaic.version = 14 : i64} {
  func.func @_sc_agg_body(%arg0: i32, %arg1: i32, %arg2: memref<10000x128xf32, #tpu.memory_space<hbm>>, %arg3: memref<32x5x25x80xi32, #tpu.memory_space<hbm>>, %arg4: memref<32x5x25x80xi32, #tpu.memory_space<hbm>>, %arg5: memref<2x10240x128xf32, #tpu.memory_space<hbm>>, %arg6: memref<2x16x10240xf32, #tpu.memory_space<hbm>>, %arg7: memref<1x25x80xi32, #tpu.memory_space<vmem>>, %arg8: memref<1x25x80xi32, #tpu.memory_space<vmem>>, %arg9: memref<2x80x128xf32, #tpu.memory_space<vmem>>, %arg10: memref<10240x128xf32, #tpu.memory_space<vmem_shared>>, %arg11: memref<!tpu.dma_semaphore, #tpu.memory_space<semaphore_mem>>, %arg12: memref<!tpu.dma_semaphore, #tpu.memory_space<semaphore_mem>>, %arg13: memref<10240xf32, #tpu.memory_space<vmem>>) attributes {dimension_semantics = [#tpu.dimension_semantics<core_parallel>, #tpu.dimension_semantics<subcore_parallel>], iteration_bounds = array<i64: 2, 16>, scalar_prefetch = 0 : i64, scratch_operands = 7 : i64, tpu.core_type = #tpu.core_type<sc_vector_subcore>, window_params = [{transform_indices = #map}, {transform_indices = #map1}, {transform_indices = #map1}, {transform_indices = #map2}, {transform_indices = #map2}]} {
    %mul3A = arith.constant 16 : i32
    %mul3A_0 = arith.muli %arg0, %mul3A : i32
    %add3A = arith.addi %mul3A_0, %arg1 : i32
    %broadcast_in_dim3A = arith.constant 0.000000e+00 : f32
    %broadcast_in_dim3A_1 = vector.broadcast %broadcast_in_dim3A : f32 to vector<16xf32>
    %broadcast_in_dim3A_2 = arith.constant 1.000000e+00 : f32
    %broadcast_in_dim3A_3 = vector.broadcast %broadcast_in_dim3A_2 : f32 to vector<16xf32>
    %scan3A = arith.constant 0 : i32
    %scan3A_4 = arith.constant 0 : i32
    %scan3A_5 = arith.constant 80 : i32
    %scan3A_6 = arith.addi %scan3A_4, %scan3A_5 : i32
    %scan3A_7 = arith.constant 1 : i32
    scf.for %scan3A_123 = %scan3A_4 to %scan3A_6 step %scan3A_7  : i32 {
      %swap3A = arith.constant 0 : i32
      %swap3A_124 = arith.index_cast %swap3A : i32 to index
      %swap3A_125 = arith.index_cast %scan3A_123 : i32 to index
      %swap3A_126 = arith.constant 0 : index
      %swap3A_127 = tpu.vector_load %arg9[%swap3A_124, %swap3A_125, %swap3A_126] {strides = array<i32>} : memref<2x80x128xf32, #tpu.memory_space<vmem>>, vector<16xf32>,
      tpu.vector_store %arg9[%swap3A_124, %swap3A_125, %swap3A_126], %broadcast_in_dim3A_1 {strides = array<i32>} : memref<2x80x128xf32, #tpu.memory_space<vmem>>, vector<16xf32>,
      %swap3A_128 = arith.constant 0 : i32
      %swap3A_129 = arith.index_cast %swap3A_128 : i32 to index
      %swap3A_130 = arith.index_cast %scan3A_123 : i32 to index
      %swap3A_131 = arith.constant 16 : index
      %swap3A_132 = tpu.vector_load %arg9[%swap3A_129, %swap3A_130, %swap3A_131] {strides = array<i32>} : memref<2x80x128xf32, #tpu.memory_space<vmem>>, vector<16xf32>,
      tpu.vector_store %arg9[%swap3A_129, %swap3A_130, %swap3A_131], %broadcast_in_dim3A_1 {strides = array<i32>} : memref<2x80x128xf32, #tpu.memory_space<vmem>>, vector<16xf32>,
      %swap3A_133 = arith.constant 0 : i32
      %swap3A_134 = arith.index_cast %swap3A_133 : i32 to index
      %swap3A_135 = arith.index_cast %scan3A_123 : i32 to index
      %swap3A_136 = arith.constant 32 : index
      %swap3A_137 = tpu.vector_load %arg9[%swap3A_134, %swap3A_135, %swap3A_136] {strides = array<i32>} : memref<2x80x128xf32, #tpu.memory_space<vmem>>, vector<16xf32>,
      tpu.vector_store %arg9[%swap3A_134, %swap3A_135, %swap3A_136], %broadcast_in_dim3A_1 {strides = array<i32>} : memref<2x80x128xf32, #tpu.memory_space<vmem>>, vector<16xf32>,
      %swap3A_138 = arith.constant 0 : i32
      %swap3A_139 = arith.index_cast %swap3A_138 : i32 to index
      %swap3A_140 = arith.index_cast %scan3A_123 : i32 to index
      %swap3A_141 = arith.constant 48 : index
      %swap3A_142 = tpu.vector_load %arg9[%swap3A_139, %swap3A_140, %swap3A_141] {strides = array<i32>} : memref<2x80x128xf32, #tpu.memory_space<vmem>>, vector<16xf32>,
      tpu.vector_store %arg9[%swap3A_139, %swap3A_140, %swap3A_141], %broadcast_in_dim3A_1 {strides = array<i32>} : memref<2x80x128xf32, #tpu.memory_space<vmem>>, vector<16xf32>,
      %swap3A_143 = arith.constant 0 : i32
      %swap3A_144 = arith.index_cast %swap3A_143 : i32 to index
      %swap3A_145 = arith.index_cast %scan3A_123 : i32 to index
      %swap3A_146 = arith.constant 64 : index
      %swap3A_147 = tpu.vector_load %arg9[%swap3A_144, %swap3A_145, %swap3A_146] {strides = array<i32>} : memref<2x80x128xf32, #tpu.memory_space<vmem>>, vector<16xf32>,
      tpu.vector_store %arg9[%swap3A_144, %swap3A_145, %swap3A_146], %broadcast_in_dim3A_1 {strides = array<i32>} : memref<2x80x128xf32, #tpu.memory_space<vmem>>, vector<16xf32>,
      %swap3A_148 = arith.constant 0 : i32
      %swap3A_149 = arith.index_cast %swap3A_148 : i32 to index
      %swap3A_150 = arith.index_cast %scan3A_123 : i32 to index
      %swap3A_151 = arith.constant 80 : index
      %swap3A_152 = tpu.vector_load %arg9[%swap3A_149, %swap3A_150, %swap3A_151] {strides = array<i32>} : memref<2x80x128xf32, #tpu.memory_space<vmem>>, vector<16xf32>,
      tpu.vector_store %arg9[%swap3A_149, %swap3A_150, %swap3A_151], %broadcast_in_dim3A_1 {strides = array<i32>} : memref<2x80x128xf32, #tpu.memory_space<vmem>>, vector<16xf32>,
      %swap3A_153 = arith.constant 0 : i32
      %swap3A_154 = arith.index_cast %swap3A_153 : i32 to index
      %swap3A_155 = arith.index_cast %scan3A_123 : i32 to index
      %swap3A_156 = arith.constant 96 : index
      %swap3A_157 = tpu.vector_load %arg9[%swap3A_154, %swap3A_155, %swap3A_156] {strides = array<i32>} : memref<2x80x128xf32, #tpu.memory_space<vmem>>, vector<16xf32>,
      tpu.vector_store %arg9[%swap3A_154, %swap3A_155, %swap3A_156], %broadcast_in_dim3A_1 {strides = array<i32>} : memref<2x80x128xf32, #tpu.memory_space<vmem>>, vector<16xf32>,
      %swap3A_158 = arith.constant 0 : i32
      %swap3A_159 = arith.index_cast %swap3A_158 : i32 to index
      %swap3A_160 = arith.index_cast %scan3A_123 : i32 to index
      %swap3A_161 = arith.constant 112 : index
      %swap3A_162 = tpu.vector_load %arg9[%swap3A_159, %swap3A_160, %swap3A_161] {strides = array<i32>} : memref<2x80x128xf32, #tpu.memory_space<vmem>>, vector<16xf32>,
      tpu.vector_store %arg9[%swap3A_159, %swap3A_160, %swap3A_161], %broadcast_in_dim3A_1 {strides = array<i32>} : memref<2x80x128xf32, #tpu.memory_space<vmem>>, vector<16xf32>,
    }
    %scan3A_8 = arith.constant 80 : i32
    %mul3A_9 = arith.constant 640 : i32
    %mul3A_10 = arith.muli %arg1, %mul3A_9 : i32
    %add3A_11 = arith.constant 0 : i32
    %add3A_12 = arith.addi %mul3A_10, %add3A_11 : i32
    %run_scoped3A = arith.constant 0 : i32
    "tpu.region"() ({
      %run_scoped3A_123 = tpu.sem_alloc : memref<!tpu.dma_semaphore, #tpu.memory_space<semaphore_mem>>
      %dma_start3A_124 = arith.constant 0 : i32
      %dma_start3A_125 = arith.constant 0 : i32
      %dma_start3A_126 = tpu.memref_slice %arg9[%run_scoped3A, %dma_start3A_124, %dma_start3A_125] : memref<2x80x128xf32, #tpu.memory_space<vmem>> -> memref<1x80x128xf32, #tpu.memory_space<vmem>>
      %dma_start3A_127 = tpu.memref_squeeze %dma_start3A_126 : memref<1x80x128xf32, #tpu.memory_space<vmem>> -> memref<80x128xf32, #tpu.memory_space<vmem>>
      %dma_start3A_128 = arith.constant 0 : i32
      %dma_start3A_129 = tpu.memref_slice %arg10[%add3A_12, %dma_start3A_128] : memref<10240x128xf32, #tpu.memory_space<vmem_shared>> -> memref<80x128xf32, #tpu.memory_space<vmem_shared>>
      %dma_start3A_130 = arith.constant 0 : i32
      %dma_start3A_131 = tpu.memref_slice %arg10[%add3A_12, %dma_start3A_130] : memref<10240x128xf32, #tpu.memory_space<vmem_shared>> -> memref<80x128xf32, #tpu.memory_space<vmem_shared>>
      %dma_start3A_132 = arith.constant 0 : i32
      %dma_start3A_133 = arith.constant 0 : i32
      %dma_start3A_134 = tpu.memref_slice %arg9[%run_scoped3A, %dma_start3A_132, %dma_start3A_133] : memref<2x80x128xf32, #tpu.memory_space<vmem>> -> memref<1x80x128xf32, #tpu.memory_space<vmem>>
      %dma_start3A_135 = tpu.memref_squeeze %dma_start3A_134 : memref<1x80x128xf32, #tpu.memory_space<vmem>> -> memref<80x128xf32, #tpu.memory_space<vmem>>
      tpu.enqueue_dma source(%dma_start3A_135 : memref<80x128xf32, #tpu.memory_space<vmem>>) target(%dma_start3A_131 : memref<80x128xf32, #tpu.memory_space<vmem_shared>>) target_semaphore(%run_scoped3A_123 : memref<!tpu.dma_semaphore, #tpu.memory_space<semaphore_mem>>)
      %dma_wait3A_136 = arith.constant 0 : i32
      %dma_wait3A_137 = arith.constant 0 : i32
      %dma_wait3A_138 = tpu.memref_slice %arg9[%run_scoped3A, %dma_wait3A_136, %dma_wait3A_137] : memref<2x80x128xf32, #tpu.memory_space<vmem>> -> memref<1x80x128xf32, #tpu.memory_space<vmem>>
      %dma_wait3A_139 = tpu.memref_squeeze %dma_wait3A_138 : memref<1x80x128xf32, #tpu.memory_space<vmem>> -> memref<80x128xf32, #tpu.memory_space<vmem>>
      %dma_wait3A_140 = arith.constant 0 : i32
      %dma_wait3A_141 = tpu.memref_slice %arg10[%add3A_12, %dma_wait3A_140] : memref<10240x128xf32, #tpu.memory_space<vmem_shared>> -> memref<80x128xf32, #tpu.memory_space<vmem_shared>>
      %dma_wait3A_142 = arith.constant 0 : i32
      %dma_wait3A_143 = tpu.memref_slice %arg10[%add3A_12, %dma_wait3A_142] : memref<10240x128xf32, #tpu.memory_space<vmem_shared>> -> memref<80x128xf32, #tpu.memory_space<vmem_shared>>
      %dma_wait3A_144 = arith.constant 0 : i32
      %dma_wait3A_145 = arith.constant 0 : i32
      %dma_wait3A_146 = tpu.memref_slice %arg9[%run_scoped3A, %dma_wait3A_144, %dma_wait3A_145] : memref<2x80x128xf32, #tpu.memory_space<vmem>> -> memref<1x80x128xf32, #tpu.memory_space<vmem>>
      %dma_wait3A_147 = tpu.memref_squeeze %dma_wait3A_146 : memref<1x80x128xf32, #tpu.memory_space<vmem>> -> memref<80x128xf32, #tpu.memory_space<vmem>>
      tpu.wait_dma2 semaphore(%run_scoped3A_123 : memref<!tpu.dma_semaphore, #tpu.memory_space<semaphore_mem>>) src(%dma_wait3A_147 : memref<80x128xf32, #tpu.memory_space<vmem>>) dst(%dma_wait3A_143 : memref<80x128xf32, #tpu.memory_space<vmem_shared>>)
      tpu.yield
    }) : () -> ()
    %mul3A_13 = arith.constant 640 : i32
    %mul3A_14 = arith.muli %arg1, %mul3A_13 : i32
    %add3A_15 = arith.constant 80 : i32
    %add3A_16 = arith.addi %mul3A_14, %add3A_15 : i32
    %run_scoped3A_17 = arith.constant 0 : i32
    "tpu.region"() ({
      %run_scoped3A_123 = tpu.sem_alloc : memref<!tpu.dma_semaphore, #tpu.memory_space<semaphore_mem>>
      %dma_start3A_124 = arith.constant 0 : i32
      %dma_start3A_125 = arith.constant 0 : i32
      %dma_start3A_126 = tpu.memref_slice %arg9[%run_scoped3A_17, %dma_start3A_124, %dma_start3A_125] : memref<2x80x128xf32, #tpu.memory_space<vmem>> -> memref<1x80x128xf32, #tpu.memory_space<vmem>>
      %dma_start3A_127 = tpu.memref_squeeze %dma_start3A_126 : memref<1x80x128xf32, #tpu.memory_space<vmem>> -> memref<80x128xf32, #tpu.memory_space<vmem>>
      %dma_start3A_128 = arith.constant 0 : i32
      %dma_start3A_129 = tpu.memref_slice %arg10[%add3A_16, %dma_start3A_128] : memref<10240x128xf32, #tpu.memory_space<vmem_shared>> -> memref<80x128xf32, #tpu.memory_space<vmem_shared>>
      %dma_start3A_130 = arith.constant 0 : i32
      %dma_start3A_131 = tpu.memref_slice %arg10[%add3A_16, %dma_start3A_130] : memref<10240x128xf32, #tpu.memory_space<vmem_shared>> -> memref<80x128xf32, #tpu.memory_space<vmem_shared>>
      %dma_start3A_132 = arith.constant 0 : i32
      %dma_start3A_133 = arith.constant 0 : i32
      %dma_start3A_134 = tpu.memref_slice %arg9[%run_scoped3A_17, %dma_start3A_132, %dma_start3A_133] : memref<2x80x128xf32, #tpu.memory_space<vmem>> -> memref<1x80x128xf32, #tpu.memory_space<vmem>>
      %dma_start3A_135 = tpu.memref_squeeze %dma_start3A_134 : memref<1x80x128xf32, #tpu.memory_space<vmem>> -> memref<80x128xf32, #tpu.memory_space<vmem>>
      tpu.enqueue_dma source(%dma_start3A_135 : memref<80x128xf32, #tpu.memory_space<vmem>>) target(%dma_start3A_131 : memref<80x128xf32, #tpu.memory_space<vmem_shared>>) target_semaphore(%run_scoped3A_123 : memref<!tpu.dma_semaphore, #tpu.memory_space<semaphore_mem>>)
      %dma_wait3A_136 = arith.constant 0 : i32
      %dma_wait3A_137 = arith.constant 0 : i32
      %dma_wait3A_138 = tpu.memref_slice %arg9[%run_scoped3A_17, %dma_wait3A_136, %dma_wait3A_137] : memref<2x80x128xf32, #tpu.memory_space<vmem>> -> memref<1x80x128xf32, #tpu.memory_space<vmem>>
      %dma_wait3A_139 = tpu.memref_squeeze %dma_wait3A_138 : memref<1x80x128xf32, #tpu.memory_space<vmem>> -> memref<80x128xf32, #tpu.memory_space<vmem>>
      %dma_wait3A_140 = arith.constant 0 : i32
      %dma_wait3A_141 = tpu.memref_slice %arg10[%add3A_16, %dma_wait3A_140] : memref<10240x128xf32, #tpu.memory_space<vmem_shared>> -> memref<80x128xf32, #tpu.memory_space<vmem_shared>>
      %dma_wait3A_142 = arith.constant 0 : i32
      %dma_wait3A_143 = tpu.memref_slice %arg10[%add3A_16, %dma_wait3A_142] : memref<10240x128xf32, #tpu.memory_space<vmem_shared>> -> memref<80x128xf32, #tpu.memory_space<vmem_shared>>
      %dma_wait3A_144 = arith.constant 0 : i32
      %dma_wait3A_145 = arith.constant 0 : i32
      %dma_wait3A_146 = tpu.memref_slice %arg9[%run_scoped3A_17, %dma_wait3A_144, %dma_wait3A_145] : memref<2x80x128xf32, #tpu.memory_space<vmem>> -> memref<1x80x128xf32, #tpu.memory_space<vmem>>
      %dma_wait3A_147 = tpu.memref_squeeze %dma_wait3A_146 : memref<1x80x128xf32, #tpu.memory_space<vmem>> -> memref<80x128xf32, #tpu.memory_space<vmem>>
      tpu.wait_dma2 semaphore(%run_scoped3A_123 : memref<!tpu.dma_semaphore, #tpu.memory_space<semaphore_mem>>) src(%dma_wait3A_147 : memref<80x128xf32, #tpu.memory_space<vmem>>) dst(%dma_wait3A_143 : memref<80x128xf32, #tpu.memory_space<vmem_shared>>)
      tpu.yield
    }) : () -> ()
    %mul3A_18 = arith.constant 640 : i32
    %mul3A_19 = arith.muli %arg1, %mul3A_18 : i32
    %add3A_20 = arith.constant 160 : i32
    %add3A_21 = arith.addi %mul3A_19, %add3A_20 : i32
    %run_scoped3A_22 = arith.constant 0 : i32
    "tpu.region"() ({
      %run_scoped3A_123 = tpu.sem_alloc : memref<!tpu.dma_semaphore, #tpu.memory_space<semaphore_mem>>
      %dma_start3A_124 = arith.constant 0 : i32
      %dma_start3A_125 = arith.constant 0 : i32
      %dma_start3A_126 = tpu.memref_slice %arg9[%run_scoped3A_22, %dma_start3A_124, %dma_start3A_125] : memref<2x80x128xf32, #tpu.memory_space<vmem>> -> memref<1x80x128xf32, #tpu.memory_space<vmem>>
      %dma_start3A_127 = tpu.memref_squeeze %dma_start3A_126 : memref<1x80x128xf32, #tpu.memory_space<vmem>> -> memref<80x128xf32, #tpu.memory_space<vmem>>
      %dma_start3A_128 = arith.constant 0 : i32
      %dma_start3A_129 = tpu.memref_slice %arg10[%add3A_21, %dma_start3A_128] : memref<10240x128xf32, #tpu.memory_space<vmem_shared>> -> memref<80x128xf32, #tpu.memory_space<vmem_shared>>
      %dma_start3A_130 = arith.constant 0 : i32
      %dma_start3A_131 = tpu.memref_slice %arg10[%add3A_21, %dma_start3A_130] : memref<10240x128xf32, #tpu.memory_space<vmem_shared>> -> memref<80x128xf32, #tpu.memory_space<vmem_shared>>
      %dma_start3A_132 = arith.constant 0 : i32
      %dma_start3A_133 = arith.constant 0 : i32
      %dma_start3A_134 = tpu.memref_slice %arg9[%run_scoped3A_22, %dma_start3A_132, %dma_start3A_133] : memref<2x80x128xf32, #tpu.memory_space<vmem>> -> memref<1x80x128xf32, #tpu.memory_space<vmem>>
      %dma_start3A_135 = tpu.memref_squeeze %dma_start3A_134 : memref<1x80x128xf32, #tpu.memory_space<vmem>> -> memref<80x128xf32, #tpu.memory_space<vmem>>
      tpu.enqueue_dma source(%dma_start3A_135 : memref<80x128xf32, #tpu.memory_space<vmem>>) target(%dma_start3A_131 : memref<80x128xf32, #tpu.memory_space<vmem_shared>>) target_semaphore(%run_scoped3A_123 : memref<!tpu.dma_semaphore, #tpu.memory_space<semaphore_mem>>)
      %dma_wait3A_136 = arith.constant 0 : i32
      %dma_wait3A_137 = arith.constant 0 : i32
      %dma_wait3A_138 = tpu.memref_slice %arg9[%run_scoped3A_22, %dma_wait3A_136, %dma_wait3A_137] : memref<2x80x128xf32, #tpu.memory_space<vmem>> -> memref<1x80x128xf32, #tpu.memory_space<vmem>>
      %dma_wait3A_139 = tpu.memref_squeeze %dma_wait3A_138 : memref<1x80x128xf32, #tpu.memory_space<vmem>> -> memref<80x128xf32, #tpu.memory_space<vmem>>
      %dma_wait3A_140 = arith.constant 0 : i32
      %dma_wait3A_141 = tpu.memref_slice %arg10[%add3A_21, %dma_wait3A_140] : memref<10240x128xf32, #tpu.memory_space<vmem_shared>> -> memref<80x128xf32, #tpu.memory_space<vmem_shared>>
      %dma_wait3A_142 = arith.constant 0 : i32
      %dma_wait3A_143 = tpu.memref_slice %arg10[%add3A_21, %dma_wait3A_142] : memref<10240x128xf32, #tpu.memory_space<vmem_shared>> -> memref<80x128xf32, #tpu.memory_space<vmem_shared>>
      %dma_wait3A_144 = arith.constant 0 : i32
      %dma_wait3A_145 = arith.constant 0 : i32
      %dma_wait3A_146 = tpu.memref_slice %arg9[%run_scoped3A_22, %dma_wait3A_144, %dma_wait3A_145] : memref<2x80x128xf32, #tpu.memory_space<vmem>> -> memref<1x80x128xf32, #tpu.memory_space<vmem>>
      %dma_wait3A_147 = tpu.memref_squeeze %dma_wait3A_146 : memref<1x80x128xf32, #tpu.memory_space<vmem>> -> memref<80x128xf32, #tpu.memory_space<vmem>>
      tpu.wait_dma2 semaphore(%run_scoped3A_123 : memref<!tpu.dma_semaphore, #tpu.memory_space<semaphore_mem>>) src(%dma_wait3A_147 : memref<80x128xf32, #tpu.memory_space<vmem>>) dst(%dma_wait3A_143 : memref<80x128xf32, #tpu.memory_space<vmem_shared>>)
      tpu.yield
    }) : () -> ()
    %mul3A_23 = arith.constant 640 : i32
    %mul3A_24 = arith.muli %arg1, %mul3A_23 : i32
    %add3A_25 = arith.constant 240 : i32
    %add3A_26 = arith.addi %mul3A_24, %add3A_25 : i32
    %run_scoped3A_27 = arith.constant 0 : i32
    "tpu.region"() ({
      %run_scoped3A_123 = tpu.sem_alloc : memref<!tpu.dma_semaphore, #tpu.memory_space<semaphore_mem>>
      %dma_start3A_124 = arith.constant 0 : i32
      %dma_start3A_125 = arith.constant 0 : i32
      %dma_start3A_126 = tpu.memref_slice %arg9[%run_scoped3A_27, %dma_start3A_124, %dma_start3A_125] : memref<2x80x128xf32, #tpu.memory_space<vmem>> -> memref<1x80x128xf32, #tpu.memory_space<vmem>>
      %dma_start3A_127 = tpu.memref_squeeze %dma_start3A_126 : memref<1x80x128xf32, #tpu.memory_space<vmem>> -> memref<80x128xf32, #tpu.memory_space<vmem>>
      %dma_start3A_128 = arith.constant 0 : i32
      %dma_start3A_129 = tpu.memref_slice %arg10[%add3A_26, %dma_start3A_128] : memref<10240x128xf32, #tpu.memory_space<vmem_shared>> -> memref<80x128xf32, #tpu.memory_space<vmem_shared>>
      %dma_start3A_130 = arith.constant 0 : i32
      %dma_start3A_131 = tpu.memref_slice %arg10[%add3A_26, %dma_start3A_130] : memref<10240x128xf32, #tpu.memory_space<vmem_shared>> -> memref<80x128xf32, #tpu.memory_space<vmem_shared>>
      %dma_start3A_132 = arith.constant 0 : i32
      %dma_start3A_133 = arith.constant 0 : i32
      %dma_start3A_134 = tpu.memref_slice %arg9[%run_scoped3A_27, %dma_start3A_132, %dma_start3A_133] : memref<2x80x128xf32, #tpu.memory_space<vmem>> -> memref<1x80x128xf32, #tpu.memory_space<vmem>>
      %dma_start3A_135 = tpu.memref_squeeze %dma_start3A_134 : memref<1x80x128xf32, #tpu.memory_space<vmem>> -> memref<80x128xf32, #tpu.memory_space<vmem>>
      tpu.enqueue_dma source(%dma_start3A_135 : memref<80x128xf32, #tpu.memory_space<vmem>>) target(%dma_start3A_131 : memref<80x128xf32, #tpu.memory_space<vmem_shared>>) target_semaphore(%run_scoped3A_123 : memref<!tpu.dma_semaphore, #tpu.memory_space<semaphore_mem>>)
      %dma_wait3A_136 = arith.constant 0 : i32
      %dma_wait3A_137 = arith.constant 0 : i32
      %dma_wait3A_138 = tpu.memref_slice %arg9[%run_scoped3A_27, %dma_wait3A_136, %dma_wait3A_137] : memref<2x80x128xf32, #tpu.memory_space<vmem>> -> memref<1x80x128xf32, #tpu.memory_space<vmem>>
      %dma_wait3A_139 = tpu.memref_squeeze %dma_wait3A_138 : memref<1x80x128xf32, #tpu.memory_space<vmem>> -> memref<80x128xf32, #tpu.memory_space<vmem>>
      %dma_wait3A_140 = arith.constant 0 : i32
      %dma_wait3A_141 = tpu.memref_slice %arg10[%add3A_26, %dma_wait3A_140] : memref<10240x128xf32, #tpu.memory_space<vmem_shared>> -> memref<80x128xf32, #tpu.memory_space<vmem_shared>>
      %dma_wait3A_142 = arith.constant 0 : i32
      %dma_wait3A_143 = tpu.memref_slice %arg10[%add3A_26, %dma_wait3A_142] : memref<10240x128xf32, #tpu.memory_space<vmem_shared>> -> memref<80x128xf32, #tpu.memory_space<vmem_shared>>
      %dma_wait3A_144 = arith.constant 0 : i32
      %dma_wait3A_145 = arith.constant 0 : i32
      %dma_wait3A_146 = tpu.memref_slice %arg9[%run_scoped3A_27, %dma_wait3A_144, %dma_wait3A_145] : memref<2x80x128xf32, #tpu.memory_space<vmem>> -> memref<1x80x128xf32, #tpu.memory_space<vmem>>
      %dma_wait3A_147 = tpu.memref_squeeze %dma_wait3A_146 : memref<1x80x128xf32, #tpu.memory_space<vmem>> -> memref<80x128xf32, #tpu.memory_space<vmem>>
      tpu.wait_dma2 semaphore(%run_scoped3A_123 : memref<!tpu.dma_semaphore, #tpu.memory_space<semaphore_mem>>) src(%dma_wait3A_147 : memref<80x128xf32, #tpu.memory_space<vmem>>) dst(%dma_wait3A_143 : memref<80x128xf32, #tpu.memory_space<vmem_shared>>)
      tpu.yield
    }) : () -> ()
    %mul3A_28 = arith.constant 640 : i32
    %mul3A_29 = arith.muli %arg1, %mul3A_28 : i32
    %add3A_30 = arith.constant 320 : i32
    %add3A_31 = arith.addi %mul3A_29, %add3A_30 : i32
    %run_scoped3A_32 = arith.constant 0 : i32
    "tpu.region"() ({
      %run_scoped3A_123 = tpu.sem_alloc : memref<!tpu.dma_semaphore, #tpu.memory_space<semaphore_mem>>
      %dma_start3A_124 = arith.constant 0 : i32
      %dma_start3A_125 = arith.constant 0 : i32
      %dma_start3A_126 = tpu.memref_slice %arg9[%run_scoped3A_32, %dma_start3A_124, %dma_start3A_125] : memref<2x80x128xf32, #tpu.memory_space<vmem>> -> memref<1x80x128xf32, #tpu.memory_space<vmem>>
      %dma_start3A_127 = tpu.memref_squeeze %dma_start3A_126 : memref<1x80x128xf32, #tpu.memory_space<vmem>> -> memref<80x128xf32, #tpu.memory_space<vmem>>
      %dma_start3A_128 = arith.constant 0 : i32
      %dma_start3A_129 = tpu.memref_slice %arg10[%add3A_31, %dma_start3A_128] : memref<10240x128xf32, #tpu.memory_space<vmem_shared>> -> memref<80x128xf32, #tpu.memory_space<vmem_shared>>
      %dma_start3A_130 = arith.constant 0 : i32
      %dma_start3A_131 = tpu.memref_slice %arg10[%add3A_31, %dma_start3A_130] : memref<10240x128xf32, #tpu.memory_space<vmem_shared>> -> memref<80x128xf32, #tpu.memory_space<vmem_shared>>
      %dma_start3A_132 = arith.constant 0 : i32
      %dma_start3A_133 = arith.constant 0 : i32
      %dma_start3A_134 = tpu.memref_slice %arg9[%run_scoped3A_32, %dma_start3A_132, %dma_start3A_133] : memref<2x80x128xf32, #tpu.memory_space<vmem>> -> memref<1x80x128xf32, #tpu.memory_space<vmem>>
      %dma_start3A_135 = tpu.memref_squeeze %dma_start3A_134 : memref<1x80x128xf32, #tpu.memory_space<vmem>> -> memref<80x128xf32, #tpu.memory_space<vmem>>
      tpu.enqueue_dma source(%dma_start3A_135 : memref<80x128xf32, #tpu.memory_space<vmem>>) target(%dma_start3A_131 : memref<80x128xf32, #tpu.memory_space<vmem_shared>>) target_semaphore(%run_scoped3A_123 : memref<!tpu.dma_semaphore, #tpu.memory_space<semaphore_mem>>)
      %dma_wait3A_136 = arith.constant 0 : i32
      %dma_wait3A_137 = arith.constant 0 : i32
      %dma_wait3A_138 = tpu.memref_slice %arg9[%run_scoped3A_32, %dma_wait3A_136, %dma_wait3A_137] : memref<2x80x128xf32, #tpu.memory_space<vmem>> -> memref<1x80x128xf32, #tpu.memory_space<vmem>>
      %dma_wait3A_139 = tpu.memref_squeeze %dma_wait3A_138 : memref<1x80x128xf32, #tpu.memory_space<vmem>> -> memref<80x128xf32, #tpu.memory_space<vmem>>
      %dma_wait3A_140 = arith.constant 0 : i32
      %dma_wait3A_141 = tpu.memref_slice %arg10[%add3A_31, %dma_wait3A_140] : memref<10240x128xf32, #tpu.memory_space<vmem_shared>> -> memref<80x128xf32, #tpu.memory_space<vmem_shared>>
      %dma_wait3A_142 = arith.constant 0 : i32
      %dma_wait3A_143 = tpu.memref_slice %arg10[%add3A_31, %dma_wait3A_142] : memref<10240x128xf32, #tpu.memory_space<vmem_shared>> -> memref<80x128xf32, #tpu.memory_space<vmem_shared>>
      %dma_wait3A_144 = arith.constant 0 : i32
      %dma_wait3A_145 = arith.constant 0 : i32
      %dma_wait3A_146 = tpu.memref_slice %arg9[%run_scoped3A_32, %dma_wait3A_144, %dma_wait3A_145] : memref<2x80x128xf32, #tpu.memory_space<vmem>> -> memref<1x80x128xf32, #tpu.memory_space<vmem>>
      %dma_wait3A_147 = tpu.memref_squeeze %dma_wait3A_146 : memref<1x80x128xf32, #tpu.memory_space<vmem>> -> memref<80x128xf32, #tpu.memory_space<vmem>>
      tpu.wait_dma2 semaphore(%run_scoped3A_123 : memref<!tpu.dma_semaphore, #tpu.memory_space<semaphore_mem>>) src(%dma_wait3A_147 : memref<80x128xf32, #tpu.memory_space<vmem>>) dst(%dma_wait3A_143 : memref<80x128xf32, #tpu.memory_space<vmem_shared>>)
      tpu.yield
    }) : () -> ()
    %mul3A_33 = arith.constant 640 : i32
    %mul3A_34 = arith.muli %arg1, %mul3A_33 : i32
    %add3A_35 = arith.constant 400 : i32
    %add3A_36 = arith.addi %mul3A_34, %add3A_35 : i32
    %run_scoped3A_37 = arith.constant 0 : i32
    "tpu.region"() ({
      %run_scoped3A_123 = tpu.sem_alloc : memref<!tpu.dma_semaphore, #tpu.memory_space<semaphore_mem>>
      %dma_start3A_124 = arith.constant 0 : i32
      %dma_start3A_125 = arith.constant 0 : i32
      %dma_start3A_126 = tpu.memref_slice %arg9[%run_scoped3A_37, %dma_start3A_124, %dma_start3A_125] : memref<2x80x128xf32, #tpu.memory_space<vmem>> -> memref<1x80x128xf32, #tpu.memory_space<vmem>>
      %dma_start3A_127 = tpu.memref_squeeze %dma_start3A_126 : memref<1x80x128xf32, #tpu.memory_space<vmem>> -> memref<80x128xf32, #tpu.memory_space<vmem>>
      %dma_start3A_128 = arith.constant 0 : i32
      %dma_start3A_129 = tpu.memref_slice %arg10[%add3A_36, %dma_start3A_128] : memref<10240x128xf32, #tpu.memory_space<vmem_shared>> -> memref<80x128xf32, #tpu.memory_space<vmem_shared>>
      %dma_start3A_130 = arith.constant 0 : i32
      %dma_start3A_131 = tpu.memref_slice %arg10[%add3A_36, %dma_start3A_130] : memref<10240x128xf32, #tpu.memory_space<vmem_shared>> -> memref<80x128xf32, #tpu.memory_space<vmem_shared>>
      %dma_start3A_132 = arith.constant 0 : i32
      %dma_start3A_133 = arith.constant 0 : i32
      %dma_start3A_134 = tpu.memref_slice %arg9[%run_scoped3A_37, %dma_start3A_132, %dma_start3A_133] : memref<2x80x128xf32, #tpu.memory_space<vmem>> -> memref<1x80x128xf32, #tpu.memory_space<vmem>>
      %dma_start3A_135 = tpu.memref_squeeze %dma_start3A_134 : memref<1x80x128xf32, #tpu.memory_space<vmem>> -> memref<80x128xf32, #tpu.memory_space<vmem>>
      tpu.enqueue_dma source(%dma_start3A_135 : memref<80x128xf32, #tpu.memory_space<vmem>>) target(%dma_start3A_131 : memref<80x128xf32, #tpu.memory_space<vmem_shared>>) target_semaphore(%run_scoped3A_123 : memref<!tpu.dma_semaphore, #tpu.memory_space<semaphore_mem>>)
      %dma_wait3A_136 = arith.constant 0 : i32
      %dma_wait3A_137 = arith.constant 0 : i32
      %dma_wait3A_138 = tpu.memref_slice %arg9[%run_scoped3A_37, %dma_wait3A_136, %dma_wait3A_137] : memref<2x80x128xf32, #tpu.memory_space<vmem>> -> memref<1x80x128xf32, #tpu.memory_space<vmem>>
      %dma_wait3A_139 = tpu.memref_squeeze %dma_wait3A_138 : memref<1x80x128xf32, #tpu.memory_space<vmem>> -> memref<80x128xf32, #tpu.memory_space<vmem>>
      %dma_wait3A_140 = arith.constant 0 : i32
      %dma_wait3A_141 = tpu.memref_slice %arg10[%add3A_36, %dma_wait3A_140] : memref<10240x128xf32, #tpu.memory_space<vmem_shared>> -> memref<80x128xf32, #tpu.memory_space<vmem_shared>>
      %dma_wait3A_142 = arith.constant 0 : i32
      %dma_wait3A_143 = tpu.memref_slice %arg10[%add3A_36, %dma_wait3A_142] : memref<10240x128xf32, #tpu.memory_space<vmem_shared>> -> memref<80x128xf32, #tpu.memory_space<vmem_shared>>
      %dma_wait3A_144 = arith.constant 0 : i32
      %dma_wait3A_145 = arith.constant 0 : i32
      %dma_wait3A_146 = tpu.memref_slice %arg9[%run_scoped3A_37, %dma_wait3A_144, %dma_wait3A_145] : memref<2x80x128xf32, #tpu.memory_space<vmem>> -> memref<1x80x128xf32, #tpu.memory_space<vmem>>
      %dma_wait3A_147 = tpu.memref_squeeze %dma_wait3A_146 : memref<1x80x128xf32, #tpu.memory_space<vmem>> -> memref<80x128xf32, #tpu.memory_space<vmem>>
      tpu.wait_dma2 semaphore(%run_scoped3A_123 : memref<!tpu.dma_semaphore, #tpu.memory_space<semaphore_mem>>) src(%dma_wait3A_147 : memref<80x128xf32, #tpu.memory_space<vmem>>) dst(%dma_wait3A_143 : memref<80x128xf32, #tpu.memory_space<vmem_shared>>)
      tpu.yield
    }) : () -> ()
    %mul3A_38 = arith.constant 640 : i32
    %mul3A_39 = arith.muli %arg1, %mul3A_38 : i32
    %add3A_40 = arith.constant 480 : i32
    %add3A_41 = arith.addi %mul3A_39, %add3A_40 : i32
    %run_scoped3A_42 = arith.constant 0 : i32
    "tpu.region"() ({
      %run_scoped3A_123 = tpu.sem_alloc : memref<!tpu.dma_semaphore, #tpu.memory_space<semaphore_mem>>
      %dma_start3A_124 = arith.constant 0 : i32
      %dma_start3A_125 = arith.constant 0 : i32
      %dma_start3A_126 = tpu.memref_slice %arg9[%run_scoped3A_42, %dma_start3A_124, %dma_start3A_125] : memref<2x80x128xf32, #tpu.memory_space<vmem>> -> memref<1x80x128xf32, #tpu.memory_space<vmem>>
      %dma_start3A_127 = tpu.memref_squeeze %dma_start3A_126 : memref<1x80x128xf32, #tpu.memory_space<vmem>> -> memref<80x128xf32, #tpu.memory_space<vmem>>
      %dma_start3A_128 = arith.constant 0 : i32
      %dma_start3A_129 = tpu.memref_slice %arg10[%add3A_41, %dma_start3A_128] : memref<10240x128xf32, #tpu.memory_space<vmem_shared>> -> memref<80x128xf32, #tpu.memory_space<vmem_shared>>
      %dma_start3A_130 = arith.constant 0 : i32
      %dma_start3A_131 = tpu.memref_slice %arg10[%add3A_41, %dma_start3A_130] : memref<10240x128xf32, #tpu.memory_space<vmem_shared>> -> memref<80x128xf32, #tpu.memory_space<vmem_shared>>
      %dma_start3A_132 = arith.constant 0 : i32
      %dma_start3A_133 = arith.constant 0 : i32
      %dma_start3A_134 = tpu.memref_slice %arg9[%run_scoped3A_42, %dma_start3A_132, %dma_start3A_133] : memref<2x80x128xf32, #tpu.memory_space<vmem>> -> memref<1x80x128xf32, #tpu.memory_space<vmem>>
      %dma_start3A_135 = tpu.memref_squeeze %dma_start3A_134 : memref<1x80x128xf32, #tpu.memory_space<vmem>> -> memref<80x128xf32, #tpu.memory_space<vmem>>
      tpu.enqueue_dma source(%dma_start3A_135 : memref<80x128xf32, #tpu.memory_space<vmem>>) target(%dma_start3A_131 : memref<80x128xf32, #tpu.memory_space<vmem_shared>>) target_semaphore(%run_scoped3A_123 : memref<!tpu.dma_semaphore, #tpu.memory_space<semaphore_mem>>)
      %dma_wait3A_136 = arith.constant 0 : i32
      %dma_wait3A_137 = arith.constant 0 : i32
      %dma_wait3A_138 = tpu.memref_slice %arg9[%run_scoped3A_42, %dma_wait3A_136, %dma_wait3A_137] : memref<2x80x128xf32, #tpu.memory_space<vmem>> -> memref<1x80x128xf32, #tpu.memory_space<vmem>>
      %dma_wait3A_139 = tpu.memref_squeeze %dma_wait3A_138 : memref<1x80x128xf32, #tpu.memory_space<vmem>> -> memref<80x128xf32, #tpu.memory_space<vmem>>
      %dma_wait3A_140 = arith.constant 0 : i32
      %dma_wait3A_141 = tpu.memref_slice %arg10[%add3A_41, %dma_wait3A_140] : memref<10240x128xf32, #tpu.memory_space<vmem_shared>> -> memref<80x128xf32, #tpu.memory_space<vmem_shared>>
      %dma_wait3A_142 = arith.constant 0 : i32
      %dma_wait3A_143 = tpu.memref_slice %arg10[%add3A_41, %dma_wait3A_142] : memref<10240x128xf32, #tpu.memory_space<vmem_shared>> -> memref<80x128xf32, #tpu.memory_space<vmem_shared>>
      %dma_wait3A_144 = arith.constant 0 : i32
      %dma_wait3A_145 = arith.constant 0 : i32
      %dma_wait3A_146 = tpu.memref_slice %arg9[%run_scoped3A_42, %dma_wait3A_144, %dma_wait3A_145] : memref<2x80x128xf32, #tpu.memory_space<vmem>> -> memref<1x80x128xf32, #tpu.memory_space<vmem>>
      %dma_wait3A_147 = tpu.memref_squeeze %dma_wait3A_146 : memref<1x80x128xf32, #tpu.memory_space<vmem>> -> memref<80x128xf32, #tpu.memory_space<vmem>>
      tpu.wait_dma2 semaphore(%run_scoped3A_123 : memref<!tpu.dma_semaphore, #tpu.memory_space<semaphore_mem>>) src(%dma_wait3A_147 : memref<80x128xf32, #tpu.memory_space<vmem>>) dst(%dma_wait3A_143 : memref<80x128xf32, #tpu.memory_space<vmem_shared>>)
      tpu.yield
    }) : () -> ()
    %mul3A_43 = arith.constant 640 : i32
    %mul3A_44 = arith.muli %arg1, %mul3A_43 : i32
    %add3A_45 = arith.constant 560 : i32
    %add3A_46 = arith.addi %mul3A_44, %add3A_45 : i32
    %run_scoped3A_47 = arith.constant 0 : i32
    "tpu.region"() ({
      %run_scoped3A_123 = tpu.sem_alloc : memref<!tpu.dma_semaphore, #tpu.memory_space<semaphore_mem>>
      %dma_start3A_124 = arith.constant 0 : i32
      %dma_start3A_125 = arith.constant 0 : i32
      %dma_start3A_126 = tpu.memref_slice %arg9[%run_scoped3A_47, %dma_start3A_124, %dma_start3A_125] : memref<2x80x128xf32, #tpu.memory_space<vmem>> -> memref<1x80x128xf32, #tpu.memory_space<vmem>>
      %dma_start3A_127 = tpu.memref_squeeze %dma_start3A_126 : memref<1x80x128xf32, #tpu.memory_space<vmem>> -> memref<80x128xf32, #tpu.memory_space<vmem>>
      %dma_start3A_128 = arith.constant 0 : i32
      %dma_start3A_129 = tpu.memref_slice %arg10[%add3A_46, %dma_start3A_128] : memref<10240x128xf32, #tpu.memory_space<vmem_shared>> -> memref<80x128xf32, #tpu.memory_space<vmem_shared>>
      %dma_start3A_130 = arith.constant 0 : i32
      %dma_start3A_131 = tpu.memref_slice %arg10[%add3A_46, %dma_start3A_130] : memref<10240x128xf32, #tpu.memory_space<vmem_shared>> -> memref<80x128xf32, #tpu.memory_space<vmem_shared>>
      %dma_start3A_132 = arith.constant 0 : i32
      %dma_start3A_133 = arith.constant 0 : i32
      %dma_start3A_134 = tpu.memref_slice %arg9[%run_scoped3A_47, %dma_start3A_132, %dma_start3A_133] : memref<2x80x128xf32, #tpu.memory_space<vmem>> -> memref<1x80x128xf32, #tpu.memory_space<vmem>>
      %dma_start3A_135 = tpu.memref_squeeze %dma_start3A_134 : memref<1x80x128xf32, #tpu.memory_space<vmem>> -> memref<80x128xf32, #tpu.memory_space<vmem>>
      tpu.enqueue_dma source(%dma_start3A_135 : memref<80x128xf32, #tpu.memory_space<vmem>>) target(%dma_start3A_131 : memref<80x128xf32, #tpu.memory_space<vmem_shared>>) target_semaphore(%run_scoped3A_123 : memref<!tpu.dma_semaphore, #tpu.memory_space<semaphore_mem>>)
      %dma_wait3A_136 = arith.constant 0 : i32
      %dma_wait3A_137 = arith.constant 0 : i32
      %dma_wait3A_138 = tpu.memref_slice %arg9[%run_scoped3A_47, %dma_wait3A_136, %dma_wait3A_137] : memref<2x80x128xf32, #tpu.memory_space<vmem>> -> memref<1x80x128xf32, #tpu.memory_space<vmem>>
      %dma_wait3A_139 = tpu.memref_squeeze %dma_wait3A_138 : memref<1x80x128xf32, #tpu.memory_space<vmem>> -> memref<80x128xf32, #tpu.memory_space<vmem>>
      %dma_wait3A_140 = arith.constant 0 : i32
      %dma_wait3A_141 = tpu.memref_slice %arg10[%add3A_46, %dma_wait3A_140] : memref<10240x128xf32, #tpu.memory_space<vmem_shared>> -> memref<80x128xf32, #tpu.memory_space<vmem_shared>>
      %dma_wait3A_142 = arith.constant 0 : i32
      %dma_wait3A_143 = tpu.memref_slice %arg10[%add3A_46, %dma_wait3A_142] : memref<10240x128xf32, #tpu.memory_space<vmem_shared>> -> memref<80x128xf32, #tpu.memory_space<vmem_shared>>
      %dma_wait3A_144 = arith.constant 0 : i32
      %dma_wait3A_145 = arith.constant 0 : i32
      %dma_wait3A_146 = tpu.memref_slice %arg9[%run_scoped3A_47, %dma_wait3A_144, %dma_wait3A_145] : memref<2x80x128xf32, #tpu.memory_space<vmem>> -> memref<1x80x128xf32, #tpu.memory_space<vmem>>
      %dma_wait3A_147 = tpu.memref_squeeze %dma_wait3A_146 : memref<1x80x128xf32, #tpu.memory_space<vmem>> -> memref<80x128xf32, #tpu.memory_space<vmem>>
      tpu.wait_dma2 semaphore(%run_scoped3A_123 : memref<!tpu.dma_semaphore, #tpu.memory_space<semaphore_mem>>) src(%dma_wait3A_147 : memref<80x128xf32, #tpu.memory_space<vmem>>) dst(%dma_wait3A_143 : memref<80x128xf32, #tpu.memory_space<vmem_shared>>)
      tpu.yield
    }) : () -> ()
    %scan3A_48 = arith.constant 0 : i32
    %scan3A_49 = arith.constant 0 : i32
    %scan3A_50 = arith.constant 640 : i32
    %scan3A_51 = arith.addi %scan3A_49, %scan3A_50 : i32
    %scan3A_52 = arith.constant 1 : i32
    scf.for %scan3A_123 = %scan3A_49 to %scan3A_51 step %scan3A_52  : i32 {
      %mul3A_124 = arith.constant 16 : i32
      %mul3A_125 = arith.muli %scan3A_123, %mul3A_124 : i32
      %swap3A = arith.index_cast %mul3A_125 : i32 to index
      %swap3A_126 = tpu.vector_load %arg13[%swap3A] {strides = array<i32>} : memref<10240xf32, #tpu.memory_space<vmem>>, vector<16xf32>,
      tpu.vector_store %arg13[%swap3A], %broadcast_in_dim3A_1 {strides = array<i32>} : memref<10240xf32, #tpu.memory_space<vmem>>, vector<16xf32>,
    }
    %scan3A_53 = arith.constant 640 : i32
    %barrier3A = arith.constant 0 : index
    tpu.barrier barrier_id(%barrier3A)
    %run_scoped3A_54 = arith.constant 0 : i32
    %run_scoped3A_55 = arith.constant 0 : i32
    "tpu.region"() ({
      %run_scoped3A_123 = tpu.sem_alloc : memref<!tpu.dma_semaphore, #tpu.memory_space<semaphore_mem>>
      %dma_start3A_124 = arith.constant 0 : i32
      %dma_start3A_125 = arith.constant 0 : i32
      %dma_start3A_126 = tpu.memref_slice %arg7[%run_scoped3A_55, %dma_start3A_124, %dma_start3A_125] : memref<1x25x80xi32, #tpu.memory_space<vmem>> -> memref<1x25x80xi32, #tpu.memory_space<vmem>>
      %dma_start3A_127 = tpu.memref_squeeze %dma_start3A_126 : memref<1x25x80xi32, #tpu.memory_space<vmem>> -> memref<25x80xi32, #tpu.memory_space<vmem>>
      %dma_start3A_128 = arith.constant 0 : i32
      %dma_start3A_129 = arith.constant 0 : i32
      %dma_start3A_130 = tpu.memref_slice %arg3[%add3A, %run_scoped3A_54, %dma_start3A_128, %dma_start3A_129] : memref<32x5x25x80xi32, #tpu.memory_space<hbm>> -> memref<1x1x25x80xi32, #tpu.memory_space<hbm>>
      %dma_start3A_131 = tpu.memref_squeeze %dma_start3A_130 : memref<1x1x25x80xi32, #tpu.memory_space<hbm>> -> memref<25x80xi32, #tpu.memory_space<hbm>>
      %dma_start3A_132 = arith.constant 0 : i32
      %dma_start3A_133 = arith.constant 0 : i32
      %dma_start3A_134 = tpu.memref_slice %arg7[%run_scoped3A_55, %dma_start3A_132, %dma_start3A_133] : memref<1x25x80xi32, #tpu.memory_space<vmem>> -> memref<1x25x80xi32, #tpu.memory_space<vmem>>
      %dma_start3A_135 = tpu.memref_squeeze %dma_start3A_134 : memref<1x25x80xi32, #tpu.memory_space<vmem>> -> memref<25x80xi32, #tpu.memory_space<vmem>>
      %dma_start3A_136 = arith.constant 0 : i32
      %dma_start3A_137 = arith.constant 0 : i32
      %dma_start3A_138 = tpu.memref_slice %arg3[%add3A, %run_scoped3A_54, %dma_start3A_136, %dma_start3A_137] : memref<32x5x25x80xi32, #tpu.memory_space<hbm>> -> memref<1x1x25x80xi32, #tpu.memory_space<hbm>>
      %dma_start3A_139 = tpu.memref_squeeze %dma_start3A_138 : memref<1x1x25x80xi32, #tpu.memory_space<hbm>> -> memref<25x80xi32, #tpu.memory_space<hbm>>
      tpu.enqueue_dma source(%dma_start3A_139 : memref<25x80xi32, #tpu.memory_space<hbm>>) target(%dma_start3A_135 : memref<25x80xi32, #tpu.memory_space<vmem>>) target_semaphore(%run_scoped3A_123 : memref<!tpu.dma_semaphore, #tpu.memory_space<semaphore_mem>>)
      %dma_wait3A_140 = arith.constant 0 : i32
      %dma_wait3A_141 = arith.constant 0 : i32
      %dma_wait3A_142 = tpu.memref_slice %arg7[%run_scoped3A_55, %dma_wait3A_140, %dma_wait3A_141] : memref<1x25x80xi32, #tpu.memory_space<vmem>> -> memref<1x25x80xi32, #tpu.memory_space<vmem>>
      %dma_wait3A_143 = tpu.memref_squeeze %dma_wait3A_142 : memref<1x25x80xi32, #tpu.memory_space<vmem>> -> memref<25x80xi32, #tpu.memory_space<vmem>>
      %dma_wait3A_144 = arith.constant 0 : i32
      %dma_wait3A_145 = arith.constant 0 : i32
      %dma_wait3A_146 = tpu.memref_slice %arg3[%add3A, %run_scoped3A_54, %dma_wait3A_144, %dma_wait3A_145] : memref<32x5x25x80xi32, #tpu.memory_space<hbm>> -> memref<1x1x25x80xi32, #tpu.memory_space<hbm>>
      %dma_wait3A_147 = tpu.memref_squeeze %dma_wait3A_146 : memref<1x1x25x80xi32, #tpu.memory_space<hbm>> -> memref<25x80xi32, #tpu.memory_space<hbm>>
      %dma_wait3A_148 = arith.constant 0 : i32
      %dma_wait3A_149 = arith.constant 0 : i32
      %dma_wait3A_150 = tpu.memref_slice %arg7[%run_scoped3A_55, %dma_wait3A_148, %dma_wait3A_149] : memref<1x25x80xi32, #tpu.memory_space<vmem>> -> memref<1x25x80xi32, #tpu.memory_space<vmem>>
      %dma_wait3A_151 = tpu.memref_squeeze %dma_wait3A_150 : memref<1x25x80xi32, #tpu.memory_space<vmem>> -> memref<25x80xi32, #tpu.memory_space<vmem>>
      %dma_wait3A_152 = arith.constant 0 : i32
      %dma_wait3A_153 = arith.constant 0 : i32
      %dma_wait3A_154 = tpu.memref_slice %arg3[%add3A, %run_scoped3A_54, %dma_wait3A_152, %dma_wait3A_153] : memref<32x5x25x80xi32, #tpu.memory_space<hbm>> -> memref<1x1x25x80xi32, #tpu.memory_space<hbm>>
      %dma_wait3A_155 = tpu.memref_squeeze %dma_wait3A_154 : memref<1x1x25x80xi32, #tpu.memory_space<hbm>> -> memref<25x80xi32, #tpu.memory_space<hbm>>
      tpu.wait_dma2 semaphore(%run_scoped3A_123 : memref<!tpu.dma_semaphore, #tpu.memory_space<semaphore_mem>>) src(%dma_wait3A_155 : memref<25x80xi32, #tpu.memory_space<hbm>>) dst(%dma_wait3A_151 : memref<25x80xi32, #tpu.memory_space<vmem>>)
      tpu.yield
    }) : () -> ()
    %run_scoped3A_56 = arith.constant 0 : i32
    %run_scoped3A_57 = arith.constant 0 : i32
    "tpu.region"() ({
      %run_scoped3A_123 = tpu.sem_alloc : memref<!tpu.dma_semaphore, #tpu.memory_space<semaphore_mem>>
      %dma_start3A_124 = arith.constant 0 : i32
      %dma_start3A_125 = arith.constant 0 : i32
      %dma_start3A_126 = tpu.memref_slice %arg8[%run_scoped3A_57, %dma_start3A_124, %dma_start3A_125] : memref<1x25x80xi32, #tpu.memory_space<vmem>> -> memref<1x25x80xi32, #tpu.memory_space<vmem>>
      %dma_start3A_127 = tpu.memref_squeeze %dma_start3A_126 : memref<1x25x80xi32, #tpu.memory_space<vmem>> -> memref<25x80xi32, #tpu.memory_space<vmem>>
      %dma_start3A_128 = arith.constant 0 : i32
      %dma_start3A_129 = arith.constant 0 : i32
      %dma_start3A_130 = tpu.memref_slice %arg4[%add3A, %run_scoped3A_56, %dma_start3A_128, %dma_start3A_129] : memref<32x5x25x80xi32, #tpu.memory_space<hbm>> -> memref<1x1x25x80xi32, #tpu.memory_space<hbm>>
      %dma_start3A_131 = tpu.memref_squeeze %dma_start3A_130 : memref<1x1x25x80xi32, #tpu.memory_space<hbm>> -> memref<25x80xi32, #tpu.memory_space<hbm>>
      %dma_start3A_132 = arith.constant 0 : i32
      %dma_start3A_133 = arith.constant 0 : i32
      %dma_start3A_134 = tpu.memref_slice %arg8[%run_scoped3A_57, %dma_start3A_132, %dma_start3A_133] : memref<1x25x80xi32, #tpu.memory_space<vmem>> -> memref<1x25x80xi32, #tpu.memory_space<vmem>>
      %dma_start3A_135 = tpu.memref_squeeze %dma_start3A_134 : memref<1x25x80xi32, #tpu.memory_space<vmem>> -> memref<25x80xi32, #tpu.memory_space<vmem>>
      %dma_start3A_136 = arith.constant 0 : i32
      %dma_start3A_137 = arith.constant 0 : i32
      %dma_start3A_138 = tpu.memref_slice %arg4[%add3A, %run_scoped3A_56, %dma_start3A_136, %dma_start3A_137] : memref<32x5x25x80xi32, #tpu.memory_space<hbm>> -> memref<1x1x25x80xi32, #tpu.memory_space<hbm>>
      %dma_start3A_139 = tpu.memref_squeeze %dma_start3A_138 : memref<1x1x25x80xi32, #tpu.memory_space<hbm>> -> memref<25x80xi32, #tpu.memory_space<hbm>>
      tpu.enqueue_dma source(%dma_start3A_139 : memref<25x80xi32, #tpu.memory_space<hbm>>) target(%dma_start3A_135 : memref<25x80xi32, #tpu.memory_space<vmem>>) target_semaphore(%run_scoped3A_123 : memref<!tpu.dma_semaphore, #tpu.memory_space<semaphore_mem>>)
      %dma_wait3A_140 = arith.constant 0 : i32
      %dma_wait3A_141 = arith.constant 0 : i32
      %dma_wait3A_142 = tpu.memref_slice %arg8[%run_scoped3A_57, %dma_wait3A_140, %dma_wait3A_141] : memref<1x25x80xi32, #tpu.memory_space<vmem>> -> memref<1x25x80xi32, #tpu.memory_space<vmem>>
      %dma_wait3A_143 = tpu.memref_squeeze %dma_wait3A_142 : memref<1x25x80xi32, #tpu.memory_space<vmem>> -> memref<25x80xi32, #tpu.memory_space<vmem>>
      %dma_wait3A_144 = arith.constant 0 : i32
      %dma_wait3A_145 = arith.constant 0 : i32
      %dma_wait3A_146 = tpu.memref_slice %arg4[%add3A, %run_scoped3A_56, %dma_wait3A_144, %dma_wait3A_145] : memref<32x5x25x80xi32, #tpu.memory_space<hbm>> -> memref<1x1x25x80xi32, #tpu.memory_space<hbm>>
      %dma_wait3A_147 = tpu.memref_squeeze %dma_wait3A_146 : memref<1x1x25x80xi32, #tpu.memory_space<hbm>> -> memref<25x80xi32, #tpu.memory_space<hbm>>
      %dma_wait3A_148 = arith.constant 0 : i32
      %dma_wait3A_149 = arith.constant 0 : i32
      %dma_wait3A_150 = tpu.memref_slice %arg8[%run_scoped3A_57, %dma_wait3A_148, %dma_wait3A_149] : memref<1x25x80xi32, #tpu.memory_space<vmem>> -> memref<1x25x80xi32, #tpu.memory_space<vmem>>
      %dma_wait3A_151 = tpu.memref_squeeze %dma_wait3A_150 : memref<1x25x80xi32, #tpu.memory_space<vmem>> -> memref<25x80xi32, #tpu.memory_space<vmem>>
      %dma_wait3A_152 = arith.constant 0 : i32
      %dma_wait3A_153 = arith.constant 0 : i32
      %dma_wait3A_154 = tpu.memref_slice %arg4[%add3A, %run_scoped3A_56, %dma_wait3A_152, %dma_wait3A_153] : memref<32x5x25x80xi32, #tpu.memory_space<hbm>> -> memref<1x1x25x80xi32, #tpu.memory_space<hbm>>
      %dma_wait3A_155 = tpu.memref_squeeze %dma_wait3A_154 : memref<1x1x25x80xi32, #tpu.memory_space<hbm>> -> memref<25x80xi32, #tpu.memory_space<hbm>>
      tpu.wait_dma2 semaphore(%run_scoped3A_123 : memref<!tpu.dma_semaphore, #tpu.memory_space<semaphore_mem>>) src(%dma_wait3A_155 : memref<25x80xi32, #tpu.memory_space<hbm>>) dst(%dma_wait3A_151 : memref<25x80xi32, #tpu.memory_space<vmem>>)
      tpu.yield
    }) : () -> ()
    %dma_start3A = arith.constant 0 : i32
    %dma_start3A_58 = arith.constant 0 : i32
    %dma_start3A_59 = arith.constant 0 : i32
    %dma_start3A_60 = arith.constant 0 : i32
    %dma_start3A_61 = arith.constant 0 : i32
    %dma_start3A_62 = tpu.memref_slice %arg9[%dma_start3A_59, %dma_start3A_60, %dma_start3A_61] : memref<2x80x128xf32, #tpu.memory_space<vmem>> -> memref<1x80x128xf32, #tpu.memory_space<vmem>>
    %dma_start3A_63 = tpu.memref_squeeze %dma_start3A_62 : memref<1x80x128xf32, #tpu.memory_space<vmem>> -> memref<80x128xf32, #tpu.memory_space<vmem>>
    %dma_start3A_64 = arith.constant 0 : i32
    %dma_start3A_65 = tpu.memref_slice %arg7[%dma_start3A, %dma_start3A_58, %dma_start3A_64] : memref<1x25x80xi32, #tpu.memory_space<vmem>> -> memref<1x1x80xi32, #tpu.memory_space<vmem>>
    %dma_start3A_66 = tpu.memref_squeeze %dma_start3A_65 : memref<1x1x80xi32, #tpu.memory_space<vmem>> -> memref<80xi32, #tpu.memory_space<vmem>>
    %dma_start3A_67 = arith.constant 0 : i32
    %dma_start3A_68 = arith.constant 0 : i32
    %dma_start3A_69 = tpu.memref_slice %arg2[%dma_start3A_67, %dma_start3A_68] : memref<10000x128xf32, #tpu.memory_space<hbm>> -> memref<10000x128xf32, #tpu.memory_space<hbm>>
    tpu.enqueue_indirect_dma source(%dma_start3A_69 : memref<10000x128xf32, #tpu.memory_space<hbm>>) target(%dma_start3A_63 : memref<80x128xf32, #tpu.memory_space<vmem>>) offsets(%dma_start3A_66 : memref<80xi32, #tpu.memory_space<vmem>>) semaphore(%arg11 : memref<!tpu.dma_semaphore, #tpu.memory_space<semaphore_mem>>)
    %scan3A_70 = arith.constant 0 : i32
    %scan3A_71 = arith.constant 0 : i32
    %scan3A_72 = arith.constant 62 : i32
    %scan3A_73 = arith.addi %scan3A_71, %scan3A_72 : i32
    %scan3A_74 = arith.constant 1 : i32
    scf.for %scan3A_123 = %scan3A_71 to %scan3A_73 step %scan3A_74  : i32 {
      %mul3A_124 = arith.constant 2 : i32
      %mul3A_125 = arith.muli %mul3A_124, %scan3A_123 : i32
      %add3A_126 = arith.constant 0 : i32
      %add3A_127 = arith.addi %mul3A_125, %add3A_126 : i32
      %add3A_128 = arith.constant 2 : i32
      %add3A_129 = arith.addi %add3A_127, %add3A_128 : i32
      %sub3A = arith.constant 1 : i32
      %sub3A_130 = arith.subi %add3A_129, %sub3A : i32
      %jit3A = arith.constant 25 : i32
      %eq3A = arith.constant 0 : i32
      %eq3A_131 = arith.cmpi eq, %jit3A, %eq3A : i32
      %jit3A_132 = arith.constant 1 : i32
      %select_n3A = arith.select %eq3A_131, %jit3A_132, %jit3A : i32
      %rem3A = arith.remsi %sub3A_130, %select_n3A : i32
      %ne3A = arith.constant 0 : i32
      %ne3A_133 = arith.cmpi ne, %rem3A, %ne3A : i32
      %lt3A = arith.constant 0 : i32
      %lt3A_134 = arith.cmpi slt, %rem3A, %lt3A : i32
      %lt3A_135 = arith.constant 0 : i32
      %lt3A_136 = arith.cmpi slt, %select_n3A, %lt3A_135 : i32
      %ne3A_137 = arith.xori %lt3A_134, %lt3A_136 : i1
      %and3A = arith.andi %ne3A_137, %ne3A_133 : i1
      %add3A_138 = arith.addi %rem3A, %select_n3A : i32
      %select_n3A_139 = arith.select %and3A, %add3A_138, %rem3A : i32
      %eq3A_140 = arith.constant 0 : i32
      %eq3A_141 = arith.cmpi eq, %select_n3A_139, %eq3A_140 : i32
      %ge3A = arith.constant 125 : i32
      %ge3A_142 = arith.cmpi sge, %sub3A_130, %ge3A : i32
      %not3A = arith.constant true
      %not3A_143 = arith.xori %ge3A_142, %not3A : i1
      %not3A_144 = arith.constant true
      %not3A_145 = arith.xori %eq3A_141, %not3A_144 : i1
      %and3A_146 = arith.andi %not3A_143, %not3A_145 : i1
      %convert_element_type3A = arith.extui %and3A_146 : i1 to i32
      %cond3A = arith.constant 0 : i32
      %cond3A_147 = arith.cmpi ne, %convert_element_type3A, %cond3A : i32
      scf.if %cond3A_147 {
        %jit3A_468 = arith.constant 25 : i32
        %eq3A_469 = arith.constant 0 : i32
        %eq3A_470 = arith.cmpi eq, %jit3A_468, %eq3A_469 : i32
        %jit3A_471 = arith.constant 1 : i32
        %select_n3A_472 = arith.select %eq3A_470, %jit3A_471, %jit3A_468 : i32
        %rem3A_473 = arith.remsi %sub3A_130, %select_n3A_472 : i32
        %ne3A_474 = arith.constant 0 : i32
        %ne3A_475 = arith.cmpi ne, %rem3A_473, %ne3A_474 : i32
        %lt3A_476 = arith.constant 0 : i32
        %lt3A_477 = arith.cmpi slt, %rem3A_473, %lt3A_476 : i32
        %lt3A_478 = arith.constant 0 : i32
        %lt3A_479 = arith.cmpi slt, %select_n3A_472, %lt3A_478 : i32
        %ne3A_480 = arith.xori %lt3A_477, %lt3A_479 : i1
        %and3A_481 = arith.andi %ne3A_480, %ne3A_475 : i1
        %add3A_482 = arith.addi %rem3A_473, %select_n3A_472 : i32
        %select_n3A_483 = arith.select %and3A_481, %add3A_482, %rem3A_473 : i32
        %dma_start3A_484 = arith.constant 0 : i32
        %dma_start3A_485 = arith.constant 1 : i32
        %dma_start3A_486 = arith.constant 0 : i32
        %dma_start3A_487 = arith.constant 0 : i32
        %dma_start3A_488 = tpu.memref_slice %arg9[%dma_start3A_485, %dma_start3A_486, %dma_start3A_487] : memref<2x80x128xf32, #tpu.memory_space<vmem>> -> memref<1x80x128xf32, #tpu.memory_space<vmem>>
        %dma_start3A_489 = tpu.memref_squeeze %dma_start3A_488 : memref<1x80x128xf32, #tpu.memory_space<vmem>> -> memref<80x128xf32, #tpu.memory_space<vmem>>
        %dma_start3A_490 = arith.constant 0 : i32
        %dma_start3A_491 = tpu.memref_slice %arg7[%dma_start3A_484, %select_n3A_483, %dma_start3A_490] : memref<1x25x80xi32, #tpu.memory_space<vmem>> -> memref<1x1x80xi32, #tpu.memory_space<vmem>>
        %dma_start3A_492 = tpu.memref_squeeze %dma_start3A_491 : memref<1x1x80xi32, #tpu.memory_space<vmem>> -> memref<80xi32, #tpu.memory_space<vmem>>
        %dma_start3A_493 = arith.constant 0 : i32
        %dma_start3A_494 = arith.constant 0 : i32
        %dma_start3A_495 = tpu.memref_slice %arg2[%dma_start3A_493, %dma_start3A_494] : memref<10000x128xf32, #tpu.memory_space<hbm>> -> memref<10000x128xf32, #tpu.memory_space<hbm>>
        tpu.enqueue_indirect_dma source(%dma_start3A_495 : memref<10000x128xf32, #tpu.memory_space<hbm>>) target(%dma_start3A_489 : memref<80x128xf32, #tpu.memory_space<vmem>>) offsets(%dma_start3A_492 : memref<80xi32, #tpu.memory_space<vmem>>) semaphore(%arg12 : memref<!tpu.dma_semaphore, #tpu.memory_space<semaphore_mem>>)
      } else {
      }
      %dma_wait3A_148 = arith.constant 0 : i32
      %dma_wait3A_149 = arith.constant 0 : i32
      %dma_wait3A_150 = arith.constant 0 : i32
      %dma_wait3A_151 = arith.constant 0 : i32
      %dma_wait3A_152 = arith.constant 0 : i32
      %dma_wait3A_153 = tpu.memref_slice %arg9[%dma_wait3A_150, %dma_wait3A_151, %dma_wait3A_152] : memref<2x80x128xf32, #tpu.memory_space<vmem>> -> memref<1x80x128xf32, #tpu.memory_space<vmem>>
      %dma_wait3A_154 = tpu.memref_squeeze %dma_wait3A_153 : memref<1x80x128xf32, #tpu.memory_space<vmem>> -> memref<80x128xf32, #tpu.memory_space<vmem>>
      %dma_wait3A_155 = arith.constant 0 : i32
      %dma_wait3A_156 = tpu.memref_slice %arg7[%dma_wait3A_148, %dma_wait3A_149, %dma_wait3A_155] : memref<1x25x80xi32, #tpu.memory_space<vmem>> -> memref<1x1x80xi32, #tpu.memory_space<vmem>>
      %dma_wait3A_157 = tpu.memref_squeeze %dma_wait3A_156 : memref<1x1x80xi32, #tpu.memory_space<vmem>> -> memref<80xi32, #tpu.memory_space<vmem>>
      %dma_wait3A_158 = arith.constant 0 : i32
      %dma_wait3A_159 = arith.constant 0 : i32
      %dma_wait3A_160 = tpu.memref_slice %arg2[%dma_wait3A_158, %dma_wait3A_159] : memref<10000x128xf32, #tpu.memory_space<hbm>> -> memref<10000x128xf32, #tpu.memory_space<hbm>>
      tpu.wait_indirect_dma semaphore(%arg11 : memref<!tpu.dma_semaphore, #tpu.memory_space<semaphore_mem>>) src(%dma_wait3A_160 : memref<10000x128xf32, #tpu.memory_space<hbm>>) dst(%dma_wait3A_154 : memref<80x128xf32, #tpu.memory_space<vmem>>)
      %jit3A_161 = arith.constant 25 : i32
      %eq3A_162 = arith.constant 0 : i32
      %eq3A_163 = arith.cmpi eq, %jit3A_161, %eq3A_162 : i32
      %jit3A_164 = arith.constant 1 : i32
      %select_n3A_165 = arith.select %eq3A_163, %jit3A_164, %jit3A_161 : i32
      %rem3A_166 = arith.remsi %add3A_127, %select_n3A_165 : i32
      %ne3A_167 = arith.constant 0 : i32
      %ne3A_168 = arith.cmpi ne, %rem3A_166, %ne3A_167 : i32
      %lt3A_169 = arith.constant 0 : i32
      %lt3A_170 = arith.cmpi slt, %rem3A_166, %lt3A_169 : i32
      %lt3A_171 = arith.constant 0 : i32
      %lt3A_172 = arith.cmpi slt, %select_n3A_165, %lt3A_171 : i32
      %ne3A_173 = arith.xori %lt3A_170, %lt3A_172 : i1
      %and3A_174 = arith.andi %ne3A_173, %ne3A_168 : i1
      %add3A_175 = arith.addi %rem3A_166, %select_n3A_165 : i32
      %select_n3A_176 = arith.select %and3A_174, %add3A_175, %rem3A_166 : i32
      %run_scoped3A_177 = arith.constant 0 : i32
      %run_scoped3A_178 = arith.constant 0 : i32
      "tpu.region"() ({
        %run_scoped3A_468 = tpu.sem_alloc : memref<!tpu.dma_semaphore, #tpu.memory_space<semaphore_mem>>
        %dma_start3A_469 = arith.constant 0 : i32
        %dma_start3A_470 = arith.constant 0 : i32
        %dma_start3A_471 = tpu.memref_slice %arg9[%run_scoped3A_177, %dma_start3A_469, %dma_start3A_470] : memref<2x80x128xf32, #tpu.memory_space<vmem>> -> memref<1x80x128xf32, #tpu.memory_space<vmem>>
        %dma_start3A_472 = tpu.memref_squeeze %dma_start3A_471 : memref<1x80x128xf32, #tpu.memory_space<vmem>> -> memref<80x128xf32, #tpu.memory_space<vmem>>
        %dma_start3A_473 = arith.constant 0 : i32
        %dma_start3A_474 = tpu.memref_slice %arg8[%run_scoped3A_178, %select_n3A_176, %dma_start3A_473] : memref<1x25x80xi32, #tpu.memory_space<vmem>> -> memref<1x1x80xi32, #tpu.memory_space<vmem>>
        %dma_start3A_475 = tpu.memref_squeeze %dma_start3A_474 : memref<1x1x80xi32, #tpu.memory_space<vmem>> -> memref<80xi32, #tpu.memory_space<vmem>>
        %dma_start3A_476 = arith.constant 0 : i32
        %dma_start3A_477 = arith.constant 0 : i32
        %dma_start3A_478 = tpu.memref_slice %arg10[%dma_start3A_476, %dma_start3A_477] : memref<10240x128xf32, #tpu.memory_space<vmem_shared>> -> memref<10240x128xf32, #tpu.memory_space<vmem_shared>>
        tpu.enqueue_indirect_dma source(%dma_start3A_472 : memref<80x128xf32, #tpu.memory_space<vmem>>) target(%dma_start3A_478 : memref<10240x128xf32, #tpu.memory_space<vmem_shared>>) offsets(%dma_start3A_475 : memref<80xi32, #tpu.memory_space<vmem>>) semaphore(%run_scoped3A_468 : memref<!tpu.dma_semaphore, #tpu.memory_space<semaphore_mem>>) {add = true}
        %dma_wait3A_479 = arith.constant 0 : i32
        %dma_wait3A_480 = arith.constant 0 : i32
        %dma_wait3A_481 = tpu.memref_slice %arg9[%run_scoped3A_177, %dma_wait3A_479, %dma_wait3A_480] : memref<2x80x128xf32, #tpu.memory_space<vmem>> -> memref<1x80x128xf32, #tpu.memory_space<vmem>>
        %dma_wait3A_482 = tpu.memref_squeeze %dma_wait3A_481 : memref<1x80x128xf32, #tpu.memory_space<vmem>> -> memref<80x128xf32, #tpu.memory_space<vmem>>
        %dma_wait3A_483 = arith.constant 0 : i32
        %dma_wait3A_484 = tpu.memref_slice %arg8[%run_scoped3A_178, %select_n3A_176, %dma_wait3A_483] : memref<1x25x80xi32, #tpu.memory_space<vmem>> -> memref<1x1x80xi32, #tpu.memory_space<vmem>>
        %dma_wait3A_485 = tpu.memref_squeeze %dma_wait3A_484 : memref<1x1x80xi32, #tpu.memory_space<vmem>> -> memref<80xi32, #tpu.memory_space<vmem>>
        %dma_wait3A_486 = arith.constant 0 : i32
        %dma_wait3A_487 = arith.constant 0 : i32
        %dma_wait3A_488 = tpu.memref_slice %arg10[%dma_wait3A_486, %dma_wait3A_487] : memref<10240x128xf32, #tpu.memory_space<vmem_shared>> -> memref<10240x128xf32, #tpu.memory_space<vmem_shared>>
        tpu.wait_indirect_dma semaphore(%run_scoped3A_468 : memref<!tpu.dma_semaphore, #tpu.memory_space<semaphore_mem>>) src(%dma_wait3A_482 : memref<80x128xf32, #tpu.memory_space<vmem>>) dst(%dma_wait3A_488 : memref<10240x128xf32, #tpu.memory_space<vmem_shared>>)
        tpu.yield
      }) : () -> ()
      %jit3A_179 = arith.constant 25 : i32
      %eq3A_180 = arith.constant 0 : i32
      %eq3A_181 = arith.cmpi eq, %jit3A_179, %eq3A_180 : i32
      %jit3A_182 = arith.constant 1 : i32
      %select_n3A_183 = arith.select %eq3A_181, %jit3A_182, %jit3A_179 : i32
      %rem3A_184 = arith.remsi %add3A_127, %select_n3A_183 : i32
      %ne3A_185 = arith.constant 0 : i32
      %ne3A_186 = arith.cmpi ne, %rem3A_184, %ne3A_185 : i32
      %lt3A_187 = arith.constant 0 : i32
      %lt3A_188 = arith.cmpi slt, %rem3A_184, %lt3A_187 : i32
      %lt3A_189 = arith.constant 0 : i32
      %lt3A_190 = arith.cmpi slt, %select_n3A_183, %lt3A_189 : i32
      %ne3A_191 = arith.xori %lt3A_188, %lt3A_190 : i1
      %and3A_192 = arith.andi %ne3A_191, %ne3A_186 : i1
      %add3A_193 = arith.addi %rem3A_184, %select_n3A_183 : i32
      %select_n3A_194 = arith.select %and3A_192, %add3A_193, %rem3A_184 : i32
      %get3A_195 = arith.constant 0 : i32
      %get3A_196 = arith.index_cast %get3A_195 : i32 to index
      %get3A_197 = arith.index_cast %select_n3A_194 : i32 to index
      %get3A_198 = arith.constant 0 : index
      %get3A_199 = tpu.vector_load %arg8[%get3A_196, %get3A_197, %get3A_198] {strides = array<i32>} : memref<1x25x80xi32, #tpu.memory_space<vmem>>, vector<16xi32>,
      tpu.vector_store_idx %arg13[%get3A_199], %broadcast_in_dim3A_3 {add = true} : memref<10240xf32, #tpu.memory_space<vmem>>[vector<16xi32>], vector<16xf32>,
      %jit3A_200 = arith.constant 25 : i32
      %eq3A_201 = arith.constant 0 : i32
      %eq3A_202 = arith.cmpi eq, %jit3A_200, %eq3A_201 : i32
      %jit3A_203 = arith.constant 1 : i32
      %select_n3A_204 = arith.select %eq3A_202, %jit3A_203, %jit3A_200 : i32
      %rem3A_205 = arith.remsi %add3A_127, %select_n3A_204 : i32
      %ne3A_206 = arith.constant 0 : i32
      %ne3A_207 = arith.cmpi ne, %rem3A_205, %ne3A_206 : i32
      %lt3A_208 = arith.constant 0 : i32
      %lt3A_209 = arith.cmpi slt, %rem3A_205, %lt3A_208 : i32
      %lt3A_210 = arith.constant 0 : i32
      %lt3A_211 = arith.cmpi slt, %select_n3A_204, %lt3A_210 : i32
      %ne3A_212 = arith.xori %lt3A_209, %lt3A_211 : i1
      %and3A_213 = arith.andi %ne3A_212, %ne3A_207 : i1
      %add3A_214 = arith.addi %rem3A_205, %select_n3A_204 : i32
      %select_n3A_215 = arith.select %and3A_213, %add3A_214, %rem3A_205 : i32
      %get3A_216 = arith.constant 0 : i32
      %get3A_217 = arith.index_cast %get3A_216 : i32 to index
      %get3A_218 = arith.index_cast %select_n3A_215 : i32 to index
      %get3A_219 = arith.constant 16 : index
      %get3A_220 = tpu.vector_load %arg8[%get3A_217, %get3A_218, %get3A_219] {strides = array<i32>} : memref<1x25x80xi32, #tpu.memory_space<vmem>>, vector<16xi32>,
      tpu.vector_store_idx %arg13[%get3A_220], %broadcast_in_dim3A_3 {add = true} : memref<10240xf32, #tpu.memory_space<vmem>>[vector<16xi32>], vector<16xf32>,
      %jit3A_221 = arith.constant 25 : i32
      %eq3A_222 = arith.constant 0 : i32
      %eq3A_223 = arith.cmpi eq, %jit3A_221, %eq3A_222 : i32
      %jit3A_224 = arith.constant 1 : i32
      %select_n3A_225 = arith.select %eq3A_223, %jit3A_224, %jit3A_221 : i32
      %rem3A_226 = arith.remsi %add3A_127, %select_n3A_225 : i32
      %ne3A_227 = arith.constant 0 : i32
      %ne3A_228 = arith.cmpi ne, %rem3A_226, %ne3A_227 : i32
      %lt3A_229 = arith.constant 0 : i32
      %lt3A_230 = arith.cmpi slt, %rem3A_226, %lt3A_229 : i32
      %lt3A_231 = arith.constant 0 : i32
      %lt3A_232 = arith.cmpi slt, %select_n3A_225, %lt3A_231 : i32
      %ne3A_233 = arith.xori %lt3A_230, %lt3A_232 : i1
      %and3A_234 = arith.andi %ne3A_233, %ne3A_228 : i1
      %add3A_235 = arith.addi %rem3A_226, %select_n3A_225 : i32
      %select_n3A_236 = arith.select %and3A_234, %add3A_235, %rem3A_226 : i32
      %get3A_237 = arith.constant 0 : i32
      %get3A_238 = arith.index_cast %get3A_237 : i32 to index
      %get3A_239 = arith.index_cast %select_n3A_236 : i32 to index
      %get3A_240 = arith.constant 32 : index
      %get3A_241 = tpu.vector_load %arg8[%get3A_238, %get3A_239, %get3A_240] {strides = array<i32>} : memref<1x25x80xi32, #tpu.memory_space<vmem>>, vector<16xi32>,
      tpu.vector_store_idx %arg13[%get3A_241], %broadcast_in_dim3A_3 {add = true} : memref<10240xf32, #tpu.memory_space<vmem>>[vector<16xi32>], vector<16xf32>,
      %jit3A_242 = arith.constant 25 : i32
      %eq3A_243 = arith.constant 0 : i32
      %eq3A_244 = arith.cmpi eq, %jit3A_242, %eq3A_243 : i32
      %jit3A_245 = arith.constant 1 : i32
      %select_n3A_246 = arith.select %eq3A_244, %jit3A_245, %jit3A_242 : i32
      %rem3A_247 = arith.remsi %add3A_127, %select_n3A_246 : i32
      %ne3A_248 = arith.constant 0 : i32
      %ne3A_249 = arith.cmpi ne, %rem3A_247, %ne3A_248 : i32
      %lt3A_250 = arith.constant 0 : i32
      %lt3A_251 = arith.cmpi slt, %rem3A_247, %lt3A_250 : i32
      %lt3A_252 = arith.constant 0 : i32
      %lt3A_253 = arith.cmpi slt, %select_n3A_246, %lt3A_252 : i32
      %ne3A_254 = arith.xori %lt3A_251, %lt3A_253 : i1
      %and3A_255 = arith.andi %ne3A_254, %ne3A_249 : i1
      %add3A_256 = arith.addi %rem3A_247, %select_n3A_246 : i32
      %select_n3A_257 = arith.select %and3A_255, %add3A_256, %rem3A_247 : i32
      %get3A_258 = arith.constant 0 : i32
      %get3A_259 = arith.index_cast %get3A_258 : i32 to index
      %get3A_260 = arith.index_cast %select_n3A_257 : i32 to index
      %get3A_261 = arith.constant 48 : index
      %get3A_262 = tpu.vector_load %arg8[%get3A_259, %get3A_260, %get3A_261] {strides = array<i32>} : memref<1x25x80xi32, #tpu.memory_space<vmem>>, vector<16xi32>,
      tpu.vector_store_idx %arg13[%get3A_262], %broadcast_in_dim3A_3 {add = true} : memref<10240xf32, #tpu.memory_space<vmem>>[vector<16xi32>], vector<16xf32>,
      %jit3A_263 = arith.constant 25 : i32
      %eq3A_264 = arith.constant 0 : i32
      %eq3A_265 = arith.cmpi eq, %jit3A_263, %eq3A_264 : i32
      %jit3A_266 = arith.constant 1 : i32
      %select_n3A_267 = arith.select %eq3A_265, %jit3A_266, %jit3A_263 : i32
      %rem3A_268 = arith.remsi %add3A_127, %select_n3A_267 : i32
      %ne3A_269 = arith.constant 0 : i32
      %ne3A_270 = arith.cmpi ne, %rem3A_268, %ne3A_269 : i32
      %lt3A_271 = arith.constant 0 : i32
      %lt3A_272 = arith.cmpi slt, %rem3A_268, %lt3A_271 : i32
      %lt3A_273 = arith.constant 0 : i32
      %lt3A_274 = arith.cmpi slt, %select_n3A_267, %lt3A_273 : i32
      %ne3A_275 = arith.xori %lt3A_272, %lt3A_274 : i1
      %and3A_276 = arith.andi %ne3A_275, %ne3A_270 : i1
      %add3A_277 = arith.addi %rem3A_268, %select_n3A_267 : i32
      %select_n3A_278 = arith.select %and3A_276, %add3A_277, %rem3A_268 : i32
      %get3A_279 = arith.constant 0 : i32
      %get3A_280 = arith.index_cast %get3A_279 : i32 to index
      %get3A_281 = arith.index_cast %select_n3A_278 : i32 to index
      %get3A_282 = arith.constant 64 : index
      %get3A_283 = tpu.vector_load %arg8[%get3A_280, %get3A_281, %get3A_282] {strides = array<i32>} : memref<1x25x80xi32, #tpu.memory_space<vmem>>, vector<16xi32>,
      tpu.vector_store_idx %arg13[%get3A_283], %broadcast_in_dim3A_3 {add = true} : memref<10240xf32, #tpu.memory_space<vmem>>[vector<16xi32>], vector<16xf32>,
      %not3A_284 = arith.constant true
      %not3A_285 = arith.xori %ge3A_142, %not3A_284 : i1
      %and3A_286 = arith.andi %not3A_285, %eq3A_141 : i1
      %convert_element_type3A_287 = arith.extui %and3A_286 : i1 to i32
      %cond3A_288 = arith.constant 0 : i32
      %cond3A_289 = arith.cmpi ne, %convert_element_type3A_287, %cond3A_288 : i32
      scf.if %cond3A_289 {
        %jit3A_468 = arith.constant 25 : i32
        %div3A = arith.divsi %sub3A_130, %jit3A_468 : i32
        %sign3A = arith.constant 0 : i32
        %sign3A_469 = arith.cmpi sgt, %sub3A_130, %sign3A : i32
        %sign3A_470 = arith.extui %sign3A_469 : i1 to i32
        %sign3A_471 = arith.constant 0 : i32
        %sign3A_472 = arith.cmpi slt, %sub3A_130, %sign3A_471 : i32
        %sign3A_473 = arith.extui %sign3A_472 : i1 to i32
        %sign3A_474 = arith.subi %sign3A_470, %sign3A_473 : i32
        %sign3A_475 = arith.constant 0 : i32
        %sign3A_476 = arith.cmpi sgt, %jit3A_468, %sign3A_475 : i32
        %sign3A_477 = arith.extui %sign3A_476 : i1 to i32
        %sign3A_478 = arith.constant 0 : i32
        %sign3A_479 = arith.cmpi slt, %jit3A_468, %sign3A_478 : i32
        %sign3A_480 = arith.extui %sign3A_479 : i1 to i32
        %sign3A_481 = arith.subi %sign3A_477, %sign3A_480 : i32
        %ne3A_482 = arith.cmpi ne, %sign3A_474, %sign3A_481 : i32
        %rem3A_483 = arith.remsi %sub3A_130, %jit3A_468 : i32
        %ne3A_484 = arith.constant 0 : i32
        %ne3A_485 = arith.cmpi ne, %rem3A_483, %ne3A_484 : i32
        %and3A_486 = arith.andi %ne3A_482, %ne3A_485 : i1
        %sub3A_487 = arith.constant 1 : i32
        %sub3A_488 = arith.subi %div3A, %sub3A_487 : i32
        %select_n3A_489 = arith.select %and3A_486, %sub3A_488, %div3A : i32
        %run_scoped3A_490 = arith.constant 0 : i32
        "tpu.region"() ({
          %run_scoped3A_520 = tpu.sem_alloc : memref<!tpu.dma_semaphore, #tpu.memory_space<semaphore_mem>>
          %dma_start3A_521 = arith.constant 0 : i32
          %dma_start3A_522 = arith.constant 0 : i32
          %dma_start3A_523 = tpu.memref_slice %arg7[%run_scoped3A_490, %dma_start3A_521, %dma_start3A_522] : memref<1x25x80xi32, #tpu.memory_space<vmem>> -> memref<1x25x80xi32, #tpu.memory_space<vmem>>
          %dma_start3A_524 = tpu.memref_squeeze %dma_start3A_523 : memref<1x25x80xi32, #tpu.memory_space<vmem>> -> memref<25x80xi32, #tpu.memory_space<vmem>>
          %dma_start3A_525 = arith.constant 0 : i32
          %dma_start3A_526 = arith.constant 0 : i32
          %dma_start3A_527 = tpu.memref_slice %arg3[%add3A, %select_n3A_489, %dma_start3A_525, %dma_start3A_526] : memref<32x5x25x80xi32, #tpu.memory_space<hbm>> -> memref<1x1x25x80xi32, #tpu.memory_space<hbm>>
          %dma_start3A_528 = tpu.memref_squeeze %dma_start3A_527 : memref<1x1x25x80xi32, #tpu.memory_space<hbm>> -> memref<25x80xi32, #tpu.memory_space<hbm>>
          %dma_start3A_529 = arith.constant 0 : i32
          %dma_start3A_530 = arith.constant 0 : i32
          %dma_start3A_531 = tpu.memref_slice %arg7[%run_scoped3A_490, %dma_start3A_529, %dma_start3A_530] : memref<1x25x80xi32, #tpu.memory_space<vmem>> -> memref<1x25x80xi32, #tpu.memory_space<vmem>>
          %dma_start3A_532 = tpu.memref_squeeze %dma_start3A_531 : memref<1x25x80xi32, #tpu.memory_space<vmem>> -> memref<25x80xi32, #tpu.memory_space<vmem>>
          %dma_start3A_533 = arith.constant 0 : i32
          %dma_start3A_534 = arith.constant 0 : i32
          %dma_start3A_535 = tpu.memref_slice %arg3[%add3A, %select_n3A_489, %dma_start3A_533, %dma_start3A_534] : memref<32x5x25x80xi32, #tpu.memory_space<hbm>> -> memref<1x1x25x80xi32, #tpu.memory_space<hbm>>
          %dma_start3A_536 = tpu.memref_squeeze %dma_start3A_535 : memref<1x1x25x80xi32, #tpu.memory_space<hbm>> -> memref<25x80xi32, #tpu.memory_space<hbm>>
          tpu.enqueue_dma source(%dma_start3A_536 : memref<25x80xi32, #tpu.memory_space<hbm>>) target(%dma_start3A_532 : memref<25x80xi32, #tpu.memory_space<vmem>>) target_semaphore(%run_scoped3A_520 : memref<!tpu.dma_semaphore, #tpu.memory_space<semaphore_mem>>)
          %dma_wait3A_537 = arith.constant 0 : i32
          %dma_wait3A_538 = arith.constant 0 : i32
          %dma_wait3A_539 = tpu.memref_slice %arg7[%run_scoped3A_490, %dma_wait3A_537, %dma_wait3A_538] : memref<1x25x80xi32, #tpu.memory_space<vmem>> -> memref<1x25x80xi32, #tpu.memory_space<vmem>>
          %dma_wait3A_540 = tpu.memref_squeeze %dma_wait3A_539 : memref<1x25x80xi32, #tpu.memory_space<vmem>> -> memref<25x80xi32, #tpu.memory_space<vmem>>
          %dma_wait3A_541 = arith.constant 0 : i32
          %dma_wait3A_542 = arith.constant 0 : i32
          %dma_wait3A_543 = tpu.memref_slice %arg3[%add3A, %select_n3A_489, %dma_wait3A_541, %dma_wait3A_542] : memref<32x5x25x80xi32, #tpu.memory_space<hbm>> -> memref<1x1x25x80xi32, #tpu.memory_space<hbm>>
          %dma_wait3A_544 = tpu.memref_squeeze %dma_wait3A_543 : memref<1x1x25x80xi32, #tpu.memory_space<hbm>> -> memref<25x80xi32, #tpu.memory_space<hbm>>
          %dma_wait3A_545 = arith.constant 0 : i32
          %dma_wait3A_546 = arith.constant 0 : i32
          %dma_wait3A_547 = tpu.memref_slice %arg7[%run_scoped3A_490, %dma_wait3A_545, %dma_wait3A_546] : memref<1x25x80xi32, #tpu.memory_space<vmem>> -> memref<1x25x80xi32, #tpu.memory_space<vmem>>
          %dma_wait3A_548 = tpu.memref_squeeze %dma_wait3A_547 : memref<1x25x80xi32, #tpu.memory_space<vmem>> -> memref<25x80xi32, #tpu.memory_space<vmem>>
          %dma_wait3A_549 = arith.constant 0 : i32
          %dma_wait3A_550 = arith.constant 0 : i32
          %dma_wait3A_551 = tpu.memref_slice %arg3[%add3A, %select_n3A_489, %dma_wait3A_549, %dma_wait3A_550] : memref<32x5x25x80xi32, #tpu.memory_space<hbm>> -> memref<1x1x25x80xi32, #tpu.memory_space<hbm>>
          %dma_wait3A_552 = tpu.memref_squeeze %dma_wait3A_551 : memref<1x1x25x80xi32, #tpu.memory_space<hbm>> -> memref<25x80xi32, #tpu.memory_space<hbm>>
          tpu.wait_dma2 semaphore(%run_scoped3A_520 : memref<!tpu.dma_semaphore, #tpu.memory_space<semaphore_mem>>) src(%dma_wait3A_552 : memref<25x80xi32, #tpu.memory_space<hbm>>) dst(%dma_wait3A_548 : memref<25x80xi32, #tpu.memory_space<vmem>>)
          tpu.yield
        }) : () -> ()
        %run_scoped3A_491 = arith.constant 0 : i32
        "tpu.region"() ({
          %run_scoped3A_520 = tpu.sem_alloc : memref<!tpu.dma_semaphore, #tpu.memory_space<semaphore_mem>>
          %dma_start3A_521 = arith.constant 0 : i32
          %dma_start3A_522 = arith.constant 0 : i32
          %dma_start3A_523 = tpu.memref_slice %arg8[%run_scoped3A_491, %dma_start3A_521, %dma_start3A_522] : memref<1x25x80xi32, #tpu.memory_space<vmem>> -> memref<1x25x80xi32, #tpu.memory_space<vmem>>
          %dma_start3A_524 = tpu.memref_squeeze %dma_start3A_523 : memref<1x25x80xi32, #tpu.memory_space<vmem>> -> memref<25x80xi32, #tpu.memory_space<vmem>>
          %dma_start3A_525 = arith.constant 0 : i32
          %dma_start3A_526 = arith.constant 0 : i32
          %dma_start3A_527 = tpu.memref_slice %arg4[%add3A, %select_n3A_489, %dma_start3A_525, %dma_start3A_526] : memref<32x5x25x80xi32, #tpu.memory_space<hbm>> -> memref<1x1x25x80xi32, #tpu.memory_space<hbm>>
          %dma_start3A_528 = tpu.memref_squeeze %dma_start3A_527 : memref<1x1x25x80xi32, #tpu.memory_space<hbm>> -> memref<25x80xi32, #tpu.memory_space<hbm>>
          %dma_start3A_529 = arith.constant 0 : i32
          %dma_start3A_530 = arith.constant 0 : i32
          %dma_start3A_531 = tpu.memref_slice %arg8[%run_scoped3A_491, %dma_start3A_529, %dma_start3A_530] : memref<1x25x80xi32, #tpu.memory_space<vmem>> -> memref<1x25x80xi32, #tpu.memory_space<vmem>>
          %dma_start3A_532 = tpu.memref_squeeze %dma_start3A_531 : memref<1x25x80xi32, #tpu.memory_space<vmem>> -> memref<25x80xi32, #tpu.memory_space<vmem>>
          %dma_start3A_533 = arith.constant 0 : i32
          %dma_start3A_534 = arith.constant 0 : i32
          %dma_start3A_535 = tpu.memref_slice %arg4[%add3A, %select_n3A_489, %dma_start3A_533, %dma_start3A_534] : memref<32x5x25x80xi32, #tpu.memory_space<hbm>> -> memref<1x1x25x80xi32, #tpu.memory_space<hbm>>
          %dma_start3A_536 = tpu.memref_squeeze %dma_start3A_535 : memref<1x1x25x80xi32, #tpu.memory_space<hbm>> -> memref<25x80xi32, #tpu.memory_space<hbm>>
          tpu.enqueue_dma source(%dma_start3A_536 : memref<25x80xi32, #tpu.memory_space<hbm>>) target(%dma_start3A_532 : memref<25x80xi32, #tpu.memory_space<vmem>>) target_semaphore(%run_scoped3A_520 : memref<!tpu.dma_semaphore, #tpu.memory_space<semaphore_mem>>)
          %dma_wait3A_537 = arith.constant 0 : i32
          %dma_wait3A_538 = arith.constant 0 : i32
          %dma_wait3A_539 = tpu.memref_slice %arg8[%run_scoped3A_491, %dma_wait3A_537, %dma_wait3A_538] : memref<1x25x80xi32, #tpu.memory_space<vmem>> -> memref<1x25x80xi32, #tpu.memory_space<vmem>>
          %dma_wait3A_540 = tpu.memref_squeeze %dma_wait3A_539 : memref<1x25x80xi32, #tpu.memory_space<vmem>> -> memref<25x80xi32, #tpu.memory_space<vmem>>
          %dma_wait3A_541 = arith.constant 0 : i32
          %dma_wait3A_542 = arith.constant 0 : i32
          %dma_wait3A_543 = tpu.memref_slice %arg4[%add3A, %select_n3A_489, %dma_wait3A_541, %dma_wait3A_542] : memref<32x5x25x80xi32, #tpu.memory_space<hbm>> -> memref<1x1x25x80xi32, #tpu.memory_space<hbm>>
          %dma_wait3A_544 = tpu.memref_squeeze %dma_wait3A_543 : memref<1x1x25x80xi32, #tpu.memory_space<hbm>> -> memref<25x80xi32, #tpu.memory_space<hbm>>
          %dma_wait3A_545 = arith.constant 0 : i32
          %dma_wait3A_546 = arith.constant 0 : i32
          %dma_wait3A_547 = tpu.memref_slice %arg8[%run_scoped3A_491, %dma_wait3A_545, %dma_wait3A_546] : memref<1x25x80xi32, #tpu.memory_space<vmem>> -> memref<1x25x80xi32, #tpu.memory_space<vmem>>
          %dma_wait3A_548 = tpu.memref_squeeze %dma_wait3A_547 : memref<1x25x80xi32, #tpu.memory_space<vmem>> -> memref<25x80xi32, #tpu.memory_space<vmem>>
          %dma_wait3A_549 = arith.constant 0 : i32
          %dma_wait3A_550 = arith.constant 0 : i32
          %dma_wait3A_551 = tpu.memref_slice %arg4[%add3A, %select_n3A_489, %dma_wait3A_549, %dma_wait3A_550] : memref<32x5x25x80xi32, #tpu.memory_space<hbm>> -> memref<1x1x25x80xi32, #tpu.memory_space<hbm>>
          %dma_wait3A_552 = tpu.memref_squeeze %dma_wait3A_551 : memref<1x1x25x80xi32, #tpu.memory_space<hbm>> -> memref<25x80xi32, #tpu.memory_space<hbm>>
          tpu.wait_dma2 semaphore(%run_scoped3A_520 : memref<!tpu.dma_semaphore, #tpu.memory_space<semaphore_mem>>) src(%dma_wait3A_552 : memref<25x80xi32, #tpu.memory_space<hbm>>) dst(%dma_wait3A_548 : memref<25x80xi32, #tpu.memory_space<vmem>>)
          tpu.yield
        }) : () -> ()
        %jit3A_492 = arith.constant 25 : i32
        %eq3A_493 = arith.constant 0 : i32
        %eq3A_494 = arith.cmpi eq, %jit3A_492, %eq3A_493 : i32
        %jit3A_495 = arith.constant 1 : i32
        %select_n3A_496 = arith.select %eq3A_494, %jit3A_495, %jit3A_492 : i32
        %rem3A_497 = arith.remsi %sub3A_130, %select_n3A_496 : i32
        %ne3A_498 = arith.constant 0 : i32
        %ne3A_499 = arith.cmpi ne, %rem3A_497, %ne3A_498 : i32
        %lt3A_500 = arith.constant 0 : i32
        %lt3A_501 = arith.cmpi slt, %rem3A_497, %lt3A_500 : i32
        %lt3A_502 = arith.constant 0 : i32
        %lt3A_503 = arith.cmpi slt, %select_n3A_496, %lt3A_502 : i32
        %ne3A_504 = arith.xori %lt3A_501, %lt3A_503 : i1
        %and3A_505 = arith.andi %ne3A_504, %ne3A_499 : i1
        %add3A_506 = arith.addi %rem3A_497, %select_n3A_496 : i32
        %select_n3A_507 = arith.select %and3A_505, %add3A_506, %rem3A_497 : i32
        %dma_start3A_508 = arith.constant 0 : i32
        %dma_start3A_509 = arith.constant 1 : i32
        %dma_start3A_510 = arith.constant 0 : i32
        %dma_start3A_511 = arith.constant 0 : i32
        %dma_start3A_512 = tpu.memref_slice %arg9[%dma_start3A_509, %dma_start3A_510, %dma_start3A_511] : memref<2x80x128xf32, #tpu.memory_space<vmem>> -> memref<1x80x128xf32, #tpu.memory_space<vmem>>
        %dma_start3A_513 = tpu.memref_squeeze %dma_start3A_512 : memref<1x80x128xf32, #tpu.memory_space<vmem>> -> memref<80x128xf32, #tpu.memory_space<vmem>>
        %dma_start3A_514 = arith.constant 0 : i32
        %dma_start3A_515 = tpu.memref_slice %arg7[%dma_start3A_508, %select_n3A_507, %dma_start3A_514] : memref<1x25x80xi32, #tpu.memory_space<vmem>> -> memref<1x1x80xi32, #tpu.memory_space<vmem>>
        %dma_start3A_516 = tpu.memref_squeeze %dma_start3A_515 : memref<1x1x80xi32, #tpu.memory_space<vmem>> -> memref<80xi32, #tpu.memory_space<vmem>>
        %dma_start3A_517 = arith.constant 0 : i32
        %dma_start3A_518 = arith.constant 0 : i32
        %dma_start3A_519 = tpu.memref_slice %arg2[%dma_start3A_517, %dma_start3A_518] : memref<10000x128xf32, #tpu.memory_space<hbm>> -> memref<10000x128xf32, #tpu.memory_space<hbm>>
        tpu.enqueue_indirect_dma source(%dma_start3A_519 : memref<10000x128xf32, #tpu.memory_space<hbm>>) target(%dma_start3A_513 : memref<80x128xf32, #tpu.memory_space<vmem>>) offsets(%dma_start3A_516 : memref<80xi32, #tpu.memory_space<vmem>>) semaphore(%arg12 : memref<!tpu.dma_semaphore, #tpu.memory_space<semaphore_mem>>)
      } else {
      }
      %mul3A_290 = arith.constant 2 : i32
      %mul3A_291 = arith.muli %mul3A_290, %scan3A_123 : i32
      %add3A_292 = arith.constant 1 : i32
      %add3A_293 = arith.addi %mul3A_291, %add3A_292 : i32
      %add3A_294 = arith.constant 2 : i32
      %add3A_295 = arith.addi %add3A_293, %add3A_294 : i32
      %sub3A_296 = arith.constant 1 : i32
      %sub3A_297 = arith.subi %add3A_295, %sub3A_296 : i32
      %jit3A_298 = arith.constant 25 : i32
      %eq3A_299 = arith.constant 0 : i32
      %eq3A_300 = arith.cmpi eq, %jit3A_298, %eq3A_299 : i32
      %jit3A_301 = arith.constant 1 : i32
      %select_n3A_302 = arith.select %eq3A_300, %jit3A_301, %jit3A_298 : i32
      %rem3A_303 = arith.remsi %sub3A_297, %select_n3A_302 : i32
      %ne3A_304 = arith.constant 0 : i32
      %ne3A_305 = arith.cmpi ne, %rem3A_303, %ne3A_304 : i32
      %lt3A_306 = arith.constant 0 : i32
      %lt3A_307 = arith.cmpi slt, %rem3A_303, %lt3A_306 : i32
      %lt3A_308 = arith.constant 0 : i32
      %lt3A_309 = arith.cmpi slt, %select_n3A_302, %lt3A_308 : i32
      %ne3A_310 = arith.xori %lt3A_307, %lt3A_309 : i1
      %and3A_311 = arith.andi %ne3A_310, %ne3A_305 : i1
      %add3A_312 = arith.addi %rem3A_303, %select_n3A_302 : i32
      %select_n3A_313 = arith.select %and3A_311, %add3A_312, %rem3A_303 : i32
      %eq3A_314 = arith.constant 0 : i32
      %eq3A_315 = arith.cmpi eq, %select_n3A_313, %eq3A_314 : i32
      %ge3A_316 = arith.constant 125 : i32
      %ge3A_317 = arith.cmpi sge, %sub3A_297, %ge3A_316 : i32
      %not3A_318 = arith.constant true
      %not3A_319 = arith.xori %ge3A_317, %not3A_318 : i1
      %not3A_320 = arith.constant true
      %not3A_321 = arith.xori %eq3A_315, %not3A_320 : i1
      %and3A_322 = arith.andi %not3A_319, %not3A_321 : i1
      %convert_element_type3A_323 = arith.extui %and3A_322 : i1 to i32
      %cond3A_324 = arith.constant 0 : i32
      %cond3A_325 = arith.cmpi ne, %convert_element_type3A_323, %cond3A_324 : i32
      scf.if %cond3A_325 {
        %jit3A_468 = arith.constant 25 : i32
        %eq3A_469 = arith.constant 0 : i32
        %eq3A_470 = arith.cmpi eq, %jit3A_468, %eq3A_469 : i32
        %jit3A_471 = arith.constant 1 : i32
        %select_n3A_472 = arith.select %eq3A_470, %jit3A_471, %jit3A_468 : i32
        %rem3A_473 = arith.remsi %sub3A_297, %select_n3A_472 : i32
        %ne3A_474 = arith.constant 0 : i32
        %ne3A_475 = arith.cmpi ne, %rem3A_473, %ne3A_474 : i32
        %lt3A_476 = arith.constant 0 : i32
        %lt3A_477 = arith.cmpi slt, %rem3A_473, %lt3A_476 : i32
        %lt3A_478 = arith.constant 0 : i32
        %lt3A_479 = arith.cmpi slt, %select_n3A_472, %lt3A_478 : i32
        %ne3A_480 = arith.xori %lt3A_477, %lt3A_479 : i1
        %and3A_481 = arith.andi %ne3A_480, %ne3A_475 : i1
        %add3A_482 = arith.addi %rem3A_473, %select_n3A_472 : i32
        %select_n3A_483 = arith.select %and3A_481, %add3A_482, %rem3A_473 : i32
        %dma_start3A_484 = arith.constant 0 : i32
        %dma_start3A_485 = arith.constant 0 : i32
        %dma_start3A_486 = arith.constant 0 : i32
        %dma_start3A_487 = arith.constant 0 : i32
        %dma_start3A_488 = tpu.memref_slice %arg9[%dma_start3A_485, %dma_start3A_486, %dma_start3A_487] : memref<2x80x128xf32, #tpu.memory_space<vmem>> -> memref<1x80x128xf32, #tpu.memory_space<vmem>>
        %dma_start3A_489 = tpu.memref_squeeze %dma_start3A_488 : memref<1x80x128xf32, #tpu.memory_space<vmem>> -> memref<80x128xf32, #tpu.memory_space<vmem>>
        %dma_start3A_490 = arith.constant 0 : i32
        %dma_start3A_491 = tpu.memref_slice %arg7[%dma_start3A_484, %select_n3A_483, %dma_start3A_490] : memref<1x25x80xi32, #tpu.memory_space<vmem>> -> memref<1x1x80xi32, #tpu.memory_space<vmem>>
        %dma_start3A_492 = tpu.memref_squeeze %dma_start3A_491 : memref<1x1x80xi32, #tpu.memory_space<vmem>> -> memref<80xi32, #tpu.memory_space<vmem>>
        %dma_start3A_493 = arith.constant 0 : i32
        %dma_start3A_494 = arith.constant 0 : i32
        %dma_start3A_495 = tpu.memref_slice %arg2[%dma_start3A_493, %dma_start3A_494] : memref<10000x128xf32, #tpu.memory_space<hbm>> -> memref<10000x128xf32, #tpu.memory_space<hbm>>
        tpu.enqueue_indirect_dma source(%dma_start3A_495 : memref<10000x128xf32, #tpu.memory_space<hbm>>) target(%dma_start3A_489 : memref<80x128xf32, #tpu.memory_space<vmem>>) offsets(%dma_start3A_492 : memref<80xi32, #tpu.memory_space<vmem>>) semaphore(%arg11 : memref<!tpu.dma_semaphore, #tpu.memory_space<semaphore_mem>>)
      } else {
      }
      %dma_wait3A_326 = arith.constant 0 : i32
      %dma_wait3A_327 = arith.constant 0 : i32
      %dma_wait3A_328 = arith.constant 1 : i32
      %dma_wait3A_329 = arith.constant 0 : i32
      %dma_wait3A_330 = arith.constant 0 : i32
      %dma_wait3A_331 = tpu.memref_slice %arg9[%dma_wait3A_328, %dma_wait3A_329, %dma_wait3A_330] : memref<2x80x128xf32, #tpu.memory_space<vmem>> -> memref<1x80x128xf32, #tpu.memory_space<vmem>>
      %dma_wait3A_332 = tpu.memref_squeeze %dma_wait3A_331 : memref<1x80x128xf32, #tpu.memory_space<vmem>> -> memref<80x128xf32, #tpu.memory_space<vmem>>
      %dma_wait3A_333 = arith.constant 0 : i32
      %dma_wait3A_334 = tpu.memref_slice %arg7[%dma_wait3A_326, %dma_wait3A_327, %dma_wait3A_333] : memref<1x25x80xi32, #tpu.memory_space<vmem>> -> memref<1x1x80xi32, #tpu.memory_space<vmem>>
      %dma_wait3A_335 = tpu.memref_squeeze %dma_wait3A_334 : memref<1x1x80xi32, #tpu.memory_space<vmem>> -> memref<80xi32, #tpu.memory_space<vmem>>
      %dma_wait3A_336 = arith.constant 0 : i32
      %dma_wait3A_337 = arith.constant 0 : i32
      %dma_wait3A_338 = tpu.memref_slice %arg2[%dma_wait3A_336, %dma_wait3A_337] : memref<10000x128xf32, #tpu.memory_space<hbm>> -> memref<10000x128xf32, #tpu.memory_space<hbm>>
      tpu.wait_indirect_dma semaphore(%arg12 : memref<!tpu.dma_semaphore, #tpu.memory_space<semaphore_mem>>) src(%dma_wait3A_338 : memref<10000x128xf32, #tpu.memory_space<hbm>>) dst(%dma_wait3A_332 : memref<80x128xf32, #tpu.memory_space<vmem>>)
      %jit3A_339 = arith.constant 25 : i32
      %eq3A_340 = arith.constant 0 : i32
      %eq3A_341 = arith.cmpi eq, %jit3A_339, %eq3A_340 : i32
      %jit3A_342 = arith.constant 1 : i32
      %select_n3A_343 = arith.select %eq3A_341, %jit3A_342, %jit3A_339 : i32
      %rem3A_344 = arith.remsi %add3A_293, %select_n3A_343 : i32
      %ne3A_345 = arith.constant 0 : i32
      %ne3A_346 = arith.cmpi ne, %rem3A_344, %ne3A_345 : i32
      %lt3A_347 = arith.constant 0 : i32
      %lt3A_348 = arith.cmpi slt, %rem3A_344, %lt3A_347 : i32
      %lt3A_349 = arith.constant 0 : i32
      %lt3A_350 = arith.cmpi slt, %select_n3A_343, %lt3A_349 : i32
      %ne3A_351 = arith.xori %lt3A_348, %lt3A_350 : i1
      %and3A_352 = arith.andi %ne3A_351, %ne3A_346 : i1
      %add3A_353 = arith.addi %rem3A_344, %select_n3A_343 : i32
      %select_n3A_354 = arith.select %and3A_352, %add3A_353, %rem3A_344 : i32
      %run_scoped3A_355 = arith.constant 1 : i32
      %run_scoped3A_356 = arith.constant 0 : i32
      "tpu.region"() ({
        %run_scoped3A_468 = tpu.sem_alloc : memref<!tpu.dma_semaphore, #tpu.memory_space<semaphore_mem>>
        %dma_start3A_469 = arith.constant 0 : i32
        %dma_start3A_470 = arith.constant 0 : i32
        %dma_start3A_471 = tpu.memref_slice %arg9[%run_scoped3A_355, %dma_start3A_469, %dma_start3A_470] : memref<2x80x128xf32, #tpu.memory_space<vmem>> -> memref<1x80x128xf32, #tpu.memory_space<vmem>>
        %dma_start3A_472 = tpu.memref_squeeze %dma_start3A_471 : memref<1x80x128xf32, #tpu.memory_space<vmem>> -> memref<80x128xf32, #tpu.memory_space<vmem>>
        %dma_start3A_473 = arith.constant 0 : i32
        %dma_start3A_474 = tpu.memref_slice %arg8[%run_scoped3A_356, %select_n3A_354, %dma_start3A_473] : memref<1x25x80xi32, #tpu.memory_space<vmem>> -> memref<1x1x80xi32, #tpu.memory_space<vmem>>
        %dma_start3A_475 = tpu.memref_squeeze %dma_start3A_474 : memref<1x1x80xi32, #tpu.memory_space<vmem>> -> memref<80xi32, #tpu.memory_space<vmem>>
        %dma_start3A_476 = arith.constant 0 : i32
        %dma_start3A_477 = arith.constant 0 : i32
        %dma_start3A_478 = tpu.memref_slice %arg10[%dma_start3A_476, %dma_start3A_477] : memref<10240x128xf32, #tpu.memory_space<vmem_shared>> -> memref<10240x128xf32, #tpu.memory_space<vmem_shared>>
        tpu.enqueue_indirect_dma source(%dma_start3A_472 : memref<80x128xf32, #tpu.memory_space<vmem>>) target(%dma_start3A_478 : memref<10240x128xf32, #tpu.memory_space<vmem_shared>>) offsets(%dma_start3A_475 : memref<80xi32, #tpu.memory_space<vmem>>) semaphore(%run_scoped3A_468 : memref<!tpu.dma_semaphore, #tpu.memory_space<semaphore_mem>>) {add = true}
        %dma_wait3A_479 = arith.constant 0 : i32
        %dma_wait3A_480 = arith.constant 0 : i32
        %dma_wait3A_481 = tpu.memref_slice %arg9[%run_scoped3A_355, %dma_wait3A_479, %dma_wait3A_480] : memref<2x80x128xf32, #tpu.memory_space<vmem>> -> memref<1x80x128xf32, #tpu.memory_space<vmem>>
        %dma_wait3A_482 = tpu.memref_squeeze %dma_wait3A_481 : memref<1x80x128xf32, #tpu.memory_space<vmem>> -> memref<80x128xf32, #tpu.memory_space<vmem>>
        %dma_wait3A_483 = arith.constant 0 : i32
        %dma_wait3A_484 = tpu.memref_slice %arg8[%run_scoped3A_356, %select_n3A_354, %dma_wait3A_483] : memref<1x25x80xi32, #tpu.memory_space<vmem>> -> memref<1x1x80xi32, #tpu.memory_space<vmem>>
        %dma_wait3A_485 = tpu.memref_squeeze %dma_wait3A_484 : memref<1x1x80xi32, #tpu.memory_space<vmem>> -> memref<80xi32, #tpu.memory_space<vmem>>
        %dma_wait3A_486 = arith.constant 0 : i32
        %dma_wait3A_487 = arith.constant 0 : i32
        %dma_wait3A_488 = tpu.memref_slice %arg10[%dma_wait3A_486, %dma_wait3A_487] : memref<10240x128xf32, #tpu.memory_space<vmem_shared>> -> memref<10240x128xf32, #tpu.memory_space<vmem_shared>>
        tpu.wait_indirect_dma semaphore(%run_scoped3A_468 : memref<!tpu.dma_semaphore, #tpu.memory_space<semaphore_mem>>) src(%dma_wait3A_482 : memref<80x128xf32, #tpu.memory_space<vmem>>) dst(%dma_wait3A_488 : memref<10240x128xf32, #tpu.memory_space<vmem_shared>>)
        tpu.yield
      }) : () -> ()
      %jit3A_357 = arith.constant 25 : i32
      %eq3A_358 = arith.constant 0 : i32
      %eq3A_359 = arith.cmpi eq, %jit3A_357, %eq3A_358 : i32
      %jit3A_360 = arith.constant 1 : i32
      %select_n3A_361 = arith.select %eq3A_359, %jit3A_360, %jit3A_357 : i32
      %rem3A_362 = arith.remsi %add3A_293, %select_n3A_361 : i32
      %ne3A_363 = arith.constant 0 : i32
      %ne3A_364 = arith.cmpi ne, %rem3A_362, %ne3A_363 : i32
      %lt3A_365 = arith.constant 0 : i32
      %lt3A_366 = arith.cmpi slt, %rem3A_362, %lt3A_365 : i32
      %lt3A_367 = arith.constant 0 : i32
      %lt3A_368 = arith.cmpi slt, %select_n3A_361, %lt3A_367 : i32
      %ne3A_369 = arith.xori %lt3A_366, %lt3A_368 : i1
      %and3A_370 = arith.andi %ne3A_369, %ne3A_364 : i1
      %add3A_371 = arith.addi %rem3A_362, %select_n3A_361 : i32
      %select_n3A_372 = arith.select %and3A_370, %add3A_371, %rem3A_362 : i32
      %get3A_373 = arith.constant 0 : i32
      %get3A_374 = arith.index_cast %get3A_373 : i32 to index
      %get3A_375 = arith.index_cast %select_n3A_372 : i32 to index
      %get3A_376 = arith.constant 0 : index
      %get3A_377 = tpu.vector_load %arg8[%get3A_374, %get3A_375, %get3A_376] {strides = array<i32>} : memref<1x25x80xi32, #tpu.memory_space<vmem>>, vector<16xi32>,
      tpu.vector_store_idx %arg13[%get3A_377], %broadcast_in_dim3A_3 {add = true} : memref<10240xf32, #tpu.memory_space<vmem>>[vector<16xi32>], vector<16xf32>,
      %jit3A_378 = arith.constant 25 : i32
      %eq3A_379 = arith.constant 0 : i32
      %eq3A_380 = arith.cmpi eq, %jit3A_378, %eq3A_379 : i32
      %jit3A_381 = arith.constant 1 : i32
      %select_n3A_382 = arith.select %eq3A_380, %jit3A_381, %jit3A_378 : i32
      %rem3A_383 = arith.remsi %add3A_293, %select_n3A_382 : i32
      %ne3A_384 = arith.constant 0 : i32
      %ne3A_385 = arith.cmpi ne, %rem3A_383, %ne3A_384 : i32
      %lt3A_386 = arith.constant 0 : i32
      %lt3A_387 = arith.cmpi slt, %rem3A_383, %lt3A_386 : i32
      %lt3A_388 = arith.constant 0 : i32
      %lt3A_389 = arith.cmpi slt, %select_n3A_382, %lt3A_388 : i32
      %ne3A_390 = arith.xori %lt3A_387, %lt3A_389 : i1
      %and3A_391 = arith.andi %ne3A_390, %ne3A_385 : i1
      %add3A_392 = arith.addi %rem3A_383, %select_n3A_382 : i32
      %select_n3A_393 = arith.select %and3A_391, %add3A_392, %rem3A_383 : i32
      %get3A_394 = arith.constant 0 : i32
      %get3A_395 = arith.index_cast %get3A_394 : i32 to index
      %get3A_396 = arith.index_cast %select_n3A_393 : i32 to index
      %get3A_397 = arith.constant 16 : index
      %get3A_398 = tpu.vector_load %arg8[%get3A_395, %get3A_396, %get3A_397] {strides = array<i32>} : memref<1x25x80xi32, #tpu.memory_space<vmem>>, vector<16xi32>,
      tpu.vector_store_idx %arg13[%get3A_398], %broadcast_in_dim3A_3 {add = true} : memref<10240xf32, #tpu.memory_space<vmem>>[vector<16xi32>], vector<16xf32>,
      %jit3A_399 = arith.constant 25 : i32
      %eq3A_400 = arith.constant 0 : i32
      %eq3A_401 = arith.cmpi eq, %jit3A_399, %eq3A_400 : i32
      %jit3A_402 = arith.constant 1 : i32
      %select_n3A_403 = arith.select %eq3A_401, %jit3A_402, %jit3A_399 : i32
      %rem3A_404 = arith.remsi %add3A_293, %select_n3A_403 : i32
      %ne3A_405 = arith.constant 0 : i32
      %ne3A_406 = arith.cmpi ne, %rem3A_404, %ne3A_405 : i32
      %lt3A_407 = arith.constant 0 : i32
      %lt3A_408 = arith.cmpi slt, %rem3A_404, %lt3A_407 : i32
      %lt3A_409 = arith.constant 0 : i32
      %lt3A_410 = arith.cmpi slt, %select_n3A_403, %lt3A_409 : i32
      %ne3A_411 = arith.xori %lt3A_408, %lt3A_410 : i1
      %and3A_412 = arith.andi %ne3A_411, %ne3A_406 : i1
      %add3A_413 = arith.addi %rem3A_404, %select_n3A_403 : i32
      %select_n3A_414 = arith.select %and3A_412, %add3A_413, %rem3A_404 : i32
      %get3A_415 = arith.constant 0 : i32
      %get3A_416 = arith.index_cast %get3A_415 : i32 to index
      %get3A_417 = arith.index_cast %select_n3A_414 : i32 to index
      %get3A_418 = arith.constant 32 : index
      %get3A_419 = tpu.vector_load %arg8[%get3A_416, %get3A_417, %get3A_418] {strides = array<i32>} : memref<1x25x80xi32, #tpu.memory_space<vmem>>, vector<16xi32>,
      tpu.vector_store_idx %arg13[%get3A_419], %broadcast_in_dim3A_3 {add = true} : memref<10240xf32, #tpu.memory_space<vmem>>[vector<16xi32>], vector<16xf32>,
      %jit3A_420 = arith.constant 25 : i32
      %eq3A_421 = arith.constant 0 : i32
      %eq3A_422 = arith.cmpi eq, %jit3A_420, %eq3A_421 : i32
      %jit3A_423 = arith.constant 1 : i32
      %select_n3A_424 = arith.select %eq3A_422, %jit3A_423, %jit3A_420 : i32
      %rem3A_425 = arith.remsi %add3A_293, %select_n3A_424 : i32
      %ne3A_426 = arith.constant 0 : i32
      %ne3A_427 = arith.cmpi ne, %rem3A_425, %ne3A_426 : i32
      %lt3A_428 = arith.constant 0 : i32
      %lt3A_429 = arith.cmpi slt, %rem3A_425, %lt3A_428 : i32
      %lt3A_430 = arith.constant 0 : i32
      %lt3A_431 = arith.cmpi slt, %select_n3A_424, %lt3A_430 : i32
      %ne3A_432 = arith.xori %lt3A_429, %lt3A_431 : i1
      %and3A_433 = arith.andi %ne3A_432, %ne3A_427 : i1
      %add3A_434 = arith.addi %rem3A_425, %select_n3A_424 : i32
      %select_n3A_435 = arith.select %and3A_433, %add3A_434, %rem3A_425 : i32
      %get3A_436 = arith.constant 0 : i32
      %get3A_437 = arith.index_cast %get3A_436 : i32 to index
      %get3A_438 = arith.index_cast %select_n3A_435 : i32 to index
      %get3A_439 = arith.constant 48 : index
      %get3A_440 = tpu.vector_load %arg8[%get3A_437, %get3A_438, %get3A_439] {strides = array<i32>} : memref<1x25x80xi32, #tpu.memory_space<vmem>>, vector<16xi32>,
      tpu.vector_store_idx %arg13[%get3A_440], %broadcast_in_dim3A_3 {add = true} : memref<10240xf32, #tpu.memory_space<vmem>>[vector<16xi32>], vector<16xf32>,
      %jit3A_441 = arith.constant 25 : i32
      %eq3A_442 = arith.constant 0 : i32
      %eq3A_443 = arith.cmpi eq, %jit3A_441, %eq3A_442 : i32
      %jit3A_444 = arith.constant 1 : i32
      %select_n3A_445 = arith.select %eq3A_443, %jit3A_444, %jit3A_441 : i32
      %rem3A_446 = arith.remsi %add3A_293, %select_n3A_445 : i32
      %ne3A_447 = arith.constant 0 : i32
      %ne3A_448 = arith.cmpi ne, %rem3A_446, %ne3A_447 : i32
      %lt3A_449 = arith.constant 0 : i32
      %lt3A_450 = arith.cmpi slt, %rem3A_446, %lt3A_449 : i32
      %lt3A_451 = arith.constant 0 : i32
      %lt3A_452 = arith.cmpi slt, %select_n3A_445, %lt3A_451 : i32
      %ne3A_453 = arith.xori %lt3A_450, %lt3A_452 : i1
      %and3A_454 = arith.andi %ne3A_453, %ne3A_448 : i1
      %add3A_455 = arith.addi %rem3A_446, %select_n3A_445 : i32
      %select_n3A_456 = arith.select %and3A_454, %add3A_455, %rem3A_446 : i32
      %get3A_457 = arith.constant 0 : i32
      %get3A_458 = arith.index_cast %get3A_457 : i32 to index
      %get3A_459 = arith.index_cast %select_n3A_456 : i32 to index
      %get3A_460 = arith.constant 64 : index
      %get3A_461 = tpu.vector_load %arg8[%get3A_458, %get3A_459, %get3A_460] {strides = array<i32>} : memref<1x25x80xi32, #tpu.memory_space<vmem>>, vector<16xi32>,
      tpu.vector_store_idx %arg13[%get3A_461], %broadcast_in_dim3A_3 {add = true} : memref<10240xf32, #tpu.memory_space<vmem>>[vector<16xi32>], vector<16xf32>,
      %not3A_462 = arith.constant true
      %not3A_463 = arith.xori %ge3A_317, %not3A_462 : i1
      %and3A_464 = arith.andi %not3A_463, %eq3A_315 : i1
      %convert_element_type3A_465 = arith.extui %and3A_464 : i1 to i32
      %cond3A_466 = arith.constant 0 : i32
      %cond3A_467 = arith.cmpi ne, %convert_element_type3A_465, %cond3A_466 : i32
      scf.if %cond3A_467 {
        %jit3A_468 = arith.constant 25 : i32
        %div3A = arith.divsi %sub3A_297, %jit3A_468 : i32
        %sign3A = arith.constant 0 : i32
        %sign3A_469 = arith.cmpi sgt, %sub3A_297, %sign3A : i32
        %sign3A_470 = arith.extui %sign3A_469 : i1 to i32
        %sign3A_471 = arith.constant 0 : i32
        %sign3A_472 = arith.cmpi slt, %sub3A_297, %sign3A_471 : i32
        %sign3A_473 = arith.extui %sign3A_472 : i1 to i32
        %sign3A_474 = arith.subi %sign3A_470, %sign3A_473 : i32
        %sign3A_475 = arith.constant 0 : i32
        %sign3A_476 = arith.cmpi sgt, %jit3A_468, %sign3A_475 : i32
        %sign3A_477 = arith.extui %sign3A_476 : i1 to i32
        %sign3A_478 = arith.constant 0 : i32
        %sign3A_479 = arith.cmpi slt, %jit3A_468, %sign3A_478 : i32
        %sign3A_480 = arith.extui %sign3A_479 : i1 to i32
        %sign3A_481 = arith.subi %sign3A_477, %sign3A_480 : i32
        %ne3A_482 = arith.cmpi ne, %sign3A_474, %sign3A_481 : i32
        %rem3A_483 = arith.remsi %sub3A_297, %jit3A_468 : i32
        %ne3A_484 = arith.constant 0 : i32
        %ne3A_485 = arith.cmpi ne, %rem3A_483, %ne3A_484 : i32
        %and3A_486 = arith.andi %ne3A_482, %ne3A_485 : i1
        %sub3A_487 = arith.constant 1 : i32
        %sub3A_488 = arith.subi %div3A, %sub3A_487 : i32
        %select_n3A_489 = arith.select %and3A_486, %sub3A_488, %div3A : i32
        %run_scoped3A_490 = arith.constant 0 : i32
        "tpu.region"() ({
          %run_scoped3A_520 = tpu.sem_alloc : memref<!tpu.dma_semaphore, #tpu.memory_space<semaphore_mem>>
          %dma_start3A_521 = arith.constant 0 : i32
          %dma_start3A_522 = arith.constant 0 : i32
          %dma_start3A_523 = tpu.memref_slice %arg7[%run_scoped3A_490, %dma_start3A_521, %dma_start3A_522] : memref<1x25x80xi32, #tpu.memory_space<vmem>> -> memref<1x25x80xi32, #tpu.memory_space<vmem>>
          %dma_start3A_524 = tpu.memref_squeeze %dma_start3A_523 : memref<1x25x80xi32, #tpu.memory_space<vmem>> -> memref<25x80xi32, #tpu.memory_space<vmem>>
          %dma_start3A_525 = arith.constant 0 : i32
          %dma_start3A_526 = arith.constant 0 : i32
          %dma_start3A_527 = tpu.memref_slice %arg3[%add3A, %select_n3A_489, %dma_start3A_525, %dma_start3A_526] : memref<32x5x25x80xi32, #tpu.memory_space<hbm>> -> memref<1x1x25x80xi32, #tpu.memory_space<hbm>>
          %dma_start3A_528 = tpu.memref_squeeze %dma_start3A_527 : memref<1x1x25x80xi32, #tpu.memory_space<hbm>> -> memref<25x80xi32, #tpu.memory_space<hbm>>
          %dma_start3A_529 = arith.constant 0 : i32
          %dma_start3A_530 = arith.constant 0 : i32
          %dma_start3A_531 = tpu.memref_slice %arg7[%run_scoped3A_490, %dma_start3A_529, %dma_start3A_530] : memref<1x25x80xi32, #tpu.memory_space<vmem>> -> memref<1x25x80xi32, #tpu.memory_space<vmem>>
          %dma_start3A_532 = tpu.memref_squeeze %dma_start3A_531 : memref<1x25x80xi32, #tpu.memory_space<vmem>> -> memref<25x80xi32, #tpu.memory_space<vmem>>
          %dma_start3A_533 = arith.constant 0 : i32
          %dma_start3A_534 = arith.constant 0 : i32
          %dma_start3A_535 = tpu.memref_slice %arg3[%add3A, %select_n3A_489, %dma_start3A_533, %dma_start3A_534] : memref<32x5x25x80xi32, #tpu.memory_space<hbm>> -> memref<1x1x25x80xi32, #tpu.memory_space<hbm>>
          %dma_start3A_536 = tpu.memref_squeeze %dma_start3A_535 : memref<1x1x25x80xi32, #tpu.memory_space<hbm>> -> memref<25x80xi32, #tpu.memory_space<hbm>>
          tpu.enqueue_dma source(%dma_start3A_536 : memref<25x80xi32, #tpu.memory_space<hbm>>) target(%dma_start3A_532 : memref<25x80xi32, #tpu.memory_space<vmem>>) target_semaphore(%run_scoped3A_520 : memref<!tpu.dma_semaphore, #tpu.memory_space<semaphore_mem>>)
          %dma_wait3A_537 = arith.constant 0 : i32
          %dma_wait3A_538 = arith.constant 0 : i32
          %dma_wait3A_539 = tpu.memref_slice %arg7[%run_scoped3A_490, %dma_wait3A_537, %dma_wait3A_538] : memref<1x25x80xi32, #tpu.memory_space<vmem>> -> memref<1x25x80xi32, #tpu.memory_space<vmem>>
          %dma_wait3A_540 = tpu.memref_squeeze %dma_wait3A_539 : memref<1x25x80xi32, #tpu.memory_space<vmem>> -> memref<25x80xi32, #tpu.memory_space<vmem>>
          %dma_wait3A_541 = arith.constant 0 : i32
          %dma_wait3A_542 = arith.constant 0 : i32
          %dma_wait3A_543 = tpu.memref_slice %arg3[%add3A, %select_n3A_489, %dma_wait3A_541, %dma_wait3A_542] : memref<32x5x25x80xi32, #tpu.memory_space<hbm>> -> memref<1x1x25x80xi32, #tpu.memory_space<hbm>>
          %dma_wait3A_544 = tpu.memref_squeeze %dma_wait3A_543 : memref<1x1x25x80xi32, #tpu.memory_space<hbm>> -> memref<25x80xi32, #tpu.memory_space<hbm>>
          %dma_wait3A_545 = arith.constant 0 : i32
          %dma_wait3A_546 = arith.constant 0 : i32
          %dma_wait3A_547 = tpu.memref_slice %arg7[%run_scoped3A_490, %dma_wait3A_545, %dma_wait3A_546] : memref<1x25x80xi32, #tpu.memory_space<vmem>> -> memref<1x25x80xi32, #tpu.memory_space<vmem>>
          %dma_wait3A_548 = tpu.memref_squeeze %dma_wait3A_547 : memref<1x25x80xi32, #tpu.memory_space<vmem>> -> memref<25x80xi32, #tpu.memory_space<vmem>>
          %dma_wait3A_549 = arith.constant 0 : i32
          %dma_wait3A_550 = arith.constant 0 : i32
          %dma_wait3A_551 = tpu.memref_slice %arg3[%add3A, %select_n3A_489, %dma_wait3A_549, %dma_wait3A_550] : memref<32x5x25x80xi32, #tpu.memory_space<hbm>> -> memref<1x1x25x80xi32, #tpu.memory_space<hbm>>
          %dma_wait3A_552 = tpu.memref_squeeze %dma_wait3A_551 : memref<1x1x25x80xi32, #tpu.memory_space<hbm>> -> memref<25x80xi32, #tpu.memory_space<hbm>>
          tpu.wait_dma2 semaphore(%run_scoped3A_520 : memref<!tpu.dma_semaphore, #tpu.memory_space<semaphore_mem>>) src(%dma_wait3A_552 : memref<25x80xi32, #tpu.memory_space<hbm>>) dst(%dma_wait3A_548 : memref<25x80xi32, #tpu.memory_space<vmem>>)
          tpu.yield
        }) : () -> ()
        %run_scoped3A_491 = arith.constant 0 : i32
        "tpu.region"() ({
          %run_scoped3A_520 = tpu.sem_alloc : memref<!tpu.dma_semaphore, #tpu.memory_space<semaphore_mem>>
          %dma_start3A_521 = arith.constant 0 : i32
          %dma_start3A_522 = arith.constant 0 : i32
          %dma_start3A_523 = tpu.memref_slice %arg8[%run_scoped3A_491, %dma_start3A_521, %dma_start3A_522] : memref<1x25x80xi32, #tpu.memory_space<vmem>> -> memref<1x25x80xi32, #tpu.memory_space<vmem>>
          %dma_start3A_524 = tpu.memref_squeeze %dma_start3A_523 : memref<1x25x80xi32, #tpu.memory_space<vmem>> -> memref<25x80xi32, #tpu.memory_space<vmem>>
          %dma_start3A_525 = arith.constant 0 : i32
          %dma_start3A_526 = arith.constant 0 : i32
          %dma_start3A_527 = tpu.memref_slice %arg4[%add3A, %select_n3A_489, %dma_start3A_525, %dma_start3A_526] : memref<32x5x25x80xi32, #tpu.memory_space<hbm>> -> memref<1x1x25x80xi32, #tpu.memory_space<hbm>>
          %dma_start3A_528 = tpu.memref_squeeze %dma_start3A_527 : memref<1x1x25x80xi32, #tpu.memory_space<hbm>> -> memref<25x80xi32, #tpu.memory_space<hbm>>
          %dma_start3A_529 = arith.constant 0 : i32
          %dma_start3A_530 = arith.constant 0 : i32
          %dma_start3A_531 = tpu.memref_slice %arg8[%run_scoped3A_491, %dma_start3A_529, %dma_start3A_530] : memref<1x25x80xi32, #tpu.memory_space<vmem>> -> memref<1x25x80xi32, #tpu.memory_space<vmem>>
          %dma_start3A_532 = tpu.memref_squeeze %dma_start3A_531 : memref<1x25x80xi32, #tpu.memory_space<vmem>> -> memref<25x80xi32, #tpu.memory_space<vmem>>
          %dma_start3A_533 = arith.constant 0 : i32
          %dma_start3A_534 = arith.constant 0 : i32
          %dma_start3A_535 = tpu.memref_slice %arg4[%add3A, %select_n3A_489, %dma_start3A_533, %dma_start3A_534] : memref<32x5x25x80xi32, #tpu.memory_space<hbm>> -> memref<1x1x25x80xi32, #tpu.memory_space<hbm>>
          %dma_start3A_536 = tpu.memref_squeeze %dma_start3A_535 : memref<1x1x25x80xi32, #tpu.memory_space<hbm>> -> memref<25x80xi32, #tpu.memory_space<hbm>>
          tpu.enqueue_dma source(%dma_start3A_536 : memref<25x80xi32, #tpu.memory_space<hbm>>) target(%dma_start3A_532 : memref<25x80xi32, #tpu.memory_space<vmem>>) target_semaphore(%run_scoped3A_520 : memref<!tpu.dma_semaphore, #tpu.memory_space<semaphore_mem>>)
          %dma_wait3A_537 = arith.constant 0 : i32
          %dma_wait3A_538 = arith.constant 0 : i32
          %dma_wait3A_539 = tpu.memref_slice %arg8[%run_scoped3A_491, %dma_wait3A_537, %dma_wait3A_538] : memref<1x25x80xi32, #tpu.memory_space<vmem>> -> memref<1x25x80xi32, #tpu.memory_space<vmem>>
          %dma_wait3A_540 = tpu.memref_squeeze %dma_wait3A_539 : memref<1x25x80xi32, #tpu.memory_space<vmem>> -> memref<25x80xi32, #tpu.memory_space<vmem>>
          %dma_wait3A_541 = arith.constant 0 : i32
          %dma_wait3A_542 = arith.constant 0 : i32
          %dma_wait3A_543 = tpu.memref_slice %arg4[%add3A, %select_n3A_489, %dma_wait3A_541, %dma_wait3A_542] : memref<32x5x25x80xi32, #tpu.memory_space<hbm>> -> memref<1x1x25x80xi32, #tpu.memory_space<hbm>>
          %dma_wait3A_544 = tpu.memref_squeeze %dma_wait3A_543 : memref<1x1x25x80xi32, #tpu.memory_space<hbm>> -> memref<25x80xi32, #tpu.memory_space<hbm>>
          %dma_wait3A_545 = arith.constant 0 : i32
          %dma_wait3A_546 = arith.constant 0 : i32
          %dma_wait3A_547 = tpu.memref_slice %arg8[%run_scoped3A_491, %dma_wait3A_545, %dma_wait3A_546] : memref<1x25x80xi32, #tpu.memory_space<vmem>> -> memref<1x25x80xi32, #tpu.memory_space<vmem>>
          %dma_wait3A_548 = tpu.memref_squeeze %dma_wait3A_547 : memref<1x25x80xi32, #tpu.memory_space<vmem>> -> memref<25x80xi32, #tpu.memory_space<vmem>>
          %dma_wait3A_549 = arith.constant 0 : i32
          %dma_wait3A_550 = arith.constant 0 : i32
          %dma_wait3A_551 = tpu.memref_slice %arg4[%add3A, %select_n3A_489, %dma_wait3A_549, %dma_wait3A_550] : memref<32x5x25x80xi32, #tpu.memory_space<hbm>> -> memref<1x1x25x80xi32, #tpu.memory_space<hbm>>
          %dma_wait3A_552 = tpu.memref_squeeze %dma_wait3A_551 : memref<1x1x25x80xi32, #tpu.memory_space<hbm>> -> memref<25x80xi32, #tpu.memory_space<hbm>>
          tpu.wait_dma2 semaphore(%run_scoped3A_520 : memref<!tpu.dma_semaphore, #tpu.memory_space<semaphore_mem>>) src(%dma_wait3A_552 : memref<25x80xi32, #tpu.memory_space<hbm>>) dst(%dma_wait3A_548 : memref<25x80xi32, #tpu.memory_space<vmem>>)
          tpu.yield
        }) : () -> ()
        %jit3A_492 = arith.constant 25 : i32
        %eq3A_493 = arith.constant 0 : i32
        %eq3A_494 = arith.cmpi eq, %jit3A_492, %eq3A_493 : i32
        %jit3A_495 = arith.constant 1 : i32
        %select_n3A_496 = arith.select %eq3A_494, %jit3A_495, %jit3A_492 : i32
        %rem3A_497 = arith.remsi %sub3A_297, %select_n3A_496 : i32
        %ne3A_498 = arith.constant 0 : i32
        %ne3A_499 = arith.cmpi ne, %rem3A_497, %ne3A_498 : i32
        %lt3A_500 = arith.constant 0 : i32
        %lt3A_501 = arith.cmpi slt, %rem3A_497, %lt3A_500 : i32
        %lt3A_502 = arith.constant 0 : i32
        %lt3A_503 = arith.cmpi slt, %select_n3A_496, %lt3A_502 : i32
        %ne3A_504 = arith.xori %lt3A_501, %lt3A_503 : i1
        %and3A_505 = arith.andi %ne3A_504, %ne3A_499 : i1
        %add3A_506 = arith.addi %rem3A_497, %select_n3A_496 : i32
        %select_n3A_507 = arith.select %and3A_505, %add3A_506, %rem3A_497 : i32
        %dma_start3A_508 = arith.constant 0 : i32
        %dma_start3A_509 = arith.constant 0 : i32
        %dma_start3A_510 = arith.constant 0 : i32
        %dma_start3A_511 = arith.constant 0 : i32
        %dma_start3A_512 = tpu.memref_slice %arg9[%dma_start3A_509, %dma_start3A_510, %dma_start3A_511] : memref<2x80x128xf32, #tpu.memory_space<vmem>> -> memref<1x80x128xf32, #tpu.memory_space<vmem>>
        %dma_start3A_513 = tpu.memref_squeeze %dma_start3A_512 : memref<1x80x128xf32, #tpu.memory_space<vmem>> -> memref<80x128xf32, #tpu.memory_space<vmem>>
        %dma_start3A_514 = arith.constant 0 : i32
        %dma_start3A_515 = tpu.memref_slice %arg7[%dma_start3A_508, %select_n3A_507, %dma_start3A_514] : memref<1x25x80xi32, #tpu.memory_space<vmem>> -> memref<1x1x80xi32, #tpu.memory_space<vmem>>
        %dma_start3A_516 = tpu.memref_squeeze %dma_start3A_515 : memref<1x1x80xi32, #tpu.memory_space<vmem>> -> memref<80xi32, #tpu.memory_space<vmem>>
        %dma_start3A_517 = arith.constant 0 : i32
        %dma_start3A_518 = arith.constant 0 : i32
        %dma_start3A_519 = tpu.memref_slice %arg2[%dma_start3A_517, %dma_start3A_518] : memref<10000x128xf32, #tpu.memory_space<hbm>> -> memref<10000x128xf32, #tpu.memory_space<hbm>>
        tpu.enqueue_indirect_dma source(%dma_start3A_519 : memref<10000x128xf32, #tpu.memory_space<hbm>>) target(%dma_start3A_513 : memref<80x128xf32, #tpu.memory_space<vmem>>) offsets(%dma_start3A_516 : memref<80xi32, #tpu.memory_space<vmem>>) semaphore(%arg11 : memref<!tpu.dma_semaphore, #tpu.memory_space<semaphore_mem>>)
      } else {
      }
    }
    %scan3A_75 = arith.constant 62 : i32
    %dma_wait3A = arith.constant 0 : i32
    %dma_wait3A_76 = arith.constant 0 : i32
    %dma_wait3A_77 = arith.constant 0 : i32
    %dma_wait3A_78 = arith.constant 0 : i32
    %dma_wait3A_79 = arith.constant 0 : i32
    %dma_wait3A_80 = tpu.memref_slice %arg9[%dma_wait3A_77, %dma_wait3A_78, %dma_wait3A_79] : memref<2x80x128xf32, #tpu.memory_space<vmem>> -> memref<1x80x128xf32, #tpu.memory_space<vmem>>
    %dma_wait3A_81 = tpu.memref_squeeze %dma_wait3A_80 : memref<1x80x128xf32, #tpu.memory_space<vmem>> -> memref<80x128xf32, #tpu.memory_space<vmem>>
    %dma_wait3A_82 = arith.constant 0 : i32
    %dma_wait3A_83 = tpu.memref_slice %arg7[%dma_wait3A, %dma_wait3A_76, %dma_wait3A_82] : memref<1x25x80xi32, #tpu.memory_space<vmem>> -> memref<1x1x80xi32, #tpu.memory_space<vmem>>
    %dma_wait3A_84 = tpu.memref_squeeze %dma_wait3A_83 : memref<1x1x80xi32, #tpu.memory_space<vmem>> -> memref<80xi32, #tpu.memory_space<vmem>>
    %dma_wait3A_85 = arith.constant 0 : i32
    %dma_wait3A_86 = arith.constant 0 : i32
    %dma_wait3A_87 = tpu.memref_slice %arg2[%dma_wait3A_85, %dma_wait3A_86] : memref<10000x128xf32, #tpu.memory_space<hbm>> -> memref<10000x128xf32, #tpu.memory_space<hbm>>
    tpu.wait_indirect_dma semaphore(%arg11 : memref<!tpu.dma_semaphore, #tpu.memory_space<semaphore_mem>>) src(%dma_wait3A_87 : memref<10000x128xf32, #tpu.memory_space<hbm>>) dst(%dma_wait3A_81 : memref<80x128xf32, #tpu.memory_space<vmem>>)
    %run_scoped3A_88 = arith.constant 0 : i32
    %run_scoped3A_89 = arith.constant 0 : i32
    %run_scoped3A_90 = arith.constant 24 : i32
    "tpu.region"() ({
      %run_scoped3A_123 = tpu.sem_alloc : memref<!tpu.dma_semaphore, #tpu.memory_space<semaphore_mem>>
      %dma_start3A_124 = arith.constant 0 : i32
      %dma_start3A_125 = arith.constant 0 : i32
      %dma_start3A_126 = tpu.memref_slice %arg9[%run_scoped3A_88, %dma_start3A_124, %dma_start3A_125] : memref<2x80x128xf32, #tpu.memory_space<vmem>> -> memref<1x80x128xf32, #tpu.memory_space<vmem>>
      %dma_start3A_127 = tpu.memref_squeeze %dma_start3A_126 : memref<1x80x128xf32, #tpu.memory_space<vmem>> -> memref<80x128xf32, #tpu.memory_space<vmem>>
      %dma_start3A_128 = arith.constant 0 : i32
      %dma_start3A_129 = tpu.memref_slice %arg8[%run_scoped3A_89, %run_scoped3A_90, %dma_start3A_128] : memref<1x25x80xi32, #tpu.memory_space<vmem>> -> memref<1x1x80xi32, #tpu.memory_space<vmem>>
      %dma_start3A_130 = tpu.memref_squeeze %dma_start3A_129 : memref<1x1x80xi32, #tpu.memory_space<vmem>> -> memref<80xi32, #tpu.memory_space<vmem>>
      %dma_start3A_131 = arith.constant 0 : i32
      %dma_start3A_132 = arith.constant 0 : i32
      %dma_start3A_133 = tpu.memref_slice %arg10[%dma_start3A_131, %dma_start3A_132] : memref<10240x128xf32, #tpu.memory_space<vmem_shared>> -> memref<10240x128xf32, #tpu.memory_space<vmem_shared>>
      tpu.enqueue_indirect_dma source(%dma_start3A_127 : memref<80x128xf32, #tpu.memory_space<vmem>>) target(%dma_start3A_133 : memref<10240x128xf32, #tpu.memory_space<vmem_shared>>) offsets(%dma_start3A_130 : memref<80xi32, #tpu.memory_space<vmem>>) semaphore(%run_scoped3A_123 : memref<!tpu.dma_semaphore, #tpu.memory_space<semaphore_mem>>) {add = true}
      %dma_wait3A_134 = arith.constant 0 : i32
      %dma_wait3A_135 = arith.constant 0 : i32
      %dma_wait3A_136 = tpu.memref_slice %arg9[%run_scoped3A_88, %dma_wait3A_134, %dma_wait3A_135] : memref<2x80x128xf32, #tpu.memory_space<vmem>> -> memref<1x80x128xf32, #tpu.memory_space<vmem>>
      %dma_wait3A_137 = tpu.memref_squeeze %dma_wait3A_136 : memref<1x80x128xf32, #tpu.memory_space<vmem>> -> memref<80x128xf32, #tpu.memory_space<vmem>>
      %dma_wait3A_138 = arith.constant 0 : i32
      %dma_wait3A_139 = tpu.memref_slice %arg8[%run_scoped3A_89, %run_scoped3A_90, %dma_wait3A_138] : memref<1x25x80xi32, #tpu.memory_space<vmem>> -> memref<1x1x80xi32, #tpu.memory_space<vmem>>
      %dma_wait3A_140 = tpu.memref_squeeze %dma_wait3A_139 : memref<1x1x80xi32, #tpu.memory_space<vmem>> -> memref<80xi32, #tpu.memory_space<vmem>>
      %dma_wait3A_141 = arith.constant 0 : i32
      %dma_wait3A_142 = arith.constant 0 : i32
      %dma_wait3A_143 = tpu.memref_slice %arg10[%dma_wait3A_141, %dma_wait3A_142] : memref<10240x128xf32, #tpu.memory_space<vmem_shared>> -> memref<10240x128xf32, #tpu.memory_space<vmem_shared>>
      tpu.wait_indirect_dma semaphore(%run_scoped3A_123 : memref<!tpu.dma_semaphore, #tpu.memory_space<semaphore_mem>>) src(%dma_wait3A_137 : memref<80x128xf32, #tpu.memory_space<vmem>>) dst(%dma_wait3A_143 : memref<10240x128xf32, #tpu.memory_space<vmem_shared>>)
      tpu.yield
    }) : () -> ()
    %get3A = arith.constant 0 : i32
    %get3A_91 = arith.constant 24 : i32
    %get3A_92 = arith.index_cast %get3A : i32 to index
    %get3A_93 = arith.index_cast %get3A_91 : i32 to index
    %get3A_94 = arith.constant 0 : index
    %get3A_95 = tpu.vector_load %arg8[%get3A_92, %get3A_93, %get3A_94] {strides = array<i32>} : memref<1x25x80xi32, #tpu.memory_space<vmem>>, vector<16xi32>,
    tpu.vector_store_idx %arg13[%get3A_95], %broadcast_in_dim3A_3 {add = true} : memref<10240xf32, #tpu.memory_space<vmem>>[vector<16xi32>], vector<16xf32>,
    %get3A_96 = arith.constant 0 : i32
    %get3A_97 = arith.constant 24 : i32
    %get3A_98 = arith.index_cast %get3A_96 : i32 to index
    %get3A_99 = arith.index_cast %get3A_97 : i32 to index
    %get3A_100 = arith.constant 16 : index
    %get3A_101 = tpu.vector_load %arg8[%get3A_98, %get3A_99, %get3A_100] {strides = array<i32>} : memref<1x25x80xi32, #tpu.memory_space<vmem>>, vector<16xi32>,
    tpu.vector_store_idx %arg13[%get3A_101], %broadcast_in_dim3A_3 {add = true} : memref<10240xf32, #tpu.memory_space<vmem>>[vector<16xi32>], vector<16xf32>,
    %get3A_102 = arith.constant 0 : i32
    %get3A_103 = arith.constant 24 : i32
    %get3A_104 = arith.index_cast %get3A_102 : i32 to index
    %get3A_105 = arith.index_cast %get3A_103 : i32 to index
    %get3A_106 = arith.constant 32 : index
    %get3A_107 = tpu.vector_load %arg8[%get3A_104, %get3A_105, %get3A_106] {strides = array<i32>} : memref<1x25x80xi32, #tpu.memory_space<vmem>>, vector<16xi32>,
    tpu.vector_store_idx %arg13[%get3A_107], %broadcast_in_dim3A_3 {add = true} : memref<10240xf32, #tpu.memory_space<vmem>>[vector<16xi32>], vector<16xf32>,
    %get3A_108 = arith.constant 0 : i32
    %get3A_109 = arith.constant 24 : i32
    %get3A_110 = arith.index_cast %get3A_108 : i32 to index
    %get3A_111 = arith.index_cast %get3A_109 : i32 to index
    %get3A_112 = arith.constant 48 : index
    %get3A_113 = tpu.vector_load %arg8[%get3A_110, %get3A_111, %get3A_112] {strides = array<i32>} : memref<1x25x80xi32, #tpu.memory_space<vmem>>, vector<16xi32>,
    tpu.vector_store_idx %arg13[%get3A_113], %broadcast_in_dim3A_3 {add = true} : memref<10240xf32, #tpu.memory_space<vmem>>[vector<16xi32>], vector<16xf32>,
    %get3A_114 = arith.constant 0 : i32
    %get3A_115 = arith.constant 24 : i32
    %get3A_116 = arith.index_cast %get3A_114 : i32 to index
    %get3A_117 = arith.index_cast %get3A_115 : i32 to index
    %get3A_118 = arith.constant 64 : index
    %get3A_119 = tpu.vector_load %arg8[%get3A_116, %get3A_117, %get3A_118] {strides = array<i32>} : memref<1x25x80xi32, #tpu.memory_space<vmem>>, vector<16xi32>,
    tpu.vector_store_idx %arg13[%get3A_119], %broadcast_in_dim3A_3 {add = true} : memref<10240xf32, #tpu.memory_space<vmem>>[vector<16xi32>], vector<16xf32>,
    %barrier3A_120 = arith.constant 0 : index
    tpu.barrier barrier_id(%barrier3A_120)
    %mul3A_121 = arith.constant 640 : i32
    %mul3A_122 = arith.muli %arg1, %mul3A_121 : i32
    "tpu.region"() ({
      %run_scoped3A_123 = tpu.sem_alloc : memref<!tpu.dma_semaphore, #tpu.memory_space<semaphore_mem>>
      %dma_start3A_124 = arith.constant 0 : i32
      %dma_start3A_125 = tpu.memref_slice %arg5[%arg0, %mul3A_122, %dma_start3A_124] : memref<2x10240x128xf32, #tpu.memory_space<hbm>> -> memref<1x640x128xf32, #tpu.memory_space<hbm>>
      %dma_start3A_126 = tpu.memref_squeeze %dma_start3A_125 : memref<1x640x128xf32, #tpu.memory_space<hbm>> -> memref<640x128xf32, #tpu.memory_space<hbm>>
      %dma_start3A_127 = arith.constant 0 : i32
      %dma_start3A_128 = tpu.memref_slice %arg10[%mul3A_122, %dma_start3A_127] : memref<10240x128xf32, #tpu.memory_space<vmem_shared>> -> memref<640x128xf32, #tpu.memory_space<vmem_shared>>
      tpu.enqueue_dma source(%dma_start3A_128 : memref<640x128xf32, #tpu.memory_space<vmem_shared>>) target(%dma_start3A_126 : memref<640x128xf32, #tpu.memory_space<hbm>>) target_semaphore(%run_scoped3A_123 : memref<!tpu.dma_semaphore, #tpu.memory_space<semaphore_mem>>)
      %dma_wait3A_129 = arith.constant 0 : i32
      %dma_wait3A_130 = tpu.memref_slice %arg5[%arg0, %mul3A_122, %dma_wait3A_129] : memref<2x10240x128xf32, #tpu.memory_space<hbm>> -> memref<1x640x128xf32, #tpu.memory_space<hbm>>
      %dma_wait3A_131 = tpu.memref_squeeze %dma_wait3A_130 : memref<1x640x128xf32, #tpu.memory_space<hbm>> -> memref<640x128xf32, #tpu.memory_space<hbm>>
      %dma_wait3A_132 = arith.constant 0 : i32
      %dma_wait3A_133 = tpu.memref_slice %arg10[%mul3A_122, %dma_wait3A_132] : memref<10240x128xf32, #tpu.memory_space<vmem_shared>> -> memref<640x128xf32, #tpu.memory_space<vmem_shared>>
      tpu.wait_dma2 semaphore(%run_scoped3A_123 : memref<!tpu.dma_semaphore, #tpu.memory_space<semaphore_mem>>) src(%dma_wait3A_133 : memref<640x128xf32, #tpu.memory_space<vmem_shared>>) dst(%dma_wait3A_131 : memref<640x128xf32, #tpu.memory_space<hbm>>)
      tpu.yield
    }) : () -> ()
    "tpu.region"() ({
      %run_scoped3A_123 = tpu.sem_alloc : memref<!tpu.dma_semaphore, #tpu.memory_space<semaphore_mem>>
      %dma_start3A_124 = arith.constant 0 : i32
      %dma_start3A_125 = tpu.memref_slice %arg6[%arg0, %arg1, %dma_start3A_124] : memref<2x16x10240xf32, #tpu.memory_space<hbm>> -> memref<1x1x10240xf32, #tpu.memory_space<hbm>>
      %dma_start3A_126 = tpu.memref_squeeze %dma_start3A_125 : memref<1x1x10240xf32, #tpu.memory_space<hbm>> -> memref<10240xf32, #tpu.memory_space<hbm>>
      %dma_start3A_127 = arith.constant 0 : i32
      %dma_start3A_128 = tpu.memref_slice %arg6[%arg0, %arg1, %dma_start3A_127] : memref<2x16x10240xf32, #tpu.memory_space<hbm>> -> memref<1x1x10240xf32, #tpu.memory_space<hbm>>
      %dma_start3A_129 = tpu.memref_squeeze %dma_start3A_128 : memref<1x1x10240xf32, #tpu.memory_space<hbm>> -> memref<10240xf32, #tpu.memory_space<hbm>>
      tpu.enqueue_dma source(%arg13 : memref<10240xf32, #tpu.memory_space<vmem>>) target(%dma_start3A_129 : memref<10240xf32, #tpu.memory_space<hbm>>) target_semaphore(%run_scoped3A_123 : memref<!tpu.dma_semaphore, #tpu.memory_space<semaphore_mem>>)
      %dma_wait3A_130 = arith.constant 0 : i32
      %dma_wait3A_131 = tpu.memref_slice %arg6[%arg0, %arg1, %dma_wait3A_130] : memref<2x16x10240xf32, #tpu.memory_space<hbm>> -> memref<1x1x10240xf32, #tpu.memory_space<hbm>>
      %dma_wait3A_132 = tpu.memref_squeeze %dma_wait3A_131 : memref<1x1x10240xf32, #tpu.memory_space<hbm>> -> memref<10240xf32, #tpu.memory_space<hbm>>
      %dma_wait3A_133 = arith.constant 0 : i32
      %dma_wait3A_134 = tpu.memref_slice %arg6[%arg0, %arg1, %dma_wait3A_133] : memref<2x16x10240xf32, #tpu.memory_space<hbm>> -> memref<1x1x10240xf32, #tpu.memory_space<hbm>>
      %dma_wait3A_135 = tpu.memref_squeeze %dma_wait3A_134 : memref<1x1x10240xf32, #tpu.memory_space<hbm>> -> memref<10240xf32, #tpu.memory_space<hbm>>
      tpu.wait_dma2 semaphore(%run_scoped3A_123 : memref<!tpu.dma_semaphore, #tpu.memory_space<semaphore_mem>>) src(%arg13 : memref<10240xf32, #tpu.memory_space<vmem>>) dst(%dma_wait3A_135 : memref<10240xf32, #tpu.memory_space<hbm>>)
      tpu.yield
    }) : () -> ()
    return
  }
}

module attributes {stable_mosaic.version = 14 : i64} {
  func.func @_tc_layer_body(%arg0: i32, %arg1: memref<2x1000x128xf32, #tpu.memory_space<vmem>>, %arg2: memref<1000x32xf32, #tpu.memory_space<vmem>>, %arg3: memref<1000x128xf32, #tpu.memory_space<vmem>>, %arg4: memref<128x128xf32, #tpu.memory_space<vmem>>, %arg5: memref<1x128xf32, #tpu.memory_space<vmem>>, %arg6: memref<128x128xf32, #tpu.memory_space<vmem>>, %arg7: memref<1000x128xf32, #tpu.memory_space<vmem>>) attributes {dimension_semantics = [#tpu.dimension_semantics<arbitrary>], iteration_bounds = array<i64: 10>, scalar_prefetch = 0 : i64, scratch_operands = 0 : i64, tpu.core_type = #tpu.core_type<tc>, window_params = [{transform_indices = @transform_0, window_bounds = array<i64: 2, 1000, 128>}, {transform_indices = @transform_1, window_bounds = array<i64: 1000, 32>}, {transform_indices = @transform_2, window_bounds = array<i64: 1000, 128>}, {pipeline_mode = #tpu.pipeline_mode<synchronous>, transform_indices = @transform_3, window_bounds = array<i64: 128, 128>}, {pipeline_mode = #tpu.pipeline_mode<synchronous>, transform_indices = @transform_4, window_bounds = array<i64: 1, 128>}, {pipeline_mode = #tpu.pipeline_mode<synchronous>, transform_indices = @transform_5, window_bounds = array<i64: 128, 128>}, {transform_indices = @transform_6, window_bounds = array<i64: 1000, 128>}]} {
    %get3A = arith.constant 0 : index
    %get3A_0 = arith.constant 0 : index
    %get3A_1 = arith.constant 0 : index
    %get3A_2 = vector.load %arg1[%get3A, %get3A_0, %get3A_1] : memref<2x1000x128xf32, #tpu.memory_space<vmem>>, vector<2x1000x128xf32>
    %get3A_3 = arith.constant 0 : index
    %get3A_4 = arith.constant 0 : index
    %get3A_5 = vector.load %arg2[%get3A_3, %get3A_4] : memref<1000x32xf32, #tpu.memory_space<vmem>>, vector<1000x32xf32>
    %reduce_sum3A = arith.constant dense<0.000000e+00> : vector<1000xf32>
    %reduce_sum3A_6 = vector.multi_reduction <add>, %get3A_5, %reduce_sum3A [1] : vector<1000x32xf32> to vector<1000xf32>
    %broadcast_in_dim3A = vector.shape_cast %reduce_sum3A_6 : vector<1000xf32> to vector<1000x1xf32>
    %max3A = arith.constant 1.000000e+00 : f32
    %max3A_7 = vector.broadcast %max3A : f32 to vector<1000x1xf32>
    %max3A_8 = arith.maximumf %broadcast_in_dim3A, %max3A_7 : vector<1000x1xf32>
    %slice3A = vector.extract_strided_slice %get3A_2 {offsets = [0, 0, 0], sizes = [1, 1000, 128], strides = [1, 1, 1]} : vector<2x1000x128xf32> to vector<1x1000x128xf32>
    %squeeze3A = vector.shape_cast %slice3A : vector<1x1000x128xf32> to vector<1000x128xf32>
    %slice3A_9 = vector.extract_strided_slice %get3A_2 {offsets = [1, 0, 0], sizes = [1, 1000, 128], strides = [1, 1, 1]} : vector<2x1000x128xf32> to vector<1x1000x128xf32>
    %squeeze3A_10 = vector.shape_cast %slice3A_9 : vector<1x1000x128xf32> to vector<1000x128xf32>
    %add3A = arith.addf %squeeze3A, %squeeze3A_10 : vector<1000x128xf32>
    %div3A = vector.broadcast %max3A_8 : vector<1000x1xf32> to vector<1000x128xf32>
    %div3A_11 = arith.divf %add3A, %div3A : vector<1000x128xf32>
    %get3A_12 = arith.constant 0 : index
    %get3A_13 = arith.constant 0 : index
    %get3A_14 = vector.load %arg4[%get3A_12, %get3A_13] : memref<128x128xf32, #tpu.memory_space<vmem>>, vector<128x128xf32>
    %dot_general3A = arith.constant dense<0.000000e+00> : vector<1000x128xf32>
    %dot_general3A_15 = tpu.matmul %div3A_11, %get3A_14, %dot_general3A {dimension_numbers = #tpu.dot_dimension_numbers<[1], [0], [0], [1], [0, 0, 1, 1], [], []>, transpose_lhs_hint = false} : vector<1000x128xf32>, vector<128x128xf32>, vector<1000x128xf32> -> vector<1000x128xf32>
    %get3A_16 = arith.constant 0 : index
    %get3A_17 = arith.constant 0 : index
    %get3A_18 = vector.load %arg3[%get3A_16, %get3A_17] : memref<1000x128xf32, #tpu.memory_space<vmem>>, vector<1000x128xf32>
    %get3A_19 = arith.constant 0 : index
    %get3A_20 = arith.constant 0 : index
    %get3A_21 = vector.load %arg6[%get3A_19, %get3A_20] : memref<128x128xf32, #tpu.memory_space<vmem>>, vector<128x128xf32>
    %dot_general3A_22 = arith.constant dense<0.000000e+00> : vector<1000x128xf32>
    %dot_general3A_23 = tpu.matmul %get3A_18, %get3A_21, %dot_general3A_22 {dimension_numbers = #tpu.dot_dimension_numbers<[1], [0], [0], [1], [0, 0, 1, 1], [], []>, transpose_lhs_hint = false} : vector<1000x128xf32>, vector<128x128xf32>, vector<1000x128xf32> -> vector<1000x128xf32>
    %add3A_24 = arith.addf %dot_general3A_15, %dot_general3A_23 : vector<1000x128xf32>
    %get3A_25 = arith.constant 0 : index
    %get3A_26 = arith.constant 0 : index
    %get3A_27 = vector.load %arg5[%get3A_25, %get3A_26] : memref<1x128xf32, #tpu.memory_space<vmem>>, vector<1x128xf32>
    %add3A_28 = vector.broadcast %get3A_27 : vector<1x128xf32> to vector<1000x128xf32>
    %add3A_29 = arith.addf %add3A_24, %add3A_28 : vector<1000x128xf32>
    %max3A_30 = arith.constant 0.000000e+00 : f32
    %max3A_31 = vector.broadcast %max3A_30 : f32 to vector<1000x128xf32>
    %max3A_32 = arith.maximumf %add3A_29, %max3A_31 : vector<1000x128xf32>
    %swap3A = arith.constant 0 : index
    %swap3A_33 = arith.constant 0 : index
    %swap3A_34 = vector.load %arg7[%swap3A, %swap3A_33] : memref<1000x128xf32, #tpu.memory_space<vmem>>, vector<1000x128xf32>
    tpu.vector_store %arg7[%swap3A, %swap3A_33], %max3A_32 {strides = array<i32>} : memref<1000x128xf32, #tpu.memory_space<vmem>>, vector<1000x128xf32>,
    return
  }
  func.func @transform_0(%arg0: i32) -> (i32, i32, i32) {
    %c0_i32 = arith.constant 0 : i32
    %c0_i32_0 = arith.constant 0 : i32
    %c0_i32_1 = arith.constant 0 : i32
    return %c0_i32, %arg0, %c0_i32_0 : i32, i32, i32
  }
  func.func @transform_1(%arg0: i32) -> (i32, i32) {
    %c0_i32 = arith.constant 0 : i32
    %c0_i32_0 = arith.constant 0 : i32
    return %arg0, %c0_i32 : i32, i32
  }
  func.func @transform_2(%arg0: i32) -> (i32, i32) {
    %c0_i32 = arith.constant 0 : i32
    %c0_i32_0 = arith.constant 0 : i32
    return %arg0, %c0_i32 : i32, i32
  }
  func.func @transform_3(%arg0: i32) -> (i32, i32) {
    %c0_i32 = arith.constant 0 : i32
    %c0_i32_0 = arith.constant 0 : i32
    %c0_i32_1 = arith.constant 0 : i32
    return %c0_i32, %c0_i32_0 : i32, i32
  }
  func.func @transform_4(%arg0: i32) -> (i32, i32) {
    %c0_i32 = arith.constant 0 : i32
    %c0_i32_0 = arith.constant 0 : i32
    %c0_i32_1 = arith.constant 0 : i32
    return %c0_i32, %c0_i32_0 : i32, i32
  }
  func.func @transform_5(%arg0: i32) -> (i32, i32) {
    %c0_i32 = arith.constant 0 : i32
    %c0_i32_0 = arith.constant 0 : i32
    %c0_i32_1 = arith.constant 0 : i32
    return %c0_i32, %c0_i32_0 : i32, i32
  }
  func.func @transform_6(%arg0: i32) -> (i32, i32) {
    %c0_i32 = arith.constant 0 : i32
    %c0_i32_0 = arith.constant 0 : i32
    return %arg0, %c0_i32 : i32, i32
  }
}

module attributes {stable_mosaic.version = 14 : i64} {
  func.func @_tc_layer_body(%arg0: i32, %arg1: memref<2x1000x128xf32, #tpu.memory_space<vmem>>, %arg2: memref<1000x32xf32, #tpu.memory_space<vmem>>, %arg3: memref<1000x128xf32, #tpu.memory_space<vmem>>, %arg4: memref<128x128xf32, #tpu.memory_space<vmem>>, %arg5: memref<1x128xf32, #tpu.memory_space<vmem>>, %arg6: memref<128x128xf32, #tpu.memory_space<vmem>>, %arg7: memref<1000x128xf32, #tpu.memory_space<vmem>>) attributes {dimension_semantics = [#tpu.dimension_semantics<arbitrary>], iteration_bounds = array<i64: 10>, scalar_prefetch = 0 : i64, scratch_operands = 0 : i64, tpu.core_type = #tpu.core_type<tc>, window_params = [{transform_indices = @transform_0, window_bounds = array<i64: 2, 1000, 128>}, {transform_indices = @transform_1, window_bounds = array<i64: 1000, 32>}, {transform_indices = @transform_2, window_bounds = array<i64: 1000, 128>}, {pipeline_mode = #tpu.pipeline_mode<synchronous>, transform_indices = @transform_3, window_bounds = array<i64: 128, 128>}, {pipeline_mode = #tpu.pipeline_mode<synchronous>, transform_indices = @transform_4, window_bounds = array<i64: 1, 128>}, {pipeline_mode = #tpu.pipeline_mode<synchronous>, transform_indices = @transform_5, window_bounds = array<i64: 128, 128>}, {transform_indices = @transform_6, window_bounds = array<i64: 1000, 128>}]} {
    %get3A = arith.constant 0 : index
    %get3A_0 = arith.constant 0 : index
    %get3A_1 = arith.constant 0 : index
    %get3A_2 = vector.load %arg1[%get3A, %get3A_0, %get3A_1] : memref<2x1000x128xf32, #tpu.memory_space<vmem>>, vector<2x1000x128xf32>
    %get3A_3 = arith.constant 0 : index
    %get3A_4 = arith.constant 0 : index
    %get3A_5 = vector.load %arg2[%get3A_3, %get3A_4] : memref<1000x32xf32, #tpu.memory_space<vmem>>, vector<1000x32xf32>
    %reduce_sum3A = arith.constant dense<0.000000e+00> : vector<1000xf32>
    %reduce_sum3A_6 = vector.multi_reduction <add>, %get3A_5, %reduce_sum3A [1] : vector<1000x32xf32> to vector<1000xf32>
    %broadcast_in_dim3A = vector.shape_cast %reduce_sum3A_6 : vector<1000xf32> to vector<1000x1xf32>
    %max3A = arith.constant 1.000000e+00 : f32
    %max3A_7 = vector.broadcast %max3A : f32 to vector<1000x1xf32>
    %max3A_8 = arith.maximumf %broadcast_in_dim3A, %max3A_7 : vector<1000x1xf32>
    %slice3A = vector.extract_strided_slice %get3A_2 {offsets = [0, 0, 0], sizes = [1, 1000, 128], strides = [1, 1, 1]} : vector<2x1000x128xf32> to vector<1x1000x128xf32>
    %squeeze3A = vector.shape_cast %slice3A : vector<1x1000x128xf32> to vector<1000x128xf32>
    %slice3A_9 = vector.extract_strided_slice %get3A_2 {offsets = [1, 0, 0], sizes = [1, 1000, 128], strides = [1, 1, 1]} : vector<2x1000x128xf32> to vector<1x1000x128xf32>
    %squeeze3A_10 = vector.shape_cast %slice3A_9 : vector<1x1000x128xf32> to vector<1000x128xf32>
    %add3A = arith.addf %squeeze3A, %squeeze3A_10 : vector<1000x128xf32>
    %div3A = vector.broadcast %max3A_8 : vector<1000x1xf32> to vector<1000x128xf32>
    %div3A_11 = arith.divf %add3A, %div3A : vector<1000x128xf32>
    %get3A_12 = arith.constant 0 : index
    %get3A_13 = arith.constant 0 : index
    %get3A_14 = vector.load %arg4[%get3A_12, %get3A_13] : memref<128x128xf32, #tpu.memory_space<vmem>>, vector<128x128xf32>
    %dot_general3A = arith.constant dense<0.000000e+00> : vector<1000x128xf32>
    %dot_general3A_15 = tpu.matmul %div3A_11, %get3A_14, %dot_general3A {dimension_numbers = #tpu.dot_dimension_numbers<[1], [0], [0], [1], [0, 0, 1, 1], [], []>, transpose_lhs_hint = false} : vector<1000x128xf32>, vector<128x128xf32>, vector<1000x128xf32> -> vector<1000x128xf32>
    %get3A_16 = arith.constant 0 : index
    %get3A_17 = arith.constant 0 : index
    %get3A_18 = vector.load %arg3[%get3A_16, %get3A_17] : memref<1000x128xf32, #tpu.memory_space<vmem>>, vector<1000x128xf32>
    %get3A_19 = arith.constant 0 : index
    %get3A_20 = arith.constant 0 : index
    %get3A_21 = vector.load %arg6[%get3A_19, %get3A_20] : memref<128x128xf32, #tpu.memory_space<vmem>>, vector<128x128xf32>
    %dot_general3A_22 = arith.constant dense<0.000000e+00> : vector<1000x128xf32>
    %dot_general3A_23 = tpu.matmul %get3A_18, %get3A_21, %dot_general3A_22 {dimension_numbers = #tpu.dot_dimension_numbers<[1], [0], [0], [1], [0, 0, 1, 1], [], []>, transpose_lhs_hint = false} : vector<1000x128xf32>, vector<128x128xf32>, vector<1000x128xf32> -> vector<1000x128xf32>
    %add3A_24 = arith.addf %dot_general3A_15, %dot_general3A_23 : vector<1000x128xf32>
    %get3A_25 = arith.constant 0 : index
    %get3A_26 = arith.constant 0 : index
    %get3A_27 = vector.load %arg5[%get3A_25, %get3A_26] : memref<1x128xf32, #tpu.memory_space<vmem>>, vector<1x128xf32>
    %add3A_28 = vector.broadcast %get3A_27 : vector<1x128xf32> to vector<1000x128xf32>
    %add3A_29 = arith.addf %add3A_24, %add3A_28 : vector<1000x128xf32>
    %swap3A = arith.constant 0 : index
    %swap3A_30 = arith.constant 0 : index
    %swap3A_31 = vector.load %arg7[%swap3A, %swap3A_30] : memref<1000x128xf32, #tpu.memory_space<vmem>>, vector<1000x128xf32>
    tpu.vector_store %arg7[%swap3A, %swap3A_30], %add3A_29 {strides = array<i32>} : memref<1000x128xf32, #tpu.memory_space<vmem>>, vector<1000x128xf32>,
    return
  }
  func.func @transform_0(%arg0: i32) -> (i32, i32, i32) {
    %c0_i32 = arith.constant 0 : i32
    %c0_i32_0 = arith.constant 0 : i32
    %c0_i32_1 = arith.constant 0 : i32
    return %c0_i32, %arg0, %c0_i32_0 : i32, i32, i32
  }
  func.func @transform_1(%arg0: i32) -> (i32, i32) {
    %c0_i32 = arith.constant 0 : i32
    %c0_i32_0 = arith.constant 0 : i32
    return %arg0, %c0_i32 : i32, i32
  }
  func.func @transform_2(%arg0: i32) -> (i32, i32) {
    %c0_i32 = arith.constant 0 : i32
    %c0_i32_0 = arith.constant 0 : i32
    return %arg0, %c0_i32 : i32, i32
  }
  func.func @transform_3(%arg0: i32) -> (i32, i32) {
    %c0_i32 = arith.constant 0 : i32
    %c0_i32_0 = arith.constant 0 : i32
    %c0_i32_1 = arith.constant 0 : i32
    return %c0_i32, %c0_i32_0 : i32, i32
  }
  func.func @transform_4(%arg0: i32) -> (i32, i32) {
    %c0_i32 = arith.constant 0 : i32
    %c0_i32_0 = arith.constant 0 : i32
    %c0_i32_1 = arith.constant 0 : i32
    return %c0_i32, %c0_i32_0 : i32, i32
  }
  func.func @transform_5(%arg0: i32) -> (i32, i32) {
    %c0_i32 = arith.constant 0 : i32
    %c0_i32_0 = arith.constant 0 : i32
    %c0_i32_1 = arith.constant 0 : i32
    return %c0_i32, %c0_i32_0 : i32, i32
  }
  func.func @transform_6(%arg0: i32) -> (i32, i32) {
    %c0_i32 = arith.constant 0 : i32
    %c0_i32_0 = arith.constant 0 : i32
    return %arg0, %c0_i32 : i32, i32
  }
}

</mosaic_0001>

<sc_bundles>
// kernel: kernel.6.cloned.1.call-start
scs
__scs_entry_jumppad:
0x0: {  	(pc) =	sbr.rel $0x88, $3  }
0x1: {  	(tag) =	ssettag $0x0;
	lr =	simm.s32 $0x1  }
0x2: {  	[smem:$0x3F99] =	sst lr;
	_ =	strace $0xD0000000  }
0x3: {  	_ = 	snop  }
0x4: {  	_ = 	snop  }
0x5: {  	_ = 	snop  }
0x6: {  	_ = 	snop  }
0x7: {  	_ = 	snop  }
__scs_overlays_trampoline_lowered:
0x8: {  	[smem:$0x3FA8] =	sst s0  }
0x9: {  	[smem:$0x3FA9] =	sst s1  }
0xa: {  	[smem:$0x3FAA] =	sst s2  }
0xb: {  	[smem:$0x3FAB] =	sst s3  }
0xc: {  	[smem:$0x3FAC] =	sst s4  }
0xd: {  	[smem:$0x3FAD] =	sst s5  }
0xe: {  	[smem:$0x3FAE] =	sst s6  }
0xf: {  	[smem:$0x3FAF] =	sst s7  }
0x10: {  	[smem:$0x3FB0] =	sst s8  }
0x11: {  	[smem:$0x3FB1] =	sst s9;
	s0 =	simm.s32 @!p0 $0x0  }
0x12: {  	s1 =	sld [smem:$0x3F97];
	s0 =	simm.s32 @p0 $0x1  }
0x13: {  	[smem:$0x3FB2] =	sst s0;
	s0 =	simm.s32 @!p1 $0x0  }
0x14: {  	s2 =	sld [smem:$0x3F96];
	s0 =	simm.s32 @p1 $0x1  }
0x15: {  	[smem:$0x3FB3] =	sst s0;
	s0 =	simm.s32 @!p2 $0x0  }
0x16: {  	s3 =	sld [smem:$0x3FDB];
	s0 =	simm.s32 @p2 $0x1  }
0x17: {  	s4 =	simm.s32 $0x1BF5;
	[smem:$0x3FB5] =	sst s0  }
0x18: {  	s0 =	sld [smem:$0x3F98];
	_ =	swait.ge [sflag:s4], $0x0  }
0x19: {  	s7 =	sld [smem:$0x3F99]  }
0x1a: {  	s8 =	sadd.s32 $0xFFFFE003, lr  }
0x1b: {  	s9 =	sadd.s32 $0xFFFFFEF7, lr;
	s5 =	simm.s32 $0xFFFFFFFF;
	p2 =	slt.u32 s8, $0xFFFFF086  }
0x1c: {  	p1 =	slt.u32 s9, $0xF7A;
	s5 =	simm.s32 @!p2 $0x0  }
0x1d: {  	s5 =	simm.s32 @p1 $0x1;
	p0 =	seq.s32 s7, s2  }
0x1e: {  	s7 =	smul.u32 @!p0 $0xF7A, s2;
	p2 =	seq.s32 @!p0 s5, $0x0  }
0x1f: {  	s9 =	smul.u32 $0xF7A, s1;
	s8 =	simm.s32 @!p0 $0x1BF5;
	p2 =	por !p2, p0  }
0x20: {  	[sflag:s8] =	ssyncset.s32 @!p0 $0xFFFFF086;
	s6 =	sadd.s32 @!p0 s3, s7;
	s7 =	simm.s32 @!p0 $0x108  }
0x21: {  	s3 =	sadd.s32 s3, s9;
	s6 =	sadd.s32 @!p0 $0x88, s6;
	s7 =	simm.s32 @p2 $0x1082  }
0x22: {  	[simem:s7], [sflag:s8] =	dma.local @!p0 [hbm:s6], $0xF7A  }
0x23: {  	s9 =	sor.u32 $0xD0000000, s2;
	s6 =	simm.s32 $0x108;
	_ =	swait.ge @!p0 [sflag:s8], $0x0  }
0x24: {  	s3 =	sadd.s32 $0x88, s3;
	s6 =	simm.s32 @!p1 $0x1082;
	[sflag:s4] =	ssyncset.s32 $0xFFFFF086  }
0x25: {  	[simem:s6], [sflag:s4] =	dma.local [hbm:s3], $0xF7A  }
0x26: {  	[smem:$0x3F99] =	sst s1;
	(tag) =	ssettag s2;
	_ =	strace s9  }
0x27: {  	s1 =	sld [smem:$0x3FA9]  }
0x28: {  	s2 =	sld [smem:$0x3FAA]  }
0x29: {  	s4 =	sld [smem:$0x3FAC]  }
0x2a: {  	p0 =	seq.s32 s5, $0x0;
	s5 =	sld [smem:$0x3FAD]  }
0x2b: {  	s6 =	sld [smem:$0x3FAE]  }
0x2c: {  	s7 =	sld [smem:$0x3FAF]  }
0x2d: {  	s3 =	simm.s32 $0x108;
	s8 =	sld [smem:$0x3FB0]  }
0x2e: {  	s3 =	simm.s32 @!p0 $0x1082;
	s9 =	sld [smem:$0x3FB1]  }
0x2f: {  	lr =	sadd.s32 s0, s3;
	s0 =	sld [smem:$0x3FA8]  }
0x30: {  	s3 =	sld [smem:$0x3FAB]  }
0x31: {  	[smem:$0x3FB4] =	sst s10  }
0x32: {  	s10 =	sld [smem:$0x3FB2];
	_ =	sdelay $0x3  }
0x33: {  	p0 =	seq.s32 s10, $0x1;
	s10 =	sld [smem:$0x3FB4];
	_ =	sdelay $0x3  }
0x34: {  	[smem:$0x3FB4] =	sst s10  }
0x35: {  	s10 =	sld [smem:$0x3FB3];
	_ =	sdelay $0x3  }
0x36: {  	p1 =	seq.s32 s10, $0x1;
	s10 =	sld [smem:$0x3FB4];
	_ =	sdelay $0x3  }
0x37: {  	[smem:$0x3FB4] =	sst s10  }
0x38: {  	s10 =	sld [smem:$0x3FB5]  }
0x39: {  	_ = 	snop;
	(pc) =	sbr.ind lr, $3  }
0x3a: {  	_ = 	snop  }
0x3b: {  	_ = 	snop  }
0x3c: {  	p2 =	seq.s32 s10, $0x1;
	s10 =	sld [smem:$0x3FB4]  }
0x3d: {  	_ =	shalt  }
0x3e: {  	_ =	shalt  }
0x3f: {  	_ =	shalt  }
0x40: {  	_ =	shalt  }
0x41: {  	_ =	shalt  }
0x42: {  	_ =	shalt  }
0x43: {  	_ =	shalt  }
0x44: {  	_ =	shalt  }
0x45: {  	_ =	shalt  }
0x46: {  	_ =	shalt  }
0x47: {  	_ =	shalt  }
0x48: {  	_ =	shalt  }
0x49: {  	_ =	shalt  }
0x4a: {  	_ =	shalt  }
0x4b: {  	_ =	shalt  }
0x4c: {  	_ =	shalt  }
0x4d: {  	_ =	shalt  }
0x4e: {  	_ =	shalt  }
0x4f: {  	_ =	shalt  }
0x50: {  	_ =	shalt  }
0x51: {  	_ =	shalt  }
0x52: {  	_ =	shalt  }
0x53: {  	_ =	shalt  }
0x54: {  	_ =	shalt  }
0x55: {  	_ =	shalt  }
0x56: {  	_ =	shalt  }
0x57: {  	_ =	shalt  }
0x58: {  	_ =	shalt  }
0x59: {  	_ =	shalt  }
0x5a: {  	_ =	shalt  }
0x5b: {  	_ =	shalt  }
0x5c: {  	_ =	shalt  }
0x5d: {  	_ =	shalt  }
0x5e: {  	_ =	shalt  }
0x5f: {  	_ =	shalt  }
0x60: {  	_ =	shalt  }
0x61: {  	_ =	shalt  }
0x62: {  	_ =	shalt  }
0x63: {  	_ =	shalt  }
0x64: {  	_ =	shalt  }
0x65: {  	_ =	shalt  }
0x66: {  	_ =	shalt  }
0x67: {  	_ =	shalt  }
0x68: {  	_ =	shalt  }
0x69: {  	_ =	shalt  }
0x6a: {  	_ =	shalt  }
0x6b: {  	_ =	shalt  }
0x6c: {  	_ =	shalt  }
0x6d: {  	_ =	shalt  }
0x6e: {  	_ =	shalt  }
0x6f: {  	_ =	shalt  }
0x70: {  	_ =	shalt  }
0x71: {  	_ =	shalt  }
0x72: {  	_ =	shalt  }
0x73: {  	_ =	shalt  }
0x74: {  	_ =	shalt  }
0x75: {  	_ =	shalt  }
0x76: {  	_ =	shalt  }
0x77: {  	_ =	shalt  }
0x78: {  	_ =	shalt  }
0x79: {  	_ =	shalt  }
0x7a: {  	_ =	shalt  }
0x7b: {  	_ =	shalt  }
0x7c: {  	_ =	shalt  }
0x7d: {  	_ =	shalt  }
0x7e: {  	_ =	shalt  }
0x7f: {  	_ =	shalt  }
0x80: {  	_ =	shalt  }
0x81: {  	_ =	shalt  }
0x82: {  	_ =	shalt  }
0x83: {  	_ =	shalt  }
0x84: {  	_ =	shalt  }
0x85: {  	_ =	shalt  }
0x86: {  	_ =	shalt  }
0x87: {  	_ =	shalt  }
.Lfunc_end0:
.L_simem_size_0:
called_computation_lowered:
.L_overlay_start_0:
0x88: {  	s2 =	sld [smem:$0x3FD9]  }
0x89: {  	s3 =	sld [smem:$0x3FFE];
	_ =	sdelay $0x1  }
0x8a: {  	s1 =	srdreg.scid  }
0x8b: {  	s0 =	sand.u32 $0x1, s1  }
0x8c: {  	s17 =	sshll.u32 s0, $0xA;
	s2 =	sadd.s32 s3, s2  }
0x8d: {  	s2 =	sadd.s32 s2, s17  }
0x8e: {  	[smem:$0x3FC0] =	sst s2  }
0x8f: {  	_ = 	snop  }
0x90: {  	s2 =	sld [smem:$0x3FC9]  }
0x91: {  	s18 =	sld [smem:$0x3FD0];
	(tm) =	ssettm $0x1  }
0x92: {  	s4 =	sld [smem:$0x3FFB];
	_ =	sdelay $0x3  }
0x93: {  	_ =	strace s4  }
0x94: {  	s4 =	sld [smem:$0x3FFC];
	_ =	sdelay $0x3  }
0x95: {  	_ =	strace s4  }
0x96: {  	s4 =	sld [smem:$0x3FFD];
	_ =	sdelay $0x3  }
0x97: {  	_ =	strace s4  }
0x98: {  	_ =	strace $0x8FFFFFFF  }
0x99: {  	s19 =	sld [smem:$0x3FDB];
	_ =	sdelay $0x1  }
0x9a: {  	s5 =	simm.s32 $_scs_section_size  }
0x9b: {  	s6 =	simm.s32 $_size__tile_overlayer_lowered;
	s7 =	simm.s32 $_tile_overlayer_lowered  }
0x9c: {  	s22 =	simm.s32 $0x1BFF;
	s21 =	sshll.u32 s7, $0x1;
	s4 =	sadd.s32 s5, s19  }
0x9d: {  	s8 =	simm.s32 $0x0;
	s20 =	sshll.u32 s6, $0x1;
	s6 =	sadd.s32 s21, s4  }
0x9e: {  	[timem:s8], [sflag:s22] =	dma.local [hbm:s6], s20  }
0x9f: {  	_ =	swait.ge [sflag:s22], s20  }
0xa0: {  	s5 =	ssub.s32 $0x0, s20;
	[sflag:s22] =	ssyncset.done $0x0  }
0xa1: {  	[sflag:s22] =	ssyncadd.s32 s5;
	_ =	sdelay $0x1  }
0xa2: {  	s23 =	simm.s32 $0x1B8B  }
0xa3: {  	_ =	swait.ge [sflag:s23], $0x1  }
0xa4: {  	[sflag:s23] =	ssyncset.done $0x0  }
0xa5: {  	s25 =	simm.s32 $0x1B8E;
	s24 =	sld [smem:$0x3FFE];
	[sflag:s23] =	ssyncadd.s32 $0xFFFFFFFF  }
0xa6: {  	s26 =	simm.s32 $execute0_lowered;
	[smem:$0x3FD2] =	sst s25  }
0xa7: {  	s6 =	sshll.u32 s26, $0x1;
	_ =	strace $0x80000046;
	[dreg:$0x1] =	wrdreg $0xFFFFFFFF  }
0xa8: {  	s28 =	simm.s32 $_size_execute0_lowered;
	s4 =	sadd.s32 s4, s6;
	[dreg:$0x0] =	wrdreg $0x0  }
0xa9: {  	s6 =	sshll.u32 s28, $0x1;
	[dreg:$0x2] =	wrdreg s4  }
0xaa: {  	[dreg:$0x3] =	wrdreg s6  }
0xab: {  	[dreg:$0x4] =	wrdreg $0xC0  }
0xac: {  	_ =	task [dreg:s8], $0x5FFFF  }
0xad: {  	[dreg:$0x1] =	wrdreg $0xFFFFFFFF  }
0xae: {  	[dreg:$0x0] =	wrdreg $0x60  }
0xaf: {  	[dreg:$0x2] =	wrdreg s2  }
0xb0: {  	[dreg:$0x3] =	wrdreg s24  }
0xb1: {  	[dreg:$0x4] =	wrdreg s18  }
0xb2: {  	[dreg:$0x5] =	wrdreg $0x70000  }
0xb3: {  	[dreg:$0x6] =	wrdreg $0x9  }
0xb4: {  	_ =	task.clear_ibuf [dreg:s8], $0x7FFFF;
	_ =	strace $0x90000046  }
0xb5: {  	s29 =	simm.s32 $0x9;
	_ =	strace $0x80000048  }
0xb6: {  	_ =	swait.ge [sflag:s29], $0x1  }
0xb7: {  	[sflag:s29] =	ssyncadd.s32 $0xFFFFFFFF  }
0xb8: {  	_ =	strace $0x90000048  }
0xb9: {  	_ =	sfence  }
0xba: {  	s30 =	sld [smem:$0x0];
	_ =	sdelay $0x2  }
0xbb: {  	s31 =	sshll.u32 s1, $0xD;
	s1 =	sshrl.u32 s1, $0x2  }
0xbc: {  	s3 =	sand.u32 $0x4000, s31;
	s1 =	sadd.s32 s1, s30  }
0xbd: {  	s0 =	sor.u32 s3, s0;
	s1 =	sshll.u32 s1, $0x11  }
0xbe: {  	s0 =	sor.u32 s1, s0  }
0xbf: {  	s0 =	sadd.s32 $0x8F2B, s0  }
0xc0: {  	[sflag:s0] =	ssyncadd.remote.s32 $0x1  }
0xc1: {  	_ =	sfence.sel $0xFFFF  }
0xc2: {  	[dreg:$0x0] =	wrdreg $0xFFFFFFFF;
	(pc) =	sbr.abs _section_cstart, $3  }
0xc3: {  	[dreg:$0x1] =	wrdreg $0xFFFFFFFF  }
0xc4: {  	_ =	task.clear_ibuf [dreg:s8], $0x2FFFF;
	_ =	strace $0x9FFFFFFF  }
0xc5: {  	(tm) =	ssettm $0x7FFFFFFF  }
tec
execute0_lowered:
.L_overlay_start_1:
0x0: {  	(tag) =	ssettag $0x1  }
0x1: {  	s0 =	rddreg [dreg:$0x0]  }
0x2: {  	s1 =	rddreg [dreg:$0x1]  }
0x3: {  	s19 =	rddreg [dreg:$0x2];
	s2 =	srdreg.scid  }
0x4: {  	s3 =	rddreg [dreg:$0x3];
	s24 =	stileid.u32  }
0x5: {  	s4 =	simm.s32 $0x0;
	s22 =	simm.s32 $0x3;
	s31 =	simm.s32 $0x4800  }
0x6: {  	s28 =	simm.s32 $0x2;
	s10 =	sand.u32 $0x1, s2;
	s6 =	smul.u32 $0x14000, s24  }
0x7: {  	[smem:$0x7FF] =	sst s4;
	s8 =	smul.u32 $0x50000, s24;
	s12 =	sshrl.u32 s24, $0x3  }
0x8: {  	s17 =	sshll.u32 s24, $0x7;
	s5 =	smul.u32 $0x140000, s10;
	_ =	strace $0x80000047  }
0x9: {  	s9 =	ssub.s32 $0x2, s10;
	s11 =	sshll.u32 s10, $0x4;
	s15 =	smul.u32 $0x28000, s10  }
0xa: {  	s16 =	smul.u32 $0x14000, s12;
	s17 =	sand.u32 $0x380, s17;
	[dreg:$0x5] =	wrdreg s31  }
0xb: {  	s25 =	sshrl.u32 s8, $0x2;
	s26 =	sshrl.u32 s9, $0x1;
	s13 =	sor.u32 s24, s11  }
0xc: {  	s24 =	simm.s32 $0x50;
	s7 =	sadd.s32 s6, s5;
	s5 =	sadd.s32 $0x1E00, s1  }
0xd: {  	s6 =	sadd.s32 $0x15E00, s1;
	s20 =	ssub.s32 s9, s26;
	s13 =	smul.u32 $0x5000, s13  }
0xe: {  	s16 =	sadd.s32 s15, s16;
	s26 =	simm.s32 $0x1B000;
	s7 =	sshrl.u32 s7, $0x3  }
0xf: {  	s21 =	sor.u32 s17, s16;
	s20 =	smax.u32 s20, $0x1;
	s1 =	sadd.s32 s7, s1  }
0x10: {  	s7 =	sadd.s32 s25, s3;
	s18 =	sshrl.u32 s13, $0x3;
	s21 =	sshrl.u32 s21, $0x3  }
0x11: {  	s25 =	simm.s32 $0x1;
	s29 =	sadd.s32 $0x2800, s7;
	s30 =	sadd.s32 $0x5000, s7  }
0x12: {  	s10 =	sadd.s32 $0x7800, s7;
	s11 =	sadd.s32 $0xA000, s7;
	s12 =	sadd.s32 $0xC800, s7  }
0x13: {  	s14 =	sadd.s32 $0xF000, s7;
	s15 =	sadd.s32 $0x11800, s7;
	s16 =	sadd.s32 s5, s18  }
0x14: {  	s17 =	sadd.s32 s6, s18;
	s18 =	sadd.s32 $0x29E00, s1;
	[dreg:$0x6] =	wrdreg s29  }
0x15: {  	v0 =	vimm.f32 $0.0e+00;
	v1 =	vimm.f32 $1.000000000e+00;
	s19 =	sadd.s32 s19, s21;
	s21 =	simm.s32 $0x2000;
	[dreg:$0x7] =	wrdreg s30  }
.LBB2_1:
0x16: {  	s1 =	simm.s32 $0x0;
	s23 =	simm.s32 $0x200  }
.LBB2_2:
0x17: {  	p0 =	sne.s32 s23, $0x9E00;
	[tilespmem:s1+$0x2070] =	vst v0  }
0x18: {  	[tilespmem:s1+$0x2000] =	vst v0  }
0x19: {  	[tilespmem:s1+$0x2010] =	vst v0  }
.Ltmp0:
0x1a: {  	[tilespmem:s1+$0x2020] =	vst v0;
	(pc) =	sbr.rel @p0 .LBB2_2-.Ltmp0, $4  }
0x1b: {  	[tilespmem:s1+$0x2030] =	vst v0  }
0x1c: {  	[tilespmem:s1+$0x2040] =	vst v0  }
0x1d: {  	[tilespmem:s1+$0x2050] =	vst v0  }
0x1e: {  	[tilespmem:s1+$0x2060] =	vst v0;
	s1 =	sshra.s32 s23, $0x2;
	s23 =	sadd.s32 $0x200, s23  }
0x1f: {  	[tilespmem:s1+$0x2070] =	vst v0  }
0x20: {  	[tilespmem:s1+$0x2000] =	vst v0  }
0x21: {  	[tilespmem:s1+$0x2010] =	vst v0  }
0x22: {  	[tilespmem:s1+$0x2020] =	vst v0  }
0x23: {  	[tilespmem:s1+$0x2030] =	vst v0  }
0x24: {  	[tilespmem:s1+$0x2040] =	vst v0  }
0x25: {  	[tilespmem:s1+$0x2050] =	vst v0  }
0x26: {  	[tilespmem:s1+$0x2060] =	vst v0  }
0x27: {  	[spmem:s7] =	stream.linear.scatter [tilespmem:s21], [sflag:$0x3], $0x2800, $0x38;
	[tilespmem:$0x1D800] =	vst v63  }
0x28: {  	_ =	swait.ge [sflag:s22], $0x2800  }
0x29: {  	[sflag:s22] =	ssyncset.done $0x0  }
0x2a: {  	s30 =	rddreg [dreg:$0x6];
	[sflag:s22] =	ssyncadd.s32 $0xFFFFD800  }
0x2b: {  	[spmem:s30] =	stream.linear.scatter [tilespmem:s21], [sflag:$0x3], $0x2800, $0x38;
	[tilespmem:$0x1D800] =	vst v63  }
0x2c: {  	_ =	swait.ge [sflag:s22], $0x2800  }
0x2d: {  	[sflag:s22] =	ssyncset.done $0x0  }
0x2e: {  	s31 =	rddreg [dreg:$0x7];
	[sflag:s22] =	ssyncadd.s32 $0xFFFFD800  }
0x2f: {  	[spmem:s31] =	stream.linear.scatter [tilespmem:s21], [sflag:$0x3], $0x2800, $0x38;
	[tilespmem:$0x1D800] =	vst v63  }
0x30: {  	_ =	swait.ge [sflag:s22], $0x2800  }
0x31: {  	[sflag:s22] =	ssyncset.done $0x0  }
0x32: {  	[sflag:s22] =	ssyncadd.s32 $0xFFFFD800  }
0x33: {  	[spmem:s10] =	stream.linear.scatter [tilespmem:s21], [sflag:$0x3], $0x2800, $0x38;
	[tilespmem:$0x1D800] =	vst v63  }
0x34: {  	_ =	swait.ge [sflag:s22], $0x2800  }
0x35: {  	[sflag:s22] =	ssyncset.done $0x0  }
0x36: {  	[sflag:s22] =	ssyncadd.s32 $0xFFFFD800  }
0x37: {  	[spmem:s11] =	stream.linear.scatter [tilespmem:s21], [sflag:$0x3], $0x2800, $0x38;
	[tilespmem:$0x1D800] =	vst v63  }
0x38: {  	_ =	swait.ge [sflag:s22], $0x2800  }
0x39: {  	[sflag:s22] =	ssyncset.done $0x0  }
0x3a: {  	[sflag:s22] =	ssyncadd.s32 $0xFFFFD800  }
0x3b: {  	[spmem:s12] =	stream.linear.scatter [tilespmem:s21], [sflag:$0x3], $0x2800, $0x38;
	[tilespmem:$0x1D800] =	vst v63  }
0x3c: {  	_ =	swait.ge [sflag:s22], $0x2800  }
0x3d: {  	[sflag:s22] =	ssyncset.done $0x0  }
0x3e: {  	[sflag:s22] =	ssyncadd.s32 $0xFFFFD800  }
0x3f: {  	[spmem:s14] =	stream.linear.scatter [tilespmem:s21], [sflag:$0x3], $0x2800, $0x38;
	[tilespmem:$0x1D800] =	vst v63  }
0x40: {  	_ =	swait.ge [sflag:s22], $0x2800  }
0x41: {  	[sflag:s22] =	ssyncset.done $0x0  }
0x42: {  	[sflag:s22] =	ssyncadd.s32 $0xFFFFD800  }
0x43: {  	[spmem:s15] =	stream.linear.scatter [tilespmem:s21], [sflag:$0x3], $0x2800, $0x38;
	[tilespmem:$0x1D800] =	vst v63  }
0x44: {  	_ =	swait.ge [sflag:s22], $0x2800  }
0x45: {  	[sflag:s22] =	ssyncset.done $0x0  }
0x46: {  	s1 =	simm.s32 $0x40;
	s23 =	simm.s32 $0x0;
	[sflag:s22] =	ssyncadd.s32 $0xFFFFD800  }
.LBB2_4:
0x47: {  	p0 =	sne.s32 s1, $0x9FC0;
	[tilespmem:s23+$0x1B000] =	vst v0;
	s23 =	smov.u32 s1;
	s1 =	sadd.s32 $0x40, s1  }
.Ltmp1:
0x48: {  	(pc) =	sbr.rel @p0 .LBB2_4-.Ltmp1, $2  }
0x49: {  	_ =	sdelay $0x2  }
0x4a: {  	s23 =	sshra.s32 s23, $0x2  }
0x4b: {  	[tilespmem:s23+$0x1B000] =	vst v0  }
0x4c: {  	s1 =	simm.s32 $0x0;
	[bflag:$0x0] =	sbarrier.arrive $0xFFFF  }
0x4d: {  	[tilespmem:s1], [sflag:$0x3] =	stream.linear.gather [hbm4b:s16+s1], $0xC80, $0x38;
	[tilespmem:$0x1D800] =	vst v63  }
0x4e: {  	_ =	swait.ge [sflag:s22], $0xC80  }
0x4f: {  	[sflag:s22] =	ssyncset.done $0x0  }
0x50: {  	s2 =	simm.s32 $0x1000;
	[sflag:s22] =	ssyncadd.s32 $0xFFFFF380  }
0x51: {  	[tilespmem:s2], [sflag:$0x3] =	stream.linear.gather [hbm4b:s17+s1], $0xC80, $0x38;
	[tilespmem:$0x1D800] =	vst v63  }
0x52: {  	_ =	swait.ge [sflag:s22], $0xC80  }
0x53: {  	[sflag:s22] =	ssyncset.done $0x0  }
0x54: {  	[sflag:s22] =	ssyncadd.s32 $0xFFFFF380  }
0x55: {  	[tilespmem:s21], [sflag:$0x1] =	stream.indirect.gather [hbm4b:s0+s24], $0x80, s1, s24, $0xb8;
	[tilespmem:$0x1D800] =	vst v63  }
.LBB2_6:
0x56: {  	s23 =	sshllo.u32 s1, $0x1  }
0x57: {  	s2 =	sand.u32 $0xFF, s23  }
0x58: {  	s2 =	smul.u32 $0x29, s2;
	_ =	sdelay $0x1  }
0x59: {  	s2 =	sshrl.u32 s2, $0xA  }
0x5a: {  	s29 =	smul.u32 $0x19, s2  }
0x5b: {  	s30 =	sshll.u32 s1, $0x1  }
0x5c: {  	s9 =	sand.u32 $0xFF, s30;
	s23 =	ssub.s32 s23, s29  }
0x5d: {  	s29 =	smul.u32 $0x29, s9;
	s23 =	sand.u32 $0xFF, s23  }
0x5e: {  	p0 =	seq.s32 s23, $0x0  }
0x5f: {  	s29 =	sshrl.u32 s29, $0xA;
	s31 =	sshll.u32 @!p0 s23, $0x7  }
0x60: {  	s8 =	simm.s32 @!p0 $0x50;
	s9 =	simm.s32 @!p0 $0x4800;
	s29 =	smul.u32 $0x19, s29  }
0x61: {  	[tilespmem:s9], [sflag:$0x2] =	stream.indirect.gather @!p0 [hbm4b:s0+s8], $0x80, s31, s8, $0xb8;
	[tilespmem:$0x1D800] =	vst v63  }
0x62: {  	s29 =	ssub.s32 s30, s29  }
0x63: {  	_ =	swait.ge [sflag:s25], $0x2800;
	s8 =	sand.u32 $0xFF, s29  }
0x64: {  	[sflag:s25] =	ssyncset.done $0x0;
	s8 =	sshll.u32 s8, $0x7  }
0x65: {  	[sflag:s25] =	ssyncadd.s32 $0xFFFFD800;
	s31 =	sor.u32 $0x1000, s8  }
0x66: {  	[spmem:s3] =	stream.indirect.scatter.add.f32 [tilespmem:s21], [sflag:$0x3], $0x80, s31, s24, $0xb8;
	[tilespmem:$0x1D800] =	vst v63  }
0x67: {  	_ =	swait.ge [sflag:s22], $0x2800  }
0x68: {  	[sflag:s22] =	ssyncset.done $0x0  }
0x69: {  	[sflag:s22] =	ssyncadd.s32 $0xFFFFD800  }
0x6a: {  	v2 =	vld [tilespmem:s31+$0x0];
	_ =	sdelay $0x7  }
0x6b: {  	s29 =	sor.u32 $0x1010, s8;
	[tilespmem:v2+s26+$0x0] =	vst.idx.add.f32.msk $0xffff, v1  }
0x6c: {  	v2 =	vld [tilespmem:s29+$0x0];
	_ =	sdelay $0x7  }
0x6d: {  	s31 =	sor.u32 $0x1020, s8;
	[tilespmem:v2+s26+$0x0] =	vst.idx.add.f32.msk $0xffff, v1  }
0x6e: {  	v2 =	vld [tilespmem:s31+$0x0];
	_ =	sdelay $0x7  }
0x6f: {  	s29 =	sor.u32 $0x1030, s8;
	[tilespmem:v2+s26+$0x0] =	vst.idx.add.f32.msk $0xffff, v1  }
0x70: {  	v2 =	vld [tilespmem:s29+$0x0];
	_ =	sdelay $0x7  }
0x71: {  	s8 =	sor.u32 $0x1040, s8;
	[tilespmem:v2+s26+$0x0] =	vst.idx.add.f32.msk $0xffff, v1  }
0x72: {  	v2 =	vld [tilespmem:s8+$0x0];
	_ =	sdelay $0x3  }
0x73: {  	p0 =	sne.s32 s23, $0x0  }
0x74: {  	s2 =	sshll.u32 @!p0 s2, $0xC  }
0x75: {  	s2 =	sadd.s32 @!p0 s13, s2  }
0x76: {  	s2 =	sshrl.u32 @!p0 s2, $0x3  }
0x77: {  	s9 =	simm.s32 @!p0 $0x0;
	s8 =	sadd.s32 @!p0 s5, s2;
	[tilespmem:v2+s26+$0x0] =	vst.idx.add.f32.msk $0xffff, v1  }
0x78: {  	[tilespmem:s9], [sflag:$0x3] =	stream.linear.gather @!p0 [hbm4b:s8+s9], $0xC80, $0x38;
	[tilespmem:$0x1D800] =	vst v63  }
0x79: {  	s8 =	simm.s32 @!p0 $0x3  }
0x7a: {  	_ =	swait.ge @!p0 [sflag:s8], $0xC80  }
0x7b: {  	[sflag:s8] =	ssyncset.done @!p0 $0x0  }
0x7c: {  	s29 =	simm.s32 @!p0 $0x1000;
	s2 =	sadd.s32 @!p0 s6, s2;
	[sflag:s8] =	ssyncadd.s32 @!p0 $0xFFFFF380  }
0x7d: {  	[tilespmem:s29], [sflag:$0x3] =	stream.linear.gather @!p0 [hbm4b:s2+s9], $0xC80, $0x38;
	[tilespmem:$0x1D800] =	vst v63  }
0x7e: {  	s2 =	sadd.s32 $0x2, s30  }
0x7f: {  	s31 =	sand.u32 $0xFF, s2  }
0x80: {  	_ =	swait.ge @!p0 [sflag:s8], $0xC80;
	s29 =	smul.u32 $0x29, s31  }
0x81: {  	[sflag:s8] =	ssyncset.done @!p0 $0x0  }
0x82: {  	[sflag:s8] =	ssyncadd.s32 @!p0 $0xFFFFF380;
	s8 =	sshrl.u32 s29, $0xA  }
0x83: {  	s30 =	simm.s32 @!p0 $0x4800;
	s29 =	simm.s32 @!p0 $0x50;
	s31 =	smul.u32 $0x19, s8  }
0x84: {  	[tilespmem:s30], [sflag:$0x2] =	stream.indirect.gather @!p0 [hbm4b:s0+s29], $0x80, s9, s29, $0xb8;
	[tilespmem:$0x1D800] =	vst v63  }
0x85: {  	s2 =	ssub.s32 s2, s31  }
0x86: {  	s9 =	sand.u32 $0xFF, s2  }
0x87: {  	p0 =	seq.s32 s9, $0x0  }
0x88: {  	s2 =	sand.u32 @!p0 $0xFF, s2  }
0x89: {  	s29 =	simm.s32 @!p0 $0x50;
	s30 =	simm.s32 @!p0 $0x2000;
	s2 =	sshll.u32 @!p0 s2, $0x7  }
0x8a: {  	[tilespmem:s30], [sflag:$0x1] =	stream.indirect.gather @!p0 [hbm4b:s0+s29], $0x80, s2, s29, $0xb8;
	[tilespmem:$0x1D800] =	vst v63  }
0x8b: {  	_ =	swait.ge [sflag:s28], $0x2800  }
0x8c: {  	s23 =	sshll.u32 s23, $0x7;
	[sflag:s28] =	ssyncset.done $0x0  }
0x8d: {  	s31 =	sadd.s32 $0x1000, s23;
	s30 =	rddreg [dreg:$0x5];
	[sflag:s28] =	ssyncadd.s32 $0xFFFFD800  }
0x8e: {  	[spmem:s3] =	stream.indirect.scatter.add.f32 [tilespmem:s30], [sflag:$0x3], $0x80, s31, s24, $0xb8;
	[tilespmem:$0x1D800] =	vst v63  }
0x8f: {  	_ =	swait.ge [sflag:s22], $0x2800  }
0x90: {  	[sflag:s22] =	ssyncset.done $0x0  }
0x91: {  	[sflag:s22] =	ssyncadd.s32 $0xFFFFD800  }
0x92: {  	v2 =	vld [tilespmem:s23+$0x1000];
	_ =	sdelay $0x7  }
0x93: {  	[tilespmem:v2+s26+$0x0] =	vst.idx.add.f32.msk $0xffff, v1  }
0x94: {  	v2 =	vld [tilespmem:s23+$0x1010];
	_ =	sdelay $0x7  }
0x95: {  	[tilespmem:v2+s26+$0x0] =	vst.idx.add.f32.msk $0xffff, v1  }
0x96: {  	v2 =	vld [tilespmem:s23+$0x1020];
	_ =	sdelay $0x7  }
0x97: {  	[tilespmem:v2+s26+$0x0] =	vst.idx.add.f32.msk $0xffff, v1  }
0x98: {  	v2 =	vld [tilespmem:s23+$0x1030];
	_ =	sdelay $0x7  }
0x99: {  	[tilespmem:v2+s26+$0x0] =	vst.idx.add.f32.msk $0xffff, v1  }
0x9a: {  	v2 =	vld [tilespmem:s23+$0x1040];
	_ =	sdelay $0x3  }
0x9b: {  	p0 =	sne.s32 s9, $0x0  }
0x9c: {  	s2 =	sshll.u32 @!p0 s8, $0xC  }
0x9d: {  	s2 =	sadd.s32 @!p0 s13, s2  }
0x9e: {  	s2 =	sshrl.u32 @!p0 s2, $0x3  }
0x9f: {  	s9 =	simm.s32 @!p0 $0x0;
	s8 =	sadd.s32 @!p0 s5, s2;
	[tilespmem:v2+s26+$0x0] =	vst.idx.add.f32.msk $0xffff, v1  }
0xa0: {  	[tilespmem:s9], [sflag:$0x3] =	stream.linear.gather @!p0 [hbm4b:s8+s9], $0xC80, $0x38;
	[tilespmem:$0x1D800] =	vst v63  }
0xa1: {  	s8 =	simm.s32 @!p0 $0x3  }
0xa2: {  	_ =	swait.ge @!p0 [sflag:s8], $0xC80  }
0xa3: {  	[sflag:s8] =	ssyncset.done @!p0 $0x0  }
0xa4: {  	s2 =	sadd.s32 @!p0 s6, s2;
	s23 =	simm.s32 @!p0 $0x1000;
	[sflag:s8] =	ssyncadd.s32 @!p0 $0xFFFFF380  }
0xa5: {  	[tilespmem:s23], [sflag:$0x3] =	stream.linear.gather @!p0 [hbm4b:s2+s9], $0xC80, $0x38;
	[tilespmem:$0x1D800] =	vst v63  }
0xa6: {  	_ =	swait.ge @!p0 [sflag:s8], $0xC80  }
0xa7: {  	s1 =	sadd.s32 $0x1, s1;
	[sflag:s8] =	ssyncset.done @!p0 $0x0  }
0xa8: {  	s2 =	simm.s32 @!p0 $0x50;
	[sflag:s8] =	ssyncadd.s32 @!p0 $0xFFFFF380;
	s8 =	simm.s32 @!p0 $0x2000  }
0xa9: {  	[tilespmem:s8], [sflag:$0x1] =	stream.indirect.gather @!p0 [hbm4b:s0+s2], $0x80, s9, s2, $0xb8;
	[tilespmem:$0x1D800] =	vst v63  }
0xaa: {  	p0 =	sne.s32 s1, $0x3E  }
.Ltmp2:
0xab: {  	_ = 	snop;
	(pc) =	sbr.rel @p0 .LBB2_6-.Ltmp2, $1  }
0xac: {  	_ =	sdelay $0x3  }
0xad: {  	_ =	swait.ge [sflag:s25], $0x2800  }
0xae: {  	[sflag:s25] =	ssyncset.done $0x0  }
0xaf: {  	s1 =	simm.s32 $0x1C00;
	[sflag:s25] =	ssyncadd.s32 $0xFFFFD800  }
0xb0: {  	[spmem:s3] =	stream.indirect.scatter.add.f32 [tilespmem:s21], [sflag:$0x3], $0x80, s1, s24, $0xb8;
	[tilespmem:$0x1D800] =	vst v63  }
0xb1: {  	_ =	swait.ge [sflag:s22], $0x2800  }
0xb2: {  	[sflag:s22] =	ssyncset.done $0x0  }
0xb3: {  	[sflag:s22] =	ssyncadd.s32 $0xFFFFD800  }
0xb4: {  	v2 =	vld [tilespmem:$0x1C00];
	_ =	sdelay $0x7  }
0xb5: {  	[tilespmem:v2+s26+$0x0] =	vst.idx.add.f32.msk $0xffff, v1  }
0xb6: {  	v2 =	vld [tilespmem:$0x1C10];
	_ =	sdelay $0x7  }
0xb7: {  	[tilespmem:v2+s26+$0x0] =	vst.idx.add.f32.msk $0xffff, v1  }
0xb8: {  	v2 =	vld [tilespmem:$0x1C20];
	_ =	sdelay $0x7  }
0xb9: {  	[tilespmem:v2+s26+$0x0] =	vst.idx.add.f32.msk $0xffff, v1  }
0xba: {  	v2 =	vld [tilespmem:$0x1C30];
	_ =	sdelay $0x7  }
0xbb: {  	[tilespmem:v2+s26+$0x0] =	vst.idx.add.f32.msk $0xffff, v1  }
0xbc: {  	v2 =	vld [tilespmem:$0x1C40];
	_ =	sdelay $0x6  }
0xbd: {  	s29 =	stileid.u32  }
0xbe: {  	s1 =	sshll.u32 s29, $0x6;
	[tilespmem:v2+s26+$0x0] =	vst.idx.add.f32.msk $0xffff, v1  }
0xbf: {  	s2 =	sshrl.u32 s7, $0x3;
	s1 =	sor.u32 $0x1C03, s1;
	[bflag:$0x0] =	sbarrier.arrive $0xFFFF  }
0xc0: {  	[hbm:s18], [sflag:s1] =	dma.local [spmem:s2], $0x2800  }
0xc1: {  	s4 =	sadd.s32 $0x1, s4;
	_ =	swait.ge [sflag:s22], $0x2800  }
0xc2: {  	s30 =	simm.s32 $0x80;
	p0 =	sne.s32 s4, s20;
	[sflag:s22] =	ssyncset.done $0x0  }
.Ltmp3:
0xc3: {  	s31 =	simm.s32 $0x400;
	[sflag:s22] =	ssyncadd.s32 $0xFFFFD800;
	(pc) =	sbr.rel @p0 .LBB2_1-.Ltmp3, $4  }
0xc4: {  	[hbm4b:s19+s30] =	stream.strided.scatter [tilespmem:s26], [sflag:$0x3], $0x2800, s31, s30, $0x38;
	[tilespmem:$0x1D800] =	vst v63  }
0xc5: {  	_ =	swait.ge [sflag:s22], $0x2800  }
0xc6: {  	[sflag:s22] =	ssyncset.done $0x0  }
0xc7: {  	[sflag:s22] =	ssyncadd.s32 $0xFFFFD800  }
0xc8: {  	_ =	sfence.sel $0x180000  }
0xc9: {  	[bflag:$0x0] =	sbarrier.arrive $0xFFFF  }
0xca: {  	_ =	strace $0x90000047  }
0xcb: {  	s0 =	stileid.u32;
	[bflag:$0x2] =	sbarrier.arrive $0xFFFF  }
0xcc: {  	p0 =	sne.s32 s0, $0x0;
	s0 =	rddreg [dreg:$0x4]  }
0xcd: {  	s0 =	sadd.s32 @!p0 $0x100000, s0  }
0xce: {  	[sflag:s0] =	ssyncadd.tile.s32 @!p0 $0x1;
	_ =	shalt  }
.Lfunc_end2:
_tile_overlayer_lowered:
.L_overlay_start_2:
0xcf: {  	(tag) =	ssettag $0x2  }
0xd0: {  	s0 =	rddreg [dreg:$0x0];
	s2 =	stileid.u32  }
0xd1: {  	s1 =	rddreg [dreg:$0x1];
	p0 =	sne.s32 s2, $0x0  }
0xd2: {  	s3 =	rddreg [dreg:$0x2];
	[bflag:$0x3] =	sbarrier.arrive $0xFFFF;
	s2 =	simm.s32 @!p0 $0x1C03  }
0xd3: {  	[timem:s3], [sflag:s2] =	dma.local @!p0 [hbm:s0], s1  }
0xd4: {  	s0 =	simm.s32 @!p0 $0x3  }
0xd5: {  	_ =	swait.ge @!p0 [sflag:s0], s1  }
0xd6: {  	s1 =	ssub.s32 @!p0 $0x0, s1;
	[sflag:s0] =	ssyncset.done @!p0 $0x0  }
0xd7: {  	[sflag:s0] =	ssyncadd.s32 @!p0 s1  }
0xd8: {  	[bflag:$0x3] =	sbarrier.arrive $0xFFFF  }
0xd9: {  	_ =	shalt  }

// kernel: kernel.9.cloned.1.call-start
scs
__scs_entry_jumppad:
0x0: {  	(pc) =	sbr.rel $0x88, $3  }
0x1: {  	(tag) =	ssettag $0x0;
	lr =	simm.s32 $0x1  }
0x2: {  	[smem:$0x3F99] =	sst lr;
	_ =	strace $0xD0000000  }
0x3: {  	_ = 	snop  }
0x4: {  	_ = 	snop  }
0x5: {  	_ = 	snop  }
0x6: {  	_ = 	snop  }
0x7: {  	_ = 	snop  }
__scs_overlays_trampoline_lowered:
0x8: {  	[smem:$0x3FA8] =	sst s0  }
0x9: {  	[smem:$0x3FA9] =	sst s1  }
0xa: {  	[smem:$0x3FAA] =	sst s2  }
0xb: {  	[smem:$0x3FAB] =	sst s3  }
0xc: {  	[smem:$0x3FAC] =	sst s4  }
0xd: {  	[smem:$0x3FAD] =	sst s5  }
0xe: {  	[smem:$0x3FAE] =	sst s6  }
0xf: {  	[smem:$0x3FAF] =	sst s7  }
0x10: {  	[smem:$0x3FB0] =	sst s8  }
0x11: {  	[smem:$0x3FB1] =	sst s9;
	s0 =	simm.s32 @!p0 $0x0  }
0x12: {  	s1 =	sld [smem:$0x3F97];
	s0 =	simm.s32 @p0 $0x1  }
0x13: {  	[smem:$0x3FB2] =	sst s0;
	s0 =	simm.s32 @!p1 $0x0  }
0x14: {  	s2 =	sld [smem:$0x3F96];
	s0 =	simm.s32 @p1 $0x1  }
0x15: {  	[smem:$0x3FB3] =	sst s0;
	s0 =	simm.s32 @!p2 $0x0  }
0x16: {  	s3 =	sld [smem:$0x3FDB];
	s0 =	simm.s32 @p2 $0x1  }
0x17: {  	s4 =	simm.s32 $0x1BF5;
	[smem:$0x3FB5] =	sst s0  }
0x18: {  	s0 =	sld [smem:$0x3F98];
	_ =	swait.ge [sflag:s4], $0x0  }
0x19: {  	s7 =	sld [smem:$0x3F99]  }
0x1a: {  	s8 =	sadd.s32 $0xFFFFE003, lr  }
0x1b: {  	s9 =	sadd.s32 $0xFFFFFEF7, lr;
	s5 =	simm.s32 $0xFFFFFFFF;
	p2 =	slt.u32 s8, $0xFFFFF086  }
0x1c: {  	p1 =	slt.u32 s9, $0xF7A;
	s5 =	simm.s32 @!p2 $0x0  }
0x1d: {  	s5 =	simm.s32 @p1 $0x1;
	p0 =	seq.s32 s7, s2  }
0x1e: {  	s7 =	smul.u32 @!p0 $0xF7A, s2;
	p2 =	seq.s32 @!p0 s5, $0x0  }
0x1f: {  	s9 =	smul.u32 $0xF7A, s1;
	s8 =	simm.s32 @!p0 $0x1BF5;
	p2 =	por !p2, p0  }
0x20: {  	[sflag:s8] =	ssyncset.s32 @!p0 $0xFFFFF086;
	s6 =	sadd.s32 @!p0 s3, s7;
	s7 =	simm.s32 @!p0 $0x108  }
0x21: {  	s3 =	sadd.s32 s3, s9;
	s6 =	sadd.s32 @!p0 $0x88, s6;
	s7 =	simm.s32 @p2 $0x1082  }
0x22: {  	[simem:s7], [sflag:s8] =	dma.local @!p0 [hbm:s6], $0xF7A  }
0x23: {  	s9 =	sor.u32 $0xD0000000, s2;
	s6 =	simm.s32 $0x108;
	_ =	swait.ge @!p0 [sflag:s8], $0x0  }
0x24: {  	s3 =	sadd.s32 $0x88, s3;
	s6 =	simm.s32 @!p1 $0x1082;
	[sflag:s4] =	ssyncset.s32 $0xFFFFF086  }
0x25: {  	[simem:s6], [sflag:s4] =	dma.local [hbm:s3], $0xF7A  }
0x26: {  	[smem:$0x3F99] =	sst s1;
	(tag) =	ssettag s2;
	_ =	strace s9  }
0x27: {  	s1 =	sld [smem:$0x3FA9]  }
0x28: {  	s2 =	sld [smem:$0x3FAA]  }
0x29: {  	s4 =	sld [smem:$0x3FAC]  }
0x2a: {  	p0 =	seq.s32 s5, $0x0;
	s5 =	sld [smem:$0x3FAD]  }
0x2b: {  	s6 =	sld [smem:$0x3FAE]  }
0x2c: {  	s7 =	sld [smem:$0x3FAF]  }
0x2d: {  	s3 =	simm.s32 $0x108;
	s8 =	sld [smem:$0x3FB0]  }
0x2e: {  	s3 =	simm.s32 @!p0 $0x1082;
	s9 =	sld [smem:$0x3FB1]  }
0x2f: {  	lr =	sadd.s32 s0, s3;
	s0 =	sld [smem:$0x3FA8]  }
0x30: {  	s3 =	sld [smem:$0x3FAB]  }
0x31: {  	[smem:$0x3FB4] =	sst s10  }
0x32: {  	s10 =	sld [smem:$0x3FB2];
	_ =	sdelay $0x3  }
0x33: {  	p0 =	seq.s32 s10, $0x1;
	s10 =	sld [smem:$0x3FB4];
	_ =	sdelay $0x3  }
0x34: {  	[smem:$0x3FB4] =	sst s10  }
0x35: {  	s10 =	sld [smem:$0x3FB3];
	_ =	sdelay $0x3  }
0x36: {  	p1 =	seq.s32 s10, $0x1;
	s10 =	sld [smem:$0x3FB4];
	_ =	sdelay $0x3  }
0x37: {  	[smem:$0x3FB4] =	sst s10  }
0x38: {  	s10 =	sld [smem:$0x3FB5]  }
0x39: {  	_ = 	snop;
	(pc) =	sbr.ind lr, $3  }
0x3a: {  	_ = 	snop  }
0x3b: {  	_ = 	snop  }
0x3c: {  	p2 =	seq.s32 s10, $0x1;
	s10 =	sld [smem:$0x3FB4]  }
0x3d: {  	_ =	shalt  }
0x3e: {  	_ =	shalt  }
0x3f: {  	_ =	shalt  }
0x40: {  	_ =	shalt  }
0x41: {  	_ =	shalt  }
0x42: {  	_ =	shalt  }
0x43: {  	_ =	shalt  }
0x44: {  	_ =	shalt  }
0x45: {  	_ =	shalt  }
0x46: {  	_ =	shalt  }
0x47: {  	_ =	shalt  }
0x48: {  	_ =	shalt  }
0x49: {  	_ =	shalt  }
0x4a: {  	_ =	shalt  }
0x4b: {  	_ =	shalt  }
0x4c: {  	_ =	shalt  }
0x4d: {  	_ =	shalt  }
0x4e: {  	_ =	shalt  }
0x4f: {  	_ =	shalt  }
0x50: {  	_ =	shalt  }
0x51: {  	_ =	shalt  }
0x52: {  	_ =	shalt  }
0x53: {  	_ =	shalt  }
0x54: {  	_ =	shalt  }
0x55: {  	_ =	shalt  }
0x56: {  	_ =	shalt  }
0x57: {  	_ =	shalt  }
0x58: {  	_ =	shalt  }
0x59: {  	_ =	shalt  }
0x5a: {  	_ =	shalt  }
0x5b: {  	_ =	shalt  }
0x5c: {  	_ =	shalt  }
0x5d: {  	_ =	shalt  }
0x5e: {  	_ =	shalt  }
0x5f: {  	_ =	shalt  }
0x60: {  	_ =	shalt  }
0x61: {  	_ =	shalt  }
0x62: {  	_ =	shalt  }
0x63: {  	_ =	shalt  }
0x64: {  	_ =	shalt  }
0x65: {  	_ =	shalt  }
0x66: {  	_ =	shalt  }
0x67: {  	_ =	shalt  }
0x68: {  	_ =	shalt  }
0x69: {  	_ =	shalt  }
0x6a: {  	_ =	shalt  }
0x6b: {  	_ =	shalt  }
0x6c: {  	_ =	shalt  }
0x6d: {  	_ =	shalt  }
0x6e: {  	_ =	shalt  }
0x6f: {  	_ =	shalt  }
0x70: {  	_ =	shalt  }
0x71: {  	_ =	shalt  }
0x72: {  	_ =	shalt  }
0x73: {  	_ =	shalt  }
0x74: {  	_ =	shalt  }
0x75: {  	_ =	shalt  }
0x76: {  	_ =	shalt  }
0x77: {  	_ =	shalt  }
0x78: {  	_ =	shalt  }
0x79: {  	_ =	shalt  }
0x7a: {  	_ =	shalt  }
0x7b: {  	_ =	shalt  }
0x7c: {  	_ =	shalt  }
0x7d: {  	_ =	shalt  }
0x7e: {  	_ =	shalt  }
0x7f: {  	_ =	shalt  }
0x80: {  	_ =	shalt  }
0x81: {  	_ =	shalt  }
0x82: {  	_ =	shalt  }
0x83: {  	_ =	shalt  }
0x84: {  	_ =	shalt  }
0x85: {  	_ =	shalt  }
0x86: {  	_ =	shalt  }
0x87: {  	_ =	shalt  }
.Lfunc_end0:
.L_simem_size_0:
called_computation.1_lowered:
.L_overlay_start_0:
0x88: {  	s2 =	sld [smem:$0x3FD9]  }
0x89: {  	s3 =	sld [smem:$0x3FFE];
	_ =	sdelay $0x1  }
0x8a: {  	s1 =	srdreg.scid  }
0x8b: {  	s0 =	sand.u32 $0x1, s1  }
0x8c: {  	s17 =	sshll.u32 s0, $0xA;
	s2 =	sadd.s32 s3, s2  }
0x8d: {  	s2 =	sadd.s32 s2, s17  }
0x8e: {  	[smem:$0x3FC0] =	sst s2  }
0x8f: {  	_ = 	snop  }
0x90: {  	s2 =	sld [smem:$0x3FD0];
	(tm) =	ssettm $0x1  }
0x91: {  	s18 =	sld [smem:$0x3FFB];
	_ =	sdelay $0x3  }
0x92: {  	_ =	strace s18  }
0x93: {  	s3 =	sld [smem:$0x3FFC];
	_ =	sdelay $0x3  }
0x94: {  	_ =	strace s3  }
0x95: {  	s3 =	sld [smem:$0x3FFD];
	_ =	sdelay $0x3  }
0x96: {  	_ =	strace s3  }
0x97: {  	_ =	strace $0x8FFFFFFF  }
0x98: {  	s19 =	sld [smem:$0x3FDB];
	_ =	sdelay $0x1  }
0x99: {  	s4 =	simm.s32 $_scs_section_size  }
0x9a: {  	s5 =	simm.s32 $_size__tile_overlayer_lowered;
	s6 =	simm.s32 $_tile_overlayer_lowered  }
0x9b: {  	s22 =	simm.s32 $0x1BFF;
	s21 =	sshll.u32 s6, $0x1;
	s3 =	sadd.s32 s4, s19  }
0x9c: {  	s7 =	simm.s32 $0x0;
	s20 =	sshll.u32 s5, $0x1;
	s5 =	sadd.s32 s21, s3  }
0x9d: {  	[timem:s7], [sflag:s22] =	dma.local [hbm:s5], s20  }
0x9e: {  	_ =	swait.ge [sflag:s22], s20  }
0x9f: {  	s4 =	ssub.s32 $0x0, s20;
	[sflag:s22] =	ssyncset.done $0x0  }
0xa0: {  	[sflag:s22] =	ssyncadd.s32 s4;
	_ =	sdelay $0x1  }
0xa1: {  	s23 =	simm.s32 $0x1B8B  }
0xa2: {  	_ =	swait.ge [sflag:s23], $0x1  }
0xa3: {  	[sflag:s23] =	ssyncset.done $0x0  }
0xa4: {  	s25 =	simm.s32 $0x1B8E;
	s24 =	sld [smem:$0x3FFE];
	[sflag:s23] =	ssyncadd.s32 $0xFFFFFFFF  }
0xa5: {  	s26 =	simm.s32 $execute0_lowered;
	[smem:$0x3FD2] =	sst s25  }
0xa6: {  	s5 =	sshll.u32 s26, $0x1;
	_ =	strace $0x80000049;
	[dreg:$0x1] =	wrdreg $0xFFFFFFFF  }
0xa7: {  	s28 =	simm.s32 $_size_execute0_lowered;
	s3 =	sadd.s32 s3, s5;
	[dreg:$0x0] =	wrdreg $0x0  }
0xa8: {  	s5 =	sshll.u32 s28, $0x1;
	[dreg:$0x2] =	wrdreg s3  }
0xa9: {  	[dreg:$0x3] =	wrdreg s5  }
0xaa: {  	[dreg:$0x4] =	wrdreg $0xC0  }
0xab: {  	_ =	task [dreg:s7], $0x5FFFF  }
0xac: {  	[dreg:$0x1] =	wrdreg $0xFFFFFFFF  }
0xad: {  	[dreg:$0x0] =	wrdreg $0x60  }
0xae: {  	[dreg:$0x2] =	wrdreg s2  }
0xaf: {  	[dreg:$0x3] =	wrdreg s24  }
0xb0: {  	[dreg:$0x4] =	wrdreg $0x70000  }
0xb1: {  	[dreg:$0x5] =	wrdreg $0x9  }
0xb2: {  	_ =	task.clear_ibuf [dreg:s7], $0x6FFFF;
	_ =	strace $0x90000049  }
0xb3: {  	s29 =	simm.s32 $0x9;
	_ =	strace $0x8000004B  }
0xb4: {  	_ =	swait.ge [sflag:s29], $0x1  }
0xb5: {  	[sflag:s29] =	ssyncadd.s32 $0xFFFFFFFF  }
0xb6: {  	_ =	strace $0x9000004B  }
0xb7: {  	_ =	sfence  }
0xb8: {  	s30 =	sld [smem:$0x0];
	_ =	sdelay $0x2  }
0xb9: {  	s31 =	sshll.u32 s1, $0xD;
	s1 =	sshrl.u32 s1, $0x2  }
0xba: {  	s3 =	sand.u32 $0x4000, s31;
	s1 =	sadd.s32 s1, s30  }
0xbb: {  	s0 =	sor.u32 s3, s0;
	s1 =	sshll.u32 s1, $0x11  }
0xbc: {  	s0 =	sor.u32 s1, s0  }
0xbd: {  	s0 =	sadd.s32 $0x8F2B, s0  }
0xbe: {  	[sflag:s0] =	ssyncadd.remote.s32 $0x1  }
0xbf: {  	_ =	sfence.sel $0xFFFF  }
0xc0: {  	[dreg:$0x0] =	wrdreg $0xFFFFFFFF;
	(pc) =	sbr.abs _section_cstart, $3  }
0xc1: {  	[dreg:$0x1] =	wrdreg $0xFFFFFFFF  }
0xc2: {  	_ =	task.clear_ibuf [dreg:s7], $0x2FFFF;
	_ =	strace $0x9FFFFFFF  }
0xc3: {  	(tm) =	ssettm $0x7FFFFFFF  }
tec
execute0_lowered:
.L_overlay_start_1:
0x0: {  	(tag) =	ssettag $0x1  }
0x1: {  	s0 =	rddreg [dreg:$0x0]  }
0x2: {  	s2 =	srdreg.scid;
	s10 =	stileid.u32  }
0x3: {  	s1 =	rddreg [dreg:$0x1];
	s2 =	sand.u32 $0x1, s2;
	s7 =	smul.u32 $0x14000, s10  }
0x4: {  	s3 =	rddreg [dreg:$0x2];
	s6 =	smul.u32 $0x140000, s2  }
0x5: {  	s4 =	simm.s32 $0x0;
	s20 =	simm.s32 $0x2000;
	s8 =	smul.u32 $0x50000, s10  }
0x6: {  	[smem:$0x7FF] =	sst s4;
	s5 =	sadd.s32 $0x1E00, s1;
	s7 =	sadd.s32 s7, s6  }
0x7: {  	_ =	strace $0x8000004A;
	s8 =	sshrl.u32 s8, $0x2;
	s7 =	sshrl.u32 s7, $0x3  }
0x8: {  	s6 =	sadd.s32 $0x15E00, s1;
	s1 =	sadd.s32 s7, s1;
	s7 =	sadd.s32 s8, s3  }
0x9: {  	s21 =	ssub.s32 $0x2, s2;
	s2 =	sshll.u32 s2, $0x4;
	s22 =	sadd.s32 $0x2800, s7  }
0xa: {  	s9 =	sshrl.u32 s21, $0x1;
	s23 =	sadd.s32 $0x5000, s7;
	[dreg:$0x4] =	wrdreg s22  }
0xb: {  	s2 =	sor.u32 s10, s2;
	s24 =	sadd.s32 $0x7800, s7;
	[dreg:$0x5] =	wrdreg s23  }
0xc: {  	s9 =	ssub.s32 s21, s9;
	s25 =	sadd.s32 $0xA000, s7;
	[dreg:$0x6] =	wrdreg s24  }
0xd: {  	s8 =	smul.u32 $0x5000, s2;
	s26 =	sadd.s32 $0xC800, s7;
	[dreg:$0x7] =	wrdreg s25  }
0xe: {  	s21 =	simm.s32 $0x3;
	s29 =	sadd.s32 $0xF000, s7;
	[dreg:$0x8] =	wrdreg s26  }
0xf: {  	s30 =	sadd.s32 $0x11800, s7;
	s28 =	sshrl.u32 s8, $0x3;
	[dreg:$0x9] =	wrdreg s29  }
0x10: {  	s19 =	smax.u32 s9, $0x1;
	[dreg:$0xa] =	wrdreg s30;
	s31 =	sadd.s32 s5, s28  }
0x11: {  	s18 =	sadd.s32 $0x29E00, s1;
	s2 =	sadd.s32 s6, s28;
	[dreg:$0xb] =	wrdreg s31  }
0x12: {  	v0 =	vimm.f32 $0.0e+00;
	s23 =	simm.s32 $0x50;
	s24 =	simm.s32 $0x1;
	[dreg:$0xc] =	wrdreg s2  }
.LBB2_1:
0x13: {  	s1 =	simm.s32 $0x0;
	s2 =	simm.s32 $0x200  }
.LBB2_2:
0x14: {  	p0 =	sne.s32 s2, $0x9E00;
	[tilespmem:s1+$0x2070] =	vst v0  }
0x15: {  	[tilespmem:s1+$0x2000] =	vst v0  }
0x16: {  	[tilespmem:s1+$0x2010] =	vst v0  }
.Ltmp0:
0x17: {  	[tilespmem:s1+$0x2020] =	vst v0;
	(pc) =	sbr.rel @p0 .LBB2_2-.Ltmp0, $4  }
0x18: {  	[tilespmem:s1+$0x2030] =	vst v0  }
0x19: {  	[tilespmem:s1+$0x2040] =	vst v0  }
0x1a: {  	[tilespmem:s1+$0x2050] =	vst v0  }
0x1b: {  	[tilespmem:s1+$0x2060] =	vst v0;
	s1 =	sshra.s32 s2, $0x2;
	s2 =	sadd.s32 $0x200, s2  }
0x1c: {  	[tilespmem:s1+$0x2070] =	vst v0  }
0x1d: {  	[tilespmem:s1+$0x2000] =	vst v0  }
0x1e: {  	[tilespmem:s1+$0x2010] =	vst v0  }
0x1f: {  	[tilespmem:s1+$0x2020] =	vst v0  }
0x20: {  	[tilespmem:s1+$0x2030] =	vst v0  }
0x21: {  	[tilespmem:s1+$0x2040] =	vst v0  }
0x22: {  	[tilespmem:s1+$0x2050] =	vst v0  }
0x23: {  	[tilespmem:s1+$0x2060] =	vst v0  }
0x24: {  	[spmem:s7] =	stream.linear.scatter [tilespmem:s20], [sflag:$0x3], $0x2800, $0x38;
	[tilespmem:$0x1B000] =	vst v63  }
0x25: {  	_ =	swait.ge [sflag:s21], $0x2800  }
0x26: {  	[sflag:s21] =	ssyncset.done $0x0  }
0x27: {  	s17 =	rddreg [dreg:$0x4];
	[sflag:s21] =	ssyncadd.s32 $0xFFFFD800  }
0x28: {  	[spmem:s17] =	stream.linear.scatter [tilespmem:s20], [sflag:$0x3], $0x2800, $0x38;
	[tilespmem:$0x1B000] =	vst v63  }
0x29: {  	_ =	swait.ge [sflag:s21], $0x2800  }
0x2a: {  	[sflag:s21] =	ssyncset.done $0x0  }
0x2b: {  	s22 =	rddreg [dreg:$0x5];
	[sflag:s21] =	ssyncadd.s32 $0xFFFFD800  }
0x2c: {  	[spmem:s22] =	stream.linear.scatter [tilespmem:s20], [sflag:$0x3], $0x2800, $0x38;
	[tilespmem:$0x1B000] =	vst v63  }
0x2d: {  	_ =	swait.ge [sflag:s21], $0x2800  }
0x2e: {  	[sflag:s21] =	ssyncset.done $0x0  }
0x2f: {  	s25 =	rddreg [dreg:$0x6];
	[sflag:s21] =	ssyncadd.s32 $0xFFFFD800  }
0x30: {  	[spmem:s25] =	stream.linear.scatter [tilespmem:s20], [sflag:$0x3], $0x2800, $0x38;
	[tilespmem:$0x1B000] =	vst v63  }
0x31: {  	_ =	swait.ge [sflag:s21], $0x2800  }
0x32: {  	[sflag:s21] =	ssyncset.done $0x0  }
0x33: {  	s26 =	rddreg [dreg:$0x7];
	[sflag:s21] =	ssyncadd.s32 $0xFFFFD800  }
0x34: {  	[spmem:s26] =	stream.linear.scatter [tilespmem:s20], [sflag:$0x3], $0x2800, $0x38;
	[tilespmem:$0x1B000] =	vst v63  }
0x35: {  	_ =	swait.ge [sflag:s21], $0x2800  }
0x36: {  	[sflag:s21] =	ssyncset.done $0x0  }
0x37: {  	s2 =	rddreg [dreg:$0x8];
	[sflag:s21] =	ssyncadd.s32 $0xFFFFD800  }
0x38: {  	[spmem:s2] =	stream.linear.scatter [tilespmem:s20], [sflag:$0x3], $0x2800, $0x38;
	[tilespmem:$0x1B000] =	vst v63  }
0x39: {  	_ =	swait.ge [sflag:s21], $0x2800  }
0x3a: {  	[sflag:s21] =	ssyncset.done $0x0  }
0x3b: {  	s9 =	rddreg [dreg:$0x9];
	[sflag:s21] =	ssyncadd.s32 $0xFFFFD800  }
0x3c: {  	[spmem:s9] =	stream.linear.scatter [tilespmem:s20], [sflag:$0x3], $0x2800, $0x38;
	[tilespmem:$0x1B000] =	vst v63  }
0x3d: {  	_ =	swait.ge [sflag:s21], $0x2800  }
0x3e: {  	[sflag:s21] =	ssyncset.done $0x0  }
0x3f: {  	s10 =	rddreg [dreg:$0xa];
	[sflag:s21] =	ssyncadd.s32 $0xFFFFD800  }
0x40: {  	[spmem:s10] =	stream.linear.scatter [tilespmem:s20], [sflag:$0x3], $0x2800, $0x38;
	[tilespmem:$0x1B000] =	vst v63  }
0x41: {  	_ =	swait.ge [sflag:s21], $0x2800  }
0x42: {  	[sflag:s21] =	ssyncset.done $0x0  }
0x43: {  	[sflag:s21] =	ssyncadd.s32 $0xFFFFD800  }
0x44: {  	[bflag:$0x0] =	sbarrier.arrive $0xFFFF  }
0x45: {  	s11 =	simm.s32 $0x0;
	s2 =	rddreg [dreg:$0xb]  }
0x46: {  	[tilespmem:s11], [sflag:$0x3] =	stream.linear.gather [hbm4b:s2+s11], $0xC80, $0x38;
	[tilespmem:$0x1B000] =	vst v63  }
0x47: {  	s1 =	sshllo.u32 s11, $0x1;
	_ =	swait.ge [sflag:s21], $0xC80  }
0x48: {  	s14 =	simm.s32 $0x0;
	s13 =	sand.u32 $0xFF, s1;
	[sflag:s21] =	ssyncset.done $0x0  }
0x49: {  	s9 =	simm.s32 $0x1000;
	s12 =	rddreg [dreg:$0xc];
	[sflag:s21] =	ssyncadd.s32 $0xFFFFF380  }
0x4a: {  	[tilespmem:s9], [sflag:$0x3] =	stream.linear.gather [hbm4b:s12+s11], $0xC80, $0x38;
	[tilespmem:$0x1B000] =	vst v63  }
0x4b: {  	s2 =	smul.u32 $0x29, s13;
	s9 =	sand.u32 $0xFF, s14  }
0x4c: {  	_ =	swait.ge [sflag:s21], $0xC80;
	s9 =	smul.u32 $0x29, s9  }
0x4d: {  	s10 =	simm.s32 $0x2;
	s2 =	sshrl.u32 s2, $0xA;
	[sflag:s21] =	ssyncset.done $0x0  }
0x4e: {  	s12 =	smul.u32 $0x19, s2;
	[sflag:s21] =	ssyncadd.s32 $0xFFFFF380;
	s9 =	sshrl.u32 s9, $0xA  }
0x4f: {  	[tilespmem:s20], [sflag:$0x1] =	stream.indirect.gather [hbm4b:s0+s23], $0x80, s11, s23, $0xb8;
	[tilespmem:$0x1B000] =	vst v63  }
0x50: {  	s29 =	simm.s32 $0x4;
	s11 =	sand.u32 $0xFF, s10;
	s9 =	smul.u32 $0x19, s9  }
0x51: {  	s26 =	simm.s32 $0x2;
	s13 =	simm.s32 $0x1;
	s11 =	smul.u32 $0x29, s11  }
0x52: {  	s28 =	sshllo.u32 s13, $0x1;
	s1 =	ssub.s32 s1, s12;
	s15 =	ssub.s32 $0x0, s9  }
0x53: {  	s9 =	sand.u32 $0xFF, s1;
	s11 =	sshrl.u32 s11, $0xA;
	s16 =	sand.u32 $0xDF, s15  }
0x54: {  	p0 =	seq.s32 s9, $0x0;
	p1 =	sne.s32 s9, $0x0;
	s11 =	smul.u32 $0x19, s11  }
0x55: {  	s12 =	sshll.u32 @!p0 s9, $0x7;
	s14 =	simm.s32 @!p0 $0x50;
	s15 =	simm.s32 @!p0 $0x4800  }
0x56: {  	[tilespmem:s15], [sflag:$0x2] =	stream.indirect.gather @!p0 [hbm4b:s0+s14], $0x80, s12, s14, $0xb8;
	[tilespmem:$0x1B000] =	vst v63  }
0x57: {  	s1 =	sshll.u32 s16, $0x7;
	s2 =	sshll.u32 @!p1 s2, $0xC;
	_ =	swait.ge [sflag:s24], $0x2800  }
0x58: {  	s13 =	simm.s32 @!p1 $0x4800;
	s16 =	simm.s32 @!p1 $0x3;
	[sflag:s24] =	ssyncset.done $0x0  }
0x59: {  	s22 =	simm.s32 @!p1 $0x1000;
	s1 =	sor.u32 $0x1000, s1;
	[sflag:s24] =	ssyncadd.s32 $0xFFFFD800  }
0x5a: {  	[spmem:s3] =	stream.indirect.scatter.add.f32 [tilespmem:s20], [sflag:$0x3], $0x80, s1, s23, $0xb8;
	[tilespmem:$0x1B000] =	vst v63  }
0x5b: {  	s2 =	sadd.s32 @!p1 s8, s2;
	s12 =	simm.s32 @!p1 $0x0;
	_ =	swait.ge [sflag:s21], $0x2800  }
0x5c: {  	s11 =	ssub.s32 $0x2, s11;
	s2 =	sshrl.u32 @!p1 s2, $0x3;
	[sflag:s21] =	ssyncset.done $0x0  }
0x5d: {  	s17 =	sand.u32 $0xFF, s11;
	s1 =	sadd.s32 @!p1 s5, s2;
	[sflag:s21] =	ssyncadd.s32 $0xFFFFD800  }
0x5e: {  	[tilespmem:s12], [sflag:$0x3] =	stream.linear.gather @!p1 [hbm4b:s1+s12], $0xC80, $0x38;
	[tilespmem:$0x1B000] =	vst v63  }
0x5f: {  	s14 =	sand.u32 $0xFF, s28;
	p0 =	seq.s32 s17, $0x0;
	_ =	swait.ge @!p1 [sflag:s16], $0xC80  }
0x60: {  	s17 =	sand.u32 $0xFF, s29;
	s2 =	sadd.s32 @!p1 s6, s2;
	[sflag:s16] =	ssyncset.done @!p1 $0x0  }
0x61: {  	s30 =	simm.s32 @!p0 $0x3;
	s31 =	simm.s32 @!p0 $0x2;
	[sflag:s16] =	ssyncadd.s32 @!p1 $0xFFFFF380  }
0x62: {  	[tilespmem:s22], [sflag:$0x3] =	stream.linear.gather @!p1 [hbm4b:s2+s12], $0xC80, $0x38;
	[tilespmem:$0x1B000] =	vst v63  }
0x63: {  	s25 =	simm.s32 @p0 $0x2;
	s1 =	sshll.u32 @p0 s9, $0x7;
	_ =	swait.ge @!p1 [sflag:s16], $0xC80  }
0x64: {  	s15 =	sadd.s32 @p0 $0x1000, s1;
	s2 =	sand.u32 @p0 $0xFF, s10;
	[sflag:s16] =	ssyncset.done @!p1 $0x0  }
0x65: {  	s10 =	simm.s32 @!p1 $0x50;
	s2 =	smul.u32 @p0 $0xA4, s2;
	[sflag:s16] =	ssyncadd.s32 @!p1 $0xFFFFF380  }
0x66: {  	[tilespmem:s13], [sflag:$0x2] =	stream.indirect.gather @!p1 [hbm4b:s0+s10], $0x80, s12, s10, $0xb8;
	[tilespmem:$0x1B000] =	vst v63  }
0x67: {  	s22 =	sand.u32 @!p0 $0xFF, s11;
	s11 =	simm.s32 @p0 $0x3;
	_ =	swait.ge @p0 [sflag:s25], $0x2800  }
0x68: {  	s2 =	sand.u32 @p0 $0xF000, s2;
	s12 =	simm.s32 @p0 $0x4800;
	[sflag:s25] =	ssyncset.done @p0 $0x0  }
0x69: {  	s10 =	simm.s32 @p0 $0x50;
	s2 =	sadd.s32 @p0 s8, s2;
	[sflag:s25] =	ssyncadd.s32 @p0 $0xFFFFD800  }
0x6a: {  	[spmem:s3] =	stream.indirect.scatter.add.f32 @p0 [tilespmem:s12], [sflag:$0x3], $0x80, s15, s10, $0xb8;
	[tilespmem:$0x1B000] =	vst v63  }
0x6b: {  	s1 =	simm.s32 @p0 $0x2000;
	s2 =	sshrl.u32 @p0 s2, $0x3;
	_ =	swait.ge @p0 [sflag:s11], $0x2800  }
0x6c: {  	s13 =	sadd.s32 @p0 s5, s2;
	s15 =	sadd.s32 @p0 s6, s2;
	[sflag:s11] =	ssyncset.done @p0 $0x0  }
0x6d: {  	s2 =	simm.s32 $0x2;
	s12 =	simm.s32 @p0 $0x0;
	[sflag:s11] =	ssyncadd.s32 @p0 $0xFFFFD800  }
0x6e: {  	[tilespmem:s12], [sflag:$0x3] =	stream.linear.gather @p0 [hbm4b:s13+s12], $0xC80, $0x38;
	[tilespmem:$0x1B000] =	vst v63  }
0x6f: {  	s22 =	sshll.u32 @!p0 s22, $0x7;
	s25 =	sand.u32 $0xFF, s2;
	_ =	swait.ge @p0 [sflag:s11], $0xC80  }
0x70: {  	s16 =	smul.u32 $0x29, s25;
	s13 =	sshll.u32 @!p0 s9, $0x7;
	[sflag:s11] =	ssyncset.done @p0 $0x0  }
0x71: {  	s9 =	smul.u32 $0x29, s14;
	s14 =	simm.s32 @p0 $0x1000;
	[sflag:s11] =	ssyncadd.s32 @p0 $0xFFFFF380  }
0x72: {  	[tilespmem:s14], [sflag:$0x3] =	stream.linear.gather @p0 [hbm4b:s15+s12], $0xC80, $0x38;
	[tilespmem:$0x1B000] =	vst v63  }
0x73: {  	s25 =	smul.u32 $0x29, s17;
	s9 =	sshrl.u32 s9, $0xA;
	s14 =	sshrl.u32 s16, $0xA  }
0x74: {  	s16 =	smul.u32 $0x19, s9;
	s15 =	simm.s32 @!p0 $0x2000;
	_ =	swait.ge @p0 [sflag:s11], $0xC80  }
.LBB2_4:
0x75: {  	s14 =	smul.u32 $0x19, s14;
	[sflag:s11] =	ssyncset.done @p0 $0x0;
	s17 =	simm.s32 @!p0 $0x50  }
0x76: {  	s25 =	sshrl.u32 s25, $0xA;
	s16 =	ssub.s32 s28, s16;
	[sflag:s11] =	ssyncadd.s32 @p0 $0xFFFFF380  }
0x77: {  	[tilespmem:s1], [sflag:$0x1] =	stream.indirect.gather @p0 [hbm4b:s0+s10], $0x80, s12, s10, $0xb8;
	[tilespmem:$0x1B000] =	vst v63  }
0x78: {  	s11 =	sadd.s32 @!p0 $0x1000, s13;
	s1 =	ssub.s32 s2, s14;
	s10 =	smul.u32 $0x19, s25  }
0x79: {  	s2 =	smov.u32 s26;
	s26 =	sadd.s32 $0x1, s26;
	s1 =	sand.u32 $0xDF, s1  }
0x7a: {  	p1 =	sne.s32 s26, $0x3E;
	s1 =	sshll.u32 s1, $0x7;
	s10 =	ssub.s32 s29, s10  }
0x7b: {  	[tilespmem:s15], [sflag:$0x1] =	stream.indirect.gather @!p0 [hbm4b:s0+s17], $0x80, s22, s17, $0xb8;
	[tilespmem:$0x1B000] =	vst v63  }
0x7c: {  	s25 =	sand.u32 $0xFF, s16;
	_ =	swait.ge @!p0 [sflag:s31], $0x2800  }
0x7d: {  	p3 =	seq.s32 s25, $0x0;
	[sflag:s31] =	ssyncset.done @!p0 $0x0  }
0x7e: {  	s12 =	simm.s32 @!p0 $0x4800;
	[sflag:s31] =	ssyncadd.s32 @!p0 $0xFFFFD800  }
0x7f: {  	[spmem:s3] =	stream.indirect.scatter.add.f32 @!p0 [tilespmem:s12], [sflag:$0x3], $0x80, s11, s17, $0xb8;
	[tilespmem:$0x1B000] =	vst v63  }
0x80: {  	p2 =	sne.s32 s25, $0x0;
	_ =	swait.ge @!p0 [sflag:s30], $0x2800  }
0x81: {  	s11 =	sshll.u32 @!p3 s25, $0x7;
	s12 =	simm.s32 @!p3 $0x50;
	[sflag:s30] =	ssyncset.done @!p0 $0x0  }
0x82: {  	s28 =	sshllo.u32 s2, $0x1;
	s13 =	simm.s32 @!p3 $0x4800;
	[sflag:s30] =	ssyncadd.s32 @!p0 $0xFFFFD800  }
0x83: {  	[tilespmem:s13], [sflag:$0x2] =	stream.indirect.gather @!p3 [hbm4b:s0+s12], $0x80, s11, s12, $0xb8;
	[tilespmem:$0x1B000] =	vst v63  }
0x84: {  	s9 =	sshll.u32 @!p2 s9, $0xC;
	s1 =	sor.u32 $0x1000, s1;
	_ =	swait.ge [sflag:s24], $0x2800  }
0x85: {  	s2 =	sshll.u32 s2, $0x1;
	s11 =	sadd.s32 @!p2 s8, s9;
	[sflag:s24] =	ssyncset.done $0x0  }
0x86: {  	s9 =	sand.u32 $0xFF, s28;
	s11 =	sshrl.u32 @!p2 s11, $0x3;
	[sflag:s24] =	ssyncadd.s32 $0xFFFFD800  }
0x87: {  	[spmem:s3] =	stream.indirect.scatter.add.f32 [tilespmem:s20], [sflag:$0x3], $0x80, s1, s23, $0xb8;
	[tilespmem:$0x1B000] =	vst v63  }
0x88: {  	s12 =	simm.s32 @!p2 $0x0;
	s1 =	sadd.s32 @!p2 s5, s11;
	_ =	swait.ge [sflag:s21], $0x2800  }
0x89: {  	s14 =	sand.u32 $0xFF, s10;
	s13 =	simm.s32 @!p2 $0x4800;
	[sflag:s21] =	ssyncset.done $0x0  }
0x8a: {  	s15 =	simm.s32 @!p2 $0x3;
	s11 =	sadd.s32 @!p2 s6, s11;
	[sflag:s21] =	ssyncadd.s32 $0xFFFFD800  }
0x8b: {  	[tilespmem:s12], [sflag:$0x3] =	stream.linear.gather @!p2 [hbm4b:s1+s12], $0xC80, $0x38;
	[tilespmem:$0x1B000] =	vst v63  }
0x8c: {  	s16 =	simm.s32 @!p2 $0x1000;
	p0 =	seq.s32 s14, $0x0;
	_ =	swait.ge @!p2 [sflag:s15], $0xC80  }
0x8d: {  	s30 =	simm.s32 @!p0 $0x3;
	s1 =	sshll.u32 @p0 s25, $0x7;
	[sflag:s15] =	ssyncset.done @!p2 $0x0  }
0x8e: {  	s31 =	simm.s32 @!p0 $0x2;
	s14 =	sadd.s32 @p0 $0x1000, s1;
	s1 =	simm.s32 @p0 $0x2000  }
0x8f: {  	s17 =	sand.u32 @p0 $0xFF, s29;
	s10 =	sand.u32 @!p0 $0xFF, s10;
	[sflag:s15] =	ssyncadd.s32 @!p2 $0xFFFFF380  }
0x90: {  	[tilespmem:s16], [sflag:$0x3] =	stream.linear.gather @!p2 [hbm4b:s11+s12], $0xC80, $0x38;
	[tilespmem:$0x1B000] =	vst v63  }
0x91: {  	s11 =	simm.s32 @!p2 $0x50;
	s16 =	smul.u32 @p0 $0xA4, s17;
	_ =	swait.ge @!p2 [sflag:s15], $0xC80  }
0x92: {  	s22 =	sshll.u32 @!p0 s10, $0x7;
	s17 =	simm.s32 @p0 $0x2;
	[sflag:s15] =	ssyncset.done @!p2 $0x0  }
0x93: {  	s16 =	sand.u32 @p0 $0xF000, s16;
	[sflag:s15] =	ssyncadd.s32 @!p2 $0xFFFFF380;
	s15 =	simm.s32 @p0 $0x4800  }
0x94: {  	[tilespmem:s13], [sflag:$0x2] =	stream.indirect.gather @!p2 [hbm4b:s0+s11], $0x80, s12, s11, $0xb8;
	[tilespmem:$0x1B000] =	vst v63  }
0x95: {  	s10 =	simm.s32 @p0 $0x50;
	s12 =	sadd.s32 @p0 s8, s16;
	_ =	swait.ge @p0 [sflag:s17], $0x2800  }
0x96: {  	s11 =	simm.s32 @p0 $0x3;
	s12 =	sshrl.u32 @p0 s12, $0x3;
	[sflag:s17] =	ssyncset.done @p0 $0x0  }
0x97: {  	s16 =	sadd.s32 @p0 s5, s12;
	[sflag:s17] =	ssyncadd.s32 @p0 $0xFFFFD800;
	s17 =	sadd.s32 @p0 s6, s12  }
0x98: {  	[spmem:s3] =	stream.indirect.scatter.add.f32 @p0 [tilespmem:s15], [sflag:$0x3], $0x80, s14, s10, $0xb8;
	[tilespmem:$0x1B000] =	vst v63  }
0x99: {  	s29 =	sadd.s32 $0x2, s2;
	s12 =	simm.s32 @p0 $0x0;
	_ =	swait.ge @p0 [sflag:s11], $0x2800  }
0x9a: {  	s9 =	smul.u32 $0x29, s9;
	s13 =	sand.u32 $0xFF, s2;
	[sflag:s11] =	ssyncset.done @p0 $0x0  }
0x9b: {  	s14 =	smul.u32 $0x29, s13;
	s13 =	sshll.u32 @!p0 s25, $0x7;
	[sflag:s11] =	ssyncadd.s32 @p0 $0xFFFFD800  }
0x9c: {  	[tilespmem:s12], [sflag:$0x3] =	stream.linear.gather @p0 [hbm4b:s16+s12], $0xC80, $0x38;
	[tilespmem:$0x1B000] =	vst v63  }
.Ltmp1:
0x9d: {  	s15 =	sand.u32 $0xFF, s29;
	_ =	swait.ge @p0 [sflag:s11], $0xC80;
	(pc) =	sbr.rel @p1 .LBB2_4-.Ltmp1, $4  }
0x9e: {  	s25 =	smul.u32 $0x29, s15;
	s14 =	sshrl.u32 s14, $0xA;
	[sflag:s11] =	ssyncset.done @p0 $0x0  }
0x9f: {  	s9 =	sshrl.u32 s9, $0xA;
	s15 =	simm.s32 @p0 $0x1000;
	[sflag:s11] =	ssyncadd.s32 @p0 $0xFFFFF380  }
0xa0: {  	[tilespmem:s15], [sflag:$0x3] =	stream.linear.gather @p0 [hbm4b:s17+s12], $0xC80, $0x38;
	[tilespmem:$0x1B000] =	vst v63  }
0xa1: {  	s16 =	smul.u32 $0x19, s9;
	s15 =	simm.s32 @!p0 $0x2000;
	_ =	swait.ge @p0 [sflag:s11], $0xC80  }
0xa2: {  	[sflag:s11] =	ssyncset.done @p0 $0x0  }
0xa3: {  	[sflag:s11] =	ssyncadd.s32 @p0 $0xFFFFF380  }
0xa4: {  	[tilespmem:s1], [sflag:$0x1] =	stream.indirect.gather @p0 [hbm4b:s0+s10], $0x80, s12, s10, $0xb8;
	[tilespmem:$0x1B000] =	vst v63  }
0xa5: {  	s1 =	simm.s32 @!p0 $0x50  }
0xa6: {  	[tilespmem:s15], [sflag:$0x1] =	stream.indirect.gather @!p0 [hbm4b:s0+s1], $0x80, s22, s1, $0xb8;
	[tilespmem:$0x1B000] =	vst v63  }
0xa7: {  	_ =	swait.ge @!p0 [sflag:s31], $0x2800  }
0xa8: {  	s11 =	simm.s32 @!p0 $0x4800;
	[sflag:s31] =	ssyncset.done @!p0 $0x0  }
0xa9: {  	s17 =	ssub.s32 s28, s16;
	s10 =	sadd.s32 @!p0 $0x1000, s13;
	[sflag:s31] =	ssyncadd.s32 @!p0 $0xFFFFD800  }
0xaa: {  	[spmem:s3] =	stream.indirect.scatter.add.f32 @!p0 [tilespmem:s11], [sflag:$0x3], $0x80, s10, s1, $0xb8;
	[tilespmem:$0x1B000] =	vst v63  }
0xab: {  	s22 =	smul.u32 $0x19, s14;
	s1 =	sand.u32 $0xFF, s17  }
0xac: {  	p1 =	seq.s32 s1, $0x0;
	_ =	swait.ge @!p0 [sflag:s30], $0x2800  }
0xad: {  	s2 =	ssub.s32 s2, s22;
	s11 =	sshll.u32 @!p1 s1, $0x7;
	[sflag:s30] =	ssyncset.done @!p0 $0x0  }
0xae: {  	s12 =	simm.s32 @!p1 $0x50;
	s13 =	simm.s32 @!p1 $0x4800;
	[sflag:s30] =	ssyncadd.s32 @!p0 $0xFFFFD800  }
0xaf: {  	[tilespmem:s13], [sflag:$0x2] =	stream.indirect.gather @!p1 [hbm4b:s0+s12], $0x80, s11, s12, $0xb8;
	[tilespmem:$0x1B000] =	vst v63  }
0xb0: {  	s26 =	sshrl.u32 s25, $0xA;
	s2 =	sand.u32 $0xDF, s2;
	_ =	swait.ge [sflag:s24], $0x2800  }
0xb1: {  	s2 =	sshll.u32 s2, $0x7;
	p1 =	sne.s32 s1, $0x0;
	[sflag:s24] =	ssyncset.done $0x0  }
0xb2: {  	s2 =	sor.u32 $0x1000, s2;
	s9 =	sshll.u32 @!p1 s9, $0xC;
	[sflag:s24] =	ssyncadd.s32 $0xFFFFD800  }
0xb3: {  	[spmem:s3] =	stream.indirect.scatter.add.f32 [tilespmem:s20], [sflag:$0x3], $0x80, s2, s23, $0xb8;
	[tilespmem:$0x1B000] =	vst v63  }
0xb4: {  	s11 =	simm.s32 @!p1 $0x0;
	s9 =	sadd.s32 @!p1 s8, s9;
	_ =	swait.ge [sflag:s21], $0x2800  }
0xb5: {  	s12 =	simm.s32 @!p1 $0x3;
	s9 =	sshrl.u32 @!p1 s9, $0x3;
	[sflag:s21] =	ssyncset.done $0x0  }
0xb6: {  	s2 =	smul.u32 $0x19, s26;
	s10 =	sadd.s32 @!p1 s5, s9;
	[sflag:s21] =	ssyncadd.s32 $0xFFFFD800  }
0xb7: {  	[tilespmem:s11], [sflag:$0x3] =	stream.linear.gather @!p1 [hbm4b:s10+s11], $0xC80, $0x38;
	[tilespmem:$0x1B000] =	vst v63  }
0xb8: {  	_ =	swait.ge @!p1 [sflag:s12], $0xC80  }
0xb9: {  	s9 =	sadd.s32 @!p1 s6, s9;
	s2 =	ssub.s32 s29, s2;
	[sflag:s12] =	ssyncset.done @!p1 $0x0  }
0xba: {  	s28 =	sand.u32 $0xFF, s2;
	s10 =	simm.s32 @!p1 $0x1000;
	[sflag:s12] =	ssyncadd.s32 @!p1 $0xFFFFF380  }
0xbb: {  	[tilespmem:s10], [sflag:$0x3] =	stream.linear.gather @!p1 [hbm4b:s9+s11], $0xC80, $0x38;
	[tilespmem:$0x1B000] =	vst v63  }
0xbc: {  	p0 =	seq.s32 s28, $0x0;
	_ =	swait.ge @!p1 [sflag:s12], $0xC80  }
0xbd: {  	s13 =	simm.s32 @!p1 $0x50;
	s9 =	sand.u32 @p0 $0xFF, s29;
	[sflag:s12] =	ssyncset.done @!p1 $0x0  }
0xbe: {  	s10 =	simm.s32 @!p1 $0x4800;
	s9 =	smul.u32 @p0 $0xA4, s9;
	[sflag:s12] =	ssyncadd.s32 @!p1 $0xFFFFF380  }
0xbf: {  	[tilespmem:s10], [sflag:$0x2] =	stream.indirect.gather @!p1 [hbm4b:s0+s13], $0x80, s11, s13, $0xb8;
	[tilespmem:$0x1B000] =	vst v63  }
0xc0: {  	s11 =	simm.s32 @p0 $0x2  }
0xc1: {  	s12 =	simm.s32 @p0 $0x4800;
	s9 =	sand.u32 @p0 $0xF000, s9;
	_ =	swait.ge @p0 [sflag:s11], $0x2800  }
0xc2: {  	s10 =	sshll.u32 @p0 s1, $0x7;
	s13 =	simm.s32 @p0 $0x50;
	[sflag:s11] =	ssyncset.done @p0 $0x0  }
0xc3: {  	s10 =	sadd.s32 @p0 $0x1000, s10;
	[sflag:s11] =	ssyncadd.s32 @p0 $0xFFFFD800;
	s11 =	simm.s32 @p0 $0x3  }
0xc4: {  	[spmem:s3] =	stream.indirect.scatter.add.f32 @p0 [tilespmem:s12], [sflag:$0x3], $0x80, s10, s13, $0xb8;
	[tilespmem:$0x1B000] =	vst v63  }
0xc5: {  	s9 =	sadd.s32 @p0 s8, s9;
	_ =	swait.ge @p0 [sflag:s11], $0x2800  }
0xc6: {  	s9 =	sshrl.u32 @p0 s9, $0x3;
	[sflag:s11] =	ssyncset.done @p0 $0x0  }
0xc7: {  	s10 =	sadd.s32 @p0 s5, s9;
	s12 =	simm.s32 @p0 $0x0;
	[sflag:s11] =	ssyncadd.s32 @p0 $0xFFFFD800  }
0xc8: {  	[tilespmem:s12], [sflag:$0x3] =	stream.linear.gather @p0 [hbm4b:s10+s12], $0xC80, $0x38;
	[tilespmem:$0x1B000] =	vst v63  }
0xc9: {  	_ =	swait.ge @p0 [sflag:s11], $0xC80  }
0xca: {  	[sflag:s11] =	ssyncset.done @p0 $0x0  }
0xcb: {  	s9 =	sadd.s32 @p0 s6, s9;
	s10 =	simm.s32 @p0 $0x1000;
	[sflag:s11] =	ssyncadd.s32 @p0 $0xFFFFF380  }
0xcc: {  	[tilespmem:s10], [sflag:$0x3] =	stream.linear.gather @p0 [hbm4b:s9+s12], $0xC80, $0x38;
	[tilespmem:$0x1B000] =	vst v63  }
0xcd: {  	_ =	swait.ge @p0 [sflag:s11], $0xC80  }
0xce: {  	[sflag:s11] =	ssyncset.done @p0 $0x0  }
0xcf: {  	s2 =	sand.u32 @!p0 $0xFF, s2;
	s9 =	simm.s32 @p0 $0x2000;
	[sflag:s11] =	ssyncadd.s32 @p0 $0xFFFFF380  }
0xd0: {  	[tilespmem:s9], [sflag:$0x1] =	stream.indirect.gather @p0 [hbm4b:s0+s13], $0x80, s12, s13, $0xb8;
	[tilespmem:$0x1B000] =	vst v63  }
0xd1: {  	s2 =	sshll.u32 @!p0 s2, $0x7;
	s10 =	simm.s32 @!p0 $0x50;
	s9 =	simm.s32 @!p0 $0x2000  }
0xd2: {  	[tilespmem:s9], [sflag:$0x1] =	stream.indirect.gather @!p0 [hbm4b:s0+s10], $0x80, s2, s10, $0xb8;
	[tilespmem:$0x1B000] =	vst v63  }
0xd3: {  	s2 =	simm.s32 @!p0 $0x2  }
0xd4: {  	_ =	swait.ge @!p0 [sflag:s2], $0x2800  }
0xd5: {  	s1 =	sshll.u32 @!p0 s1, $0x7;
	[sflag:s2] =	ssyncset.done @!p0 $0x0  }
0xd6: {  	s1 =	sadd.s32 @!p0 $0x1000, s1;
	[sflag:s2] =	ssyncadd.s32 @!p0 $0xFFFFD800;
	s2 =	simm.s32 @!p0 $0x4800  }
0xd7: {  	[spmem:s3] =	stream.indirect.scatter.add.f32 @!p0 [tilespmem:s2], [sflag:$0x3], $0x80, s1, s10, $0xb8;
	[tilespmem:$0x1B000] =	vst v63  }
0xd8: {  	s1 =	simm.s32 @!p0 $0x3  }
0xd9: {  	_ =	swait.ge @!p0 [sflag:s1], $0x2800  }
0xda: {  	[sflag:s1] =	ssyncset.done @!p0 $0x0  }
0xdb: {  	[sflag:s1] =	ssyncadd.s32 @!p0 $0xFFFFD800  }
0xdc: {  	_ =	swait.ge [sflag:s24], $0x2800  }
0xdd: {  	[sflag:s24] =	ssyncset.done $0x0  }
0xde: {  	s29 =	simm.s32 $0x1C00;
	[sflag:s24] =	ssyncadd.s32 $0xFFFFD800  }
0xdf: {  	[spmem:s3] =	stream.indirect.scatter.add.f32 [tilespmem:s20], [sflag:$0x3], $0x80, s29, s23, $0xb8;
	[tilespmem:$0x1B000] =	vst v63  }
0xe0: {  	s4 =	sadd.s32 $0x1, s4;
	_ =	swait.ge [sflag:s21], $0x2800  }
0xe1: {  	s31 =	sshrl.u32 s7, $0x3;
	s30 =	stileid.u32;
	[sflag:s21] =	ssyncset.done $0x0  }
0xe2: {  	s1 =	sshll.u32 s30, $0x6;
	p0 =	sne.s32 s4, s19;
	[sflag:s21] =	ssyncadd.s32 $0xFFFFD800  }
.Ltmp2:
0xe3: {  	s1 =	sor.u32 $0x1C03, s1;
	[bflag:$0x0] =	sbarrier.arrive $0xFFFF;
	(pc) =	sbr.rel @p0 .LBB2_1-.Ltmp2, $4  }
0xe4: {  	[hbm:s18], [sflag:s1] =	dma.local [spmem:s31], $0x2800  }
0xe5: {  	_ =	swait.ge [sflag:s21], $0x2800  }
0xe6: {  	[sflag:s21] =	ssyncset.done $0x0  }
0xe7: {  	[sflag:s21] =	ssyncadd.s32 $0xFFFFD800  }
0xe8: {  	_ =	sfence.sel $0x180000  }
0xe9: {  	[bflag:$0x0] =	sbarrier.arrive $0xFFFF  }
0xea: {  	_ =	strace $0x9000004A  }
0xeb: {  	s0 =	stileid.u32;
	[bflag:$0x2] =	sbarrier.arrive $0xFFFF  }
0xec: {  	p0 =	sne.s32 s0, $0x0;
	s0 =	rddreg [dreg:$0x3]  }
0xed: {  	s0 =	sadd.s32 @!p0 $0x100000, s0  }
0xee: {  	[sflag:s0] =	ssyncadd.tile.s32 @!p0 $0x1;
	_ =	shalt  }
.Lfunc_end2:
_tile_overlayer_lowered:
.L_overlay_start_2:
0xef: {  	(tag) =	ssettag $0x2  }
0xf0: {  	s0 =	rddreg [dreg:$0x0];
	s2 =	stileid.u32  }
0xf1: {  	s1 =	rddreg [dreg:$0x1];
	p0 =	sne.s32 s2, $0x0  }
0xf2: {  	s3 =	rddreg [dreg:$0x2];
	[bflag:$0x3] =	sbarrier.arrive $0xFFFF;
	s2 =	simm.s32 @!p0 $0x1C03  }
0xf3: {  	[timem:s3], [sflag:s2] =	dma.local @!p0 [hbm:s0], s1  }
0xf4: {  	s0 =	simm.s32 @!p0 $0x3  }
0xf5: {  	_ =	swait.ge @!p0 [sflag:s0], s1  }
0xf6: {  	s1 =	ssub.s32 @!p0 $0x0, s1;
	[sflag:s0] =	ssyncset.done @!p0 $0x0  }
0xf7: {  	[sflag:s0] =	ssyncadd.s32 @!p0 s1  }
0xf8: {  	[bflag:$0x3] =	sbarrier.arrive $0xFFFF  }
0xf9: {  	_ =	shalt  }

</sc_bundles>
